<compile_context>
chip_gen: v7x
topology: tpu7x:2x2x1
jax: 0.10.2.dev20260603
libtpu: 0.0.44.dev20260713+nightly
codegen_flags: <defaults>
</compile_context>

<pallas_src>
import functools

import jax
import jax.numpy as jnp
from jax import lax
from jax.experimental import pallas as pl
from jax.experimental.pallas import tpu as pltpu
from jax.experimental.pallas import tpu_sc as plsc

B = 16384
F = 32
NC, NS, L = 2, 16, 16
NW = NC * NS
BPW = B // NW
W = 128
K = 8


def _mf_body(user_hbm, item_hbm, uft_hbm, ift_hbm, out_hbm,
             uidx_v, iidx_v, uwins, vwins, outv, sem):
    wid = lax.axis_index("s") * NC + lax.axis_index("c")
    base = wid * BPW

    pltpu.sync_copy(user_hbm.at[pl.ds(base, BPW)], uidx_v)
    pltpu.sync_copy(item_hbm.at[pl.ds(base, BPW)], iidx_v)

    iota = lax.iota(jnp.int32, L)

    def step(j, carry):
        uvec = uidx_v[pl.ds(j * L, L)]
        ivec = iidx_v[pl.ds(j * L, L)]
        uh = (uvec // W) * W
        ih = (ivec // W) * W
        uq = uvec - uh
        iq = ivec - ih
        res = jnp.zeros((L,), jnp.float32)
        for half in range(L // K):
            copies = []
            for k in range(K):
                lane = half * K + k
                copies.append(pltpu.async_copy(
                    uft_hbm.at[:, pl.ds(pl.multiple_of(uh[lane], W), W)],
                    uwins.at[k], sem))
                copies.append(pltpu.async_copy(
                    ift_hbm.at[:, pl.ds(pl.multiple_of(ih[lane], W), W)],
                    vwins.at[k], sem))
            for cp in copies:
                cp.wait()
            for k in range(K):
                lane = half * K + k
                slot = jnp.full((L,), k, jnp.int32)
                uql = jnp.full((L,), uq[lane], jnp.int32)
                iql = jnp.full((L,), iq[lane], jnp.int32)
                ulo = plsc.load_gather(uwins, [slot, iota, uql])
                uhi = plsc.load_gather(uwins, [slot, iota + L, uql])
                vlo = plsc.load_gather(vwins, [slot, iota, iql])
                vhi = plsc.load_gather(vwins, [slot, iota + L, iql])
                dot = jnp.sum(ulo * vlo + uhi * vhi, axis=0)
                res = jnp.where(iota == lane, dot, res)
        outv[pl.ds(j * L, L)] = res
        return carry

    lax.fori_loop(0, BPW // L, step, 0)

    pltpu.sync_copy(outv, out_hbm.at[pl.ds(base, BPW)])


_mf = functools.partial(
    pl.kernel,
    out_type=jax.ShapeDtypeStruct((B,), jnp.float32),
    mesh=plsc.VectorSubcoreMesh(core_axis_name="c", subcore_axis_name="s",
                                num_cores=NC, num_subcores=NS),
    compiler_params=pltpu.CompilerParams(needs_layout_passes=False),
    scratch_types=[
        pltpu.VMEM((BPW,), jnp.int32),
        pltpu.VMEM((BPW,), jnp.int32),
        pltpu.VMEM((K, F, W), jnp.float32),
        pltpu.VMEM((K, F, W), jnp.float32),
        pltpu.VMEM((BPW,), jnp.float32),
        pltpu.SemaphoreType.DMA,
    ],
)(_mf_body)


def kernel(user, item, user_factors, item_factors):
    return _mf(user.astype(jnp.int32), item.astype(jnp.int32),
               user_factors.T, item_factors.T)

# --- scband reference (transcript-rebuilt; emitter-appended) ---
"""Pipeline reference for scband-matrix-factorization-71691594105541 (READ-ONLY COPY).

The authoritative reference and input builder live on the scoring server;
editing this copy changes nothing except your own understanding.
"""

import jax, jax.numpy as jnp
import numpy as np

N_USERS = 1000000
N_ITEMS = 1000000
N_FACTORS = 32
BATCH = 16384

def setup_inputs(seed: int = 0) -> dict:
    key = jax.random.key(seed)
    k1, k2, k3, k4 = jax.random.split(key, 4)
    user = jax.random.randint(k1, (BATCH,), 0, N_USERS, dtype=jnp.int64 if jax.config.jax_enable_x64 else jnp.int32)
    item = jax.random.randint(k2, (BATCH,), 0, N_ITEMS, dtype=jnp.int64 if jax.config.jax_enable_x64 else jnp.int32)
    user_factors = jax.random.normal(k3, (N_USERS, N_FACTORS), dtype=jnp.float32)
    item_factors = jax.random.normal(k4, (N_ITEMS, N_FACTORS), dtype=jnp.float32)
    return {"user": user, "item": item, "user_factors": user_factors, "item_factors": item_factors}

def reference(user, item, user_factors, item_factors):
    # Faithful to: (self.user_factors(user) * self.item_factors(item)).sum(1)
    u = jnp.take(user_factors, user, axis=0)   # [B, F] embedding gather
    v = jnp.take(item_factors, item, axis=0)   # [B, F] embedding gather
    return (u * v).sum(axis=1)                  # [B]

if __name__ == "__main__":
    import jax
    _d = setup_inputs()
    print(jax.jit(kernel)(*tuple(_d.values())))

</pallas_src>

<mosaic_0001>
#map = affine_map<(d0, d1) -> (0)>
#map1 = affine_map<(d0, d1) -> (0, 0)>
module attributes {stable_mosaic.version = 14 : i64} {
  func.func @_mf_body(%arg0: i32, %arg1: i32, %arg2: memref<16384xi32, #tpu.memory_space<hbm>>, %arg3: memref<16384xi32, #tpu.memory_space<hbm>>, %arg4: memref<32x1000000xf32, #tpu.memory_space<hbm>>, %arg5: memref<32x1000000xf32, #tpu.memory_space<hbm>>, %arg6: memref<16384xf32, #tpu.memory_space<hbm>>, %arg7: memref<512xi32, #tpu.memory_space<vmem>>, %arg8: memref<512xi32, #tpu.memory_space<vmem>>, %arg9: memref<8x32x128xf32, #tpu.memory_space<vmem>>, %arg10: memref<8x32x128xf32, #tpu.memory_space<vmem>>, %arg11: memref<512xf32, #tpu.memory_space<vmem>>, %arg12: memref<!tpu.dma_semaphore, #tpu.memory_space<semaphore_mem>>) attributes {dimension_semantics = [#tpu.dimension_semantics<core_parallel>, #tpu.dimension_semantics<subcore_parallel>], iteration_bounds = array<i64: 2, 16>, scalar_prefetch = 0 : i64, scratch_operands = 6 : i64, tpu.core_type = #tpu.core_type<sc_vector_subcore>, window_params = [{transform_indices = #map}, {transform_indices = #map}, {transform_indices = #map1}, {transform_indices = #map1}, {transform_indices = #map}]} {
    %mul3A = arith.constant 2 : i32
    %mul3A_0 = arith.muli %arg1, %mul3A : i32
    %add3A = arith.addi %mul3A_0, %arg0 : i32
    %mul3A_1 = arith.constant 512 : i32
    %mul3A_2 = arith.muli %add3A, %mul3A_1 : i32
    "tpu.region"() ({
      %run_scoped3A = tpu.sem_alloc : memref<!tpu.dma_semaphore, #tpu.memory_space<semaphore_mem>>
      %dma_start3A = tpu.memref_slice %arg2[%mul3A_2] : memref<16384xi32, #tpu.memory_space<hbm>> -> memref<512xi32, #tpu.memory_space<hbm>>
      %dma_start3A_8 = tpu.memref_slice %arg2[%mul3A_2] : memref<16384xi32, #tpu.memory_space<hbm>> -> memref<512xi32, #tpu.memory_space<hbm>>
      tpu.enqueue_dma source(%dma_start3A_8 : memref<512xi32, #tpu.memory_space<hbm>>) target(%arg7 : memref<512xi32, #tpu.memory_space<vmem>>) target_semaphore(%run_scoped3A : memref<!tpu.dma_semaphore, #tpu.memory_space<semaphore_mem>>)
      %dma_wait3A = tpu.memref_slice %arg2[%mul3A_2] : memref<16384xi32, #tpu.memory_space<hbm>> -> memref<512xi32, #tpu.memory_space<hbm>>
      %dma_wait3A_9 = tpu.memref_slice %arg2[%mul3A_2] : memref<16384xi32, #tpu.memory_space<hbm>> -> memref<512xi32, #tpu.memory_space<hbm>>
      tpu.wait_dma2 semaphore(%run_scoped3A : memref<!tpu.dma_semaphore, #tpu.memory_space<semaphore_mem>>) src(%dma_wait3A_9 : memref<512xi32, #tpu.memory_space<hbm>>) dst(%arg7 : memref<512xi32, #tpu.memory_space<vmem>>)
      tpu.yield
    }) : () -> ()
    "tpu.region"() ({
      %run_scoped3A = tpu.sem_alloc : memref<!tpu.dma_semaphore, #tpu.memory_space<semaphore_mem>>
      %dma_start3A = tpu.memref_slice %arg3[%mul3A_2] : memref<16384xi32, #tpu.memory_space<hbm>> -> memref<512xi32, #tpu.memory_space<hbm>>
      %dma_start3A_8 = tpu.memref_slice %arg3[%mul3A_2] : memref<16384xi32, #tpu.memory_space<hbm>> -> memref<512xi32, #tpu.memory_space<hbm>>
      tpu.enqueue_dma source(%dma_start3A_8 : memref<512xi32, #tpu.memory_space<hbm>>) target(%arg8 : memref<512xi32, #tpu.memory_space<vmem>>) target_semaphore(%run_scoped3A : memref<!tpu.dma_semaphore, #tpu.memory_space<semaphore_mem>>)
      %dma_wait3A = tpu.memref_slice %arg3[%mul3A_2] : memref<16384xi32, #tpu.memory_space<hbm>> -> memref<512xi32, #tpu.memory_space<hbm>>
      %dma_wait3A_9 = tpu.memref_slice %arg3[%mul3A_2] : memref<16384xi32, #tpu.memory_space<hbm>> -> memref<512xi32, #tpu.memory_space<hbm>>
      tpu.wait_dma2 semaphore(%run_scoped3A : memref<!tpu.dma_semaphore, #tpu.memory_space<semaphore_mem>>) src(%dma_wait3A_9 : memref<512xi32, #tpu.memory_space<hbm>>) dst(%arg8 : memref<512xi32, #tpu.memory_space<vmem>>)
      tpu.yield
    }) : () -> ()
    %iota3A = tpu.iota {dimensions = array<i32: 0>} : vector<16xi32>
    %scan3A = arith.constant 0 : i32
    %scan3A_3 = arith.constant 0 : i32
    %scan3A_4 = arith.constant 32 : i32
    %scan3A_5 = arith.addi %scan3A_3, %scan3A_4 : i32
    %scan3A_6 = arith.constant 1 : i32
    scf.for %scan3A_8 = %scan3A_3 to %scan3A_5 step %scan3A_6  : i32 {
      %mul3A_9 = arith.constant 16 : i32
      %mul3A_10 = arith.muli %scan3A_8, %mul3A_9 : i32
      %get3A = arith.index_cast %mul3A_10 : i32 to index
      %get3A_11 = tpu.vector_load %arg7[%get3A] {strides = array<i32>} : memref<512xi32, #tpu.memory_space<vmem>>, vector<16xi32>,
      %mul3A_12 = arith.constant 16 : i32
      %mul3A_13 = arith.muli %scan3A_8, %mul3A_12 : i32
      %get3A_14 = arith.index_cast %mul3A_13 : i32 to index
      %get3A_15 = tpu.vector_load %arg8[%get3A_14] {strides = array<i32>} : memref<512xi32, #tpu.memory_space<vmem>>, vector<16xi32>,
      %jit3A = arith.constant 128 : i32
      %div3A = vector.broadcast %jit3A : i32 to vector<16xi32>
      %div3A_16 = arith.divsi %get3A_11, %div3A : vector<16xi32>
      %sign3A = arith.constant 0 : i32
      %sign3A_17 = vector.broadcast %sign3A : i32 to vector<16xi32>
      %sign3A_18 = arith.cmpi sgt, %get3A_11, %sign3A_17 : vector<16xi32>
      %sign3A_19 = arith.extui %sign3A_18 : vector<16xi1> to vector<16xi32>
      %sign3A_20 = arith.constant 0 : i32
      %sign3A_21 = vector.broadcast %sign3A_20 : i32 to vector<16xi32>
      %sign3A_22 = arith.cmpi slt, %get3A_11, %sign3A_21 : vector<16xi32>
      %sign3A_23 = arith.extui %sign3A_22 : vector<16xi1> to vector<16xi32>
      %sign3A_24 = arith.subi %sign3A_19, %sign3A_23 : vector<16xi32>
      %sign3A_25 = arith.constant 0 : i32
      %sign3A_26 = arith.cmpi sgt, %jit3A, %sign3A_25 : i32
      %sign3A_27 = arith.extui %sign3A_26 : i1 to i32
      %sign3A_28 = arith.constant 0 : i32
      %sign3A_29 = arith.cmpi slt, %jit3A, %sign3A_28 : i32
      %sign3A_30 = arith.extui %sign3A_29 : i1 to i32
      %sign3A_31 = arith.subi %sign3A_27, %sign3A_30 : i32
      %ne3A = vector.broadcast %sign3A_31 : i32 to vector<16xi32>
      %ne3A_32 = arith.cmpi ne, %sign3A_24, %ne3A : vector<16xi32>
      %rem3A = vector.broadcast %jit3A : i32 to vector<16xi32>
      %rem3A_33 = arith.remsi %get3A_11, %rem3A : vector<16xi32>
      %ne3A_34 = arith.constant 0 : i32
      %ne3A_35 = vector.broadcast %ne3A_34 : i32 to vector<16xi32>
      %ne3A_36 = arith.cmpi ne, %rem3A_33, %ne3A_35 : vector<16xi32>
      %and3A = arith.andi %ne3A_32, %ne3A_36 : vector<16xi1>
      %sub3A = arith.constant 1 : i32
      %sub3A_37 = vector.broadcast %sub3A : i32 to vector<16xi32>
      %sub3A_38 = arith.subi %div3A_16, %sub3A_37 : vector<16xi32>
      %select_n3A = arith.select %and3A, %sub3A_38, %div3A_16 : vector<16xi1>, vector<16xi32>
      %mul3A_39 = arith.constant 128 : i32
      %mul3A_40 = vector.broadcast %mul3A_39 : i32 to vector<16xi32>
      %mul3A_41 = arith.muli %select_n3A, %mul3A_40 : vector<16xi32>
      %jit3A_42 = arith.constant 128 : i32
      %div3A_43 = vector.broadcast %jit3A_42 : i32 to vector<16xi32>
      %div3A_44 = arith.divsi %get3A_15, %div3A_43 : vector<16xi32>
      %sign3A_45 = arith.constant 0 : i32
      %sign3A_46 = vector.broadcast %sign3A_45 : i32 to vector<16xi32>
      %sign3A_47 = arith.cmpi sgt, %get3A_15, %sign3A_46 : vector<16xi32>
      %sign3A_48 = arith.extui %sign3A_47 : vector<16xi1> to vector<16xi32>
      %sign3A_49 = arith.constant 0 : i32
      %sign3A_50 = vector.broadcast %sign3A_49 : i32 to vector<16xi32>
      %sign3A_51 = arith.cmpi slt, %get3A_15, %sign3A_50 : vector<16xi32>
      %sign3A_52 = arith.extui %sign3A_51 : vector<16xi1> to vector<16xi32>
      %sign3A_53 = arith.subi %sign3A_48, %sign3A_52 : vector<16xi32>
      %sign3A_54 = arith.constant 0 : i32
      %sign3A_55 = arith.cmpi sgt, %jit3A_42, %sign3A_54 : i32
      %sign3A_56 = arith.extui %sign3A_55 : i1 to i32
      %sign3A_57 = arith.constant 0 : i32
      %sign3A_58 = arith.cmpi slt, %jit3A_42, %sign3A_57 : i32
      %sign3A_59 = arith.extui %sign3A_58 : i1 to i32
      %sign3A_60 = arith.subi %sign3A_56, %sign3A_59 : i32
      %ne3A_61 = vector.broadcast %sign3A_60 : i32 to vector<16xi32>
      %ne3A_62 = arith.cmpi ne, %sign3A_53, %ne3A_61 : vector<16xi32>
      %rem3A_63 = vector.broadcast %jit3A_42 : i32 to vector<16xi32>
      %rem3A_64 = arith.remsi %get3A_15, %rem3A_63 : vector<16xi32>
      %ne3A_65 = arith.constant 0 : i32
      %ne3A_66 = vector.broadcast %ne3A_65 : i32 to vector<16xi32>
      %ne3A_67 = arith.cmpi ne, %rem3A_64, %ne3A_66 : vector<16xi32>
      %and3A_68 = arith.andi %ne3A_62, %ne3A_67 : vector<16xi1>
      %sub3A_69 = arith.constant 1 : i32
      %sub3A_70 = vector.broadcast %sub3A_69 : i32 to vector<16xi32>
      %sub3A_71 = arith.subi %div3A_44, %sub3A_70 : vector<16xi32>
      %select_n3A_72 = arith.select %and3A_68, %sub3A_71, %div3A_44 : vector<16xi1>, vector<16xi32>
      %mul3A_73 = arith.constant 128 : i32
      %mul3A_74 = vector.broadcast %mul3A_73 : i32 to vector<16xi32>
      %mul3A_75 = arith.muli %select_n3A_72, %mul3A_74 : vector<16xi32>
      %sub3A_76 = arith.subi %get3A_11, %mul3A_41 : vector<16xi32>
      %sub3A_77 = arith.subi %get3A_15, %mul3A_75 : vector<16xi32>
      %broadcast_in_dim3A = arith.constant 0.000000e+00 : f32
      %broadcast_in_dim3A_78 = vector.broadcast %broadcast_in_dim3A : f32 to vector<16xf32>
      %slice3A = vector.extract_strided_slice %mul3A_41 {offsets = [0], sizes = [1], strides = [1]} : vector<16xi32> to vector<1xi32>
      %squeeze3A = vector.extract %slice3A[0] : i32 from vector<1xi32>
      %multiple_of3A = tpu.assume_multiple %squeeze3A, 128 : i32
      %dma_start3A = arith.constant 0 : i32
      %dma_start3A_79 = arith.constant 0 : i32
      %dma_start3A_80 = arith.constant 0 : i32
      %dma_start3A_81 = tpu.memref_slice %arg9[%dma_start3A, %dma_start3A_79, %dma_start3A_80] : memref<8x32x128xf32, #tpu.memory_space<vmem>> -> memref<1x32x128xf32, #tpu.memory_space<vmem>>
      %dma_start3A_82 = tpu.memref_squeeze %dma_start3A_81 : memref<1x32x128xf32, #tpu.memory_space<vmem>> -> memref<32x128xf32, #tpu.memory_space<vmem>>
      %dma_start3A_83 = arith.constant 0 : i32
      %dma_start3A_84 = tpu.memref_slice %arg4[%dma_start3A_83, %multiple_of3A] : memref<32x1000000xf32, #tpu.memory_space<hbm>> -> memref<32x128xf32, #tpu.memory_space<hbm>>
      %dma_start3A_85 = arith.constant 0 : i32
      %dma_start3A_86 = arith.constant 0 : i32
      %dma_start3A_87 = tpu.memref_slice %arg9[%dma_start3A, %dma_start3A_85, %dma_start3A_86] : memref<8x32x128xf32, #tpu.memory_space<vmem>> -> memref<1x32x128xf32, #tpu.memory_space<vmem>>
      %dma_start3A_88 = tpu.memref_squeeze %dma_start3A_87 : memref<1x32x128xf32, #tpu.memory_space<vmem>> -> memref<32x128xf32, #tpu.memory_space<vmem>>
      %dma_start3A_89 = arith.constant 0 : i32
      %dma_start3A_90 = tpu.memref_slice %arg4[%dma_start3A_89, %multiple_of3A] : memref<32x1000000xf32, #tpu.memory_space<hbm>> -> memref<32x128xf32, #tpu.memory_space<hbm>>
      tpu.enqueue_dma source(%dma_start3A_90 : memref<32x128xf32, #tpu.memory_space<hbm>>) target(%dma_start3A_88 : memref<32x128xf32, #tpu.memory_space<vmem>>) target_semaphore(%arg12 : memref<!tpu.dma_semaphore, #tpu.memory_space<semaphore_mem>>)
      %slice3A_91 = vector.extract_strided_slice %mul3A_75 {offsets = [0], sizes = [1], strides = [1]} : vector<16xi32> to vector<1xi32>
      %squeeze3A_92 = vector.extract %slice3A_91[0] : i32 from vector<1xi32>
      %multiple_of3A_93 = tpu.assume_multiple %squeeze3A_92, 128 : i32
      %dma_start3A_94 = arith.constant 0 : i32
      %dma_start3A_95 = arith.constant 0 : i32
      %dma_start3A_96 = arith.constant 0 : i32
      %dma_start3A_97 = tpu.memref_slice %arg10[%dma_start3A_94, %dma_start3A_95, %dma_start3A_96] : memref<8x32x128xf32, #tpu.memory_space<vmem>> -> memref<1x32x128xf32, #tpu.memory_space<vmem>>
      %dma_start3A_98 = tpu.memref_squeeze %dma_start3A_97 : memref<1x32x128xf32, #tpu.memory_space<vmem>> -> memref<32x128xf32, #tpu.memory_space<vmem>>
      %dma_start3A_99 = arith.constant 0 : i32
      %dma_start3A_100 = tpu.memref_slice %arg5[%dma_start3A_99, %multiple_of3A_93] : memref<32x1000000xf32, #tpu.memory_space<hbm>> -> memref<32x128xf32, #tpu.memory_space<hbm>>
      %dma_start3A_101 = arith.constant 0 : i32
      %dma_start3A_102 = arith.constant 0 : i32
      %dma_start3A_103 = tpu.memref_slice %arg10[%dma_start3A_94, %dma_start3A_101, %dma_start3A_102] : memref<8x32x128xf32, #tpu.memory_space<vmem>> -> memref<1x32x128xf32, #tpu.memory_space<vmem>>
      %dma_start3A_104 = tpu.memref_squeeze %dma_start3A_103 : memref<1x32x128xf32, #tpu.memory_space<vmem>> -> memref<32x128xf32, #tpu.memory_space<vmem>>
      %dma_start3A_105 = arith.constant 0 : i32
      %dma_start3A_106 = tpu.memref_slice %arg5[%dma_start3A_105, %multiple_of3A_93] : memref<32x1000000xf32, #tpu.memory_space<hbm>> -> memref<32x128xf32, #tpu.memory_space<hbm>>
      tpu.enqueue_dma source(%dma_start3A_106 : memref<32x128xf32, #tpu.memory_space<hbm>>) target(%dma_start3A_104 : memref<32x128xf32, #tpu.memory_space<vmem>>) target_semaphore(%arg12 : memref<!tpu.dma_semaphore, #tpu.memory_space<semaphore_mem>>)
      %slice3A_107 = vector.extract_strided_slice %mul3A_41 {offsets = [1], sizes = [1], strides = [1]} : vector<16xi32> to vector<1xi32>
      %squeeze3A_108 = vector.extract %slice3A_107[0] : i32 from vector<1xi32>
      %multiple_of3A_109 = tpu.assume_multiple %squeeze3A_108, 128 : i32
      %dma_start3A_110 = arith.constant 1 : i32
      %dma_start3A_111 = arith.constant 0 : i32
      %dma_start3A_112 = arith.constant 0 : i32
      %dma_start3A_113 = tpu.memref_slice %arg9[%dma_start3A_110, %dma_start3A_111, %dma_start3A_112] : memref<8x32x128xf32, #tpu.memory_space<vmem>> -> memref<1x32x128xf32, #tpu.memory_space<vmem>>
      %dma_start3A_114 = tpu.memref_squeeze %dma_start3A_113 : memref<1x32x128xf32, #tpu.memory_space<vmem>> -> memref<32x128xf32, #tpu.memory_space<vmem>>
      %dma_start3A_115 = arith.constant 0 : i32
      %dma_start3A_116 = tpu.memref_slice %arg4[%dma_start3A_115, %multiple_of3A_109] : memref<32x1000000xf32, #tpu.memory_space<hbm>> -> memref<32x128xf32, #tpu.memory_space<hbm>>
      %dma_start3A_117 = arith.constant 0 : i32
      %dma_start3A_118 = arith.constant 0 : i32
      %dma_start3A_119 = tpu.memref_slice %arg9[%dma_start3A_110, %dma_start3A_117, %dma_start3A_118] : memref<8x32x128xf32, #tpu.memory_space<vmem>> -> memref<1x32x128xf32, #tpu.memory_space<vmem>>
      %dma_start3A_120 = tpu.memref_squeeze %dma_start3A_119 : memref<1x32x128xf32, #tpu.memory_space<vmem>> -> memref<32x128xf32, #tpu.memory_space<vmem>>
      %dma_start3A_121 = arith.constant 0 : i32
      %dma_start3A_122 = tpu.memref_slice %arg4[%dma_start3A_121, %multiple_of3A_109] : memref<32x1000000xf32, #tpu.memory_space<hbm>> -> memref<32x128xf32, #tpu.memory_space<hbm>>
      tpu.enqueue_dma source(%dma_start3A_122 : memref<32x128xf32, #tpu.memory_space<hbm>>) target(%dma_start3A_120 : memref<32x128xf32, #tpu.memory_space<vmem>>) target_semaphore(%arg12 : memref<!tpu.dma_semaphore, #tpu.memory_space<semaphore_mem>>)
      %slice3A_123 = vector.extract_strided_slice %mul3A_75 {offsets = [1], sizes = [1], strides = [1]} : vector<16xi32> to vector<1xi32>
      %squeeze3A_124 = vector.extract %slice3A_123[0] : i32 from vector<1xi32>
      %multiple_of3A_125 = tpu.assume_multiple %squeeze3A_124, 128 : i32
      %dma_start3A_126 = arith.constant 1 : i32
      %dma_start3A_127 = arith.constant 0 : i32
      %dma_start3A_128 = arith.constant 0 : i32
      %dma_start3A_129 = tpu.memref_slice %arg10[%dma_start3A_126, %dma_start3A_127, %dma_start3A_128] : memref<8x32x128xf32, #tpu.memory_space<vmem>> -> memref<1x32x128xf32, #tpu.memory_space<vmem>>
      %dma_start3A_130 = tpu.memref_squeeze %dma_start3A_129 : memref<1x32x128xf32, #tpu.memory_space<vmem>> -> memref<32x128xf32, #tpu.memory_space<vmem>>
      %dma_start3A_131 = arith.constant 0 : i32
      %dma_start3A_132 = tpu.memref_slice %arg5[%dma_start3A_131, %multiple_of3A_125] : memref<32x1000000xf32, #tpu.memory_space<hbm>> -> memref<32x128xf32, #tpu.memory_space<hbm>>
      %dma_start3A_133 = arith.constant 0 : i32
      %dma_start3A_134 = arith.constant 0 : i32
      %dma_start3A_135 = tpu.memref_slice %arg10[%dma_start3A_126, %dma_start3A_133, %dma_start3A_134] : memref<8x32x128xf32, #tpu.memory_space<vmem>> -> memref<1x32x128xf32, #tpu.memory_space<vmem>>
      %dma_start3A_136 = tpu.memref_squeeze %dma_start3A_135 : memref<1x32x128xf32, #tpu.memory_space<vmem>> -> memref<32x128xf32, #tpu.memory_space<vmem>>
      %dma_start3A_137 = arith.constant 0 : i32
      %dma_start3A_138 = tpu.memref_slice %arg5[%dma_start3A_137, %multiple_of3A_125] : memref<32x1000000xf32, #tpu.memory_space<hbm>> -> memref<32x128xf32, #tpu.memory_space<hbm>>
      tpu.enqueue_dma source(%dma_start3A_138 : memref<32x128xf32, #tpu.memory_space<hbm>>) target(%dma_start3A_136 : memref<32x128xf32, #tpu.memory_space<vmem>>) target_semaphore(%arg12 : memref<!tpu.dma_semaphore, #tpu.memory_space<semaphore_mem>>)
      %slice3A_139 = vector.extract_strided_slice %mul3A_41 {offsets = [2], sizes = [1], strides = [1]} : vector<16xi32> to vector<1xi32>
      %squeeze3A_140 = vector.extract %slice3A_139[0] : i32 from vector<1xi32>
      %multiple_of3A_141 = tpu.assume_multiple %squeeze3A_140, 128 : i32
      %dma_start3A_142 = arith.constant 2 : i32
      %dma_start3A_143 = arith.constant 0 : i32
      %dma_start3A_144 = arith.constant 0 : i32
      %dma_start3A_145 = tpu.memref_slice %arg9[%dma_start3A_142, %dma_start3A_143, %dma_start3A_144] : memref<8x32x128xf32, #tpu.memory_space<vmem>> -> memref<1x32x128xf32, #tpu.memory_space<vmem>>
      %dma_start3A_146 = tpu.memref_squeeze %dma_start3A_145 : memref<1x32x128xf32, #tpu.memory_space<vmem>> -> memref<32x128xf32, #tpu.memory_space<vmem>>
      %dma_start3A_147 = arith.constant 0 : i32
      %dma_start3A_148 = tpu.memref_slice %arg4[%dma_start3A_147, %multiple_of3A_141] : memref<32x1000000xf32, #tpu.memory_space<hbm>> -> memref<32x128xf32, #tpu.memory_space<hbm>>
      %dma_start3A_149 = arith.constant 0 : i32
      %dma_start3A_150 = arith.constant 0 : i32
      %dma_start3A_151 = tpu.memref_slice %arg9[%dma_start3A_142, %dma_start3A_149, %dma_start3A_150] : memref<8x32x128xf32, #tpu.memory_space<vmem>> -> memref<1x32x128xf32, #tpu.memory_space<vmem>>
      %dma_start3A_152 = tpu.memref_squeeze %dma_start3A_151 : memref<1x32x128xf32, #tpu.memory_space<vmem>> -> memref<32x128xf32, #tpu.memory_space<vmem>>
      %dma_start3A_153 = arith.constant 0 : i32
      %dma_start3A_154 = tpu.memref_slice %arg4[%dma_start3A_153, %multiple_of3A_141] : memref<32x1000000xf32, #tpu.memory_space<hbm>> -> memref<32x128xf32, #tpu.memory_space<hbm>>
      tpu.enqueue_dma source(%dma_start3A_154 : memref<32x128xf32, #tpu.memory_space<hbm>>) target(%dma_start3A_152 : memref<32x128xf32, #tpu.memory_space<vmem>>) target_semaphore(%arg12 : memref<!tpu.dma_semaphore, #tpu.memory_space<semaphore_mem>>)
      %slice3A_155 = vector.extract_strided_slice %mul3A_75 {offsets = [2], sizes = [1], strides = [1]} : vector<16xi32> to vector<1xi32>
      %squeeze3A_156 = vector.extract %slice3A_155[0] : i32 from vector<1xi32>
      %multiple_of3A_157 = tpu.assume_multiple %squeeze3A_156, 128 : i32
      %dma_start3A_158 = arith.constant 2 : i32
      %dma_start3A_159 = arith.constant 0 : i32
      %dma_start3A_160 = arith.constant 0 : i32
      %dma_start3A_161 = tpu.memref_slice %arg10[%dma_start3A_158, %dma_start3A_159, %dma_start3A_160] : memref<8x32x128xf32, #tpu.memory_space<vmem>> -> memref<1x32x128xf32, #tpu.memory_space<vmem>>
      %dma_start3A_162 = tpu.memref_squeeze %dma_start3A_161 : memref<1x32x128xf32, #tpu.memory_space<vmem>> -> memref<32x128xf32, #tpu.memory_space<vmem>>
      %dma_start3A_163 = arith.constant 0 : i32
      %dma_start3A_164 = tpu.memref_slice %arg5[%dma_start3A_163, %multiple_of3A_157] : memref<32x1000000xf32, #tpu.memory_space<hbm>> -> memref<32x128xf32, #tpu.memory_space<hbm>>
      %dma_start3A_165 = arith.constant 0 : i32
      %dma_start3A_166 = arith.constant 0 : i32
      %dma_start3A_167 = tpu.memref_slice %arg10[%dma_start3A_158, %dma_start3A_165, %dma_start3A_166] : memref<8x32x128xf32, #tpu.memory_space<vmem>> -> memref<1x32x128xf32, #tpu.memory_space<vmem>>
      %dma_start3A_168 = tpu.memref_squeeze %dma_start3A_167 : memref<1x32x128xf32, #tpu.memory_space<vmem>> -> memref<32x128xf32, #tpu.memory_space<vmem>>
      %dma_start3A_169 = arith.constant 0 : i32
      %dma_start3A_170 = tpu.memref_slice %arg5[%dma_start3A_169, %multiple_of3A_157] : memref<32x1000000xf32, #tpu.memory_space<hbm>> -> memref<32x128xf32, #tpu.memory_space<hbm>>
      tpu.enqueue_dma source(%dma_start3A_170 : memref<32x128xf32, #tpu.memory_space<hbm>>) target(%dma_start3A_168 : memref<32x128xf32, #tpu.memory_space<vmem>>) target_semaphore(%arg12 : memref<!tpu.dma_semaphore, #tpu.memory_space<semaphore_mem>>)
      %slice3A_171 = vector.extract_strided_slice %mul3A_41 {offsets = [3], sizes = [1], strides = [1]} : vector<16xi32> to vector<1xi32>
      %squeeze3A_172 = vector.extract %slice3A_171[0] : i32 from vector<1xi32>
      %multiple_of3A_173 = tpu.assume_multiple %squeeze3A_172, 128 : i32
      %dma_start3A_174 = arith.constant 3 : i32
      %dma_start3A_175 = arith.constant 0 : i32
      %dma_start3A_176 = arith.constant 0 : i32
      %dma_start3A_177 = tpu.memref_slice %arg9[%dma_start3A_174, %dma_start3A_175, %dma_start3A_176] : memref<8x32x128xf32, #tpu.memory_space<vmem>> -> memref<1x32x128xf32, #tpu.memory_space<vmem>>
      %dma_start3A_178 = tpu.memref_squeeze %dma_start3A_177 : memref<1x32x128xf32, #tpu.memory_space<vmem>> -> memref<32x128xf32, #tpu.memory_space<vmem>>
      %dma_start3A_179 = arith.constant 0 : i32
      %dma_start3A_180 = tpu.memref_slice %arg4[%dma_start3A_179, %multiple_of3A_173] : memref<32x1000000xf32, #tpu.memory_space<hbm>> -> memref<32x128xf32, #tpu.memory_space<hbm>>
      %dma_start3A_181 = arith.constant 0 : i32
      %dma_start3A_182 = arith.constant 0 : i32
      %dma_start3A_183 = tpu.memref_slice %arg9[%dma_start3A_174, %dma_start3A_181, %dma_start3A_182] : memref<8x32x128xf32, #tpu.memory_space<vmem>> -> memref<1x32x128xf32, #tpu.memory_space<vmem>>
      %dma_start3A_184 = tpu.memref_squeeze %dma_start3A_183 : memref<1x32x128xf32, #tpu.memory_space<vmem>> -> memref<32x128xf32, #tpu.memory_space<vmem>>
      %dma_start3A_185 = arith.constant 0 : i32
      %dma_start3A_186 = tpu.memref_slice %arg4[%dma_start3A_185, %multiple_of3A_173] : memref<32x1000000xf32, #tpu.memory_space<hbm>> -> memref<32x128xf32, #tpu.memory_space<hbm>>
      tpu.enqueue_dma source(%dma_start3A_186 : memref<32x128xf32, #tpu.memory_space<hbm>>) target(%dma_start3A_184 : memref<32x128xf32, #tpu.memory_space<vmem>>) target_semaphore(%arg12 : memref<!tpu.dma_semaphore, #tpu.memory_space<semaphore_mem>>)
      %slice3A_187 = vector.extract_strided_slice %mul3A_75 {offsets = [3], sizes = [1], strides = [1]} : vector<16xi32> to vector<1xi32>
      %squeeze3A_188 = vector.extract %slice3A_187[0] : i32 from vector<1xi32>
      %multiple_of3A_189 = tpu.assume_multiple %squeeze3A_188, 128 : i32
      %dma_start3A_190 = arith.constant 3 : i32
      %dma_start3A_191 = arith.constant 0 : i32
      %dma_start3A_192 = arith.constant 0 : i32
      %dma_start3A_193 = tpu.memref_slice %arg10[%dma_start3A_190, %dma_start3A_191, %dma_start3A_192] : memref<8x32x128xf32, #tpu.memory_space<vmem>> -> memref<1x32x128xf32, #tpu.memory_space<vmem>>
      %dma_start3A_194 = tpu.memref_squeeze %dma_start3A_193 : memref<1x32x128xf32, #tpu.memory_space<vmem>> -> memref<32x128xf32, #tpu.memory_space<vmem>>
      %dma_start3A_195 = arith.constant 0 : i32
      %dma_start3A_196 = tpu.memref_slice %arg5[%dma_start3A_195, %multiple_of3A_189] : memref<32x1000000xf32, #tpu.memory_space<hbm>> -> memref<32x128xf32, #tpu.memory_space<hbm>>
      %dma_start3A_197 = arith.constant 0 : i32
      %dma_start3A_198 = arith.constant 0 : i32
      %dma_start3A_199 = tpu.memref_slice %arg10[%dma_start3A_190, %dma_start3A_197, %dma_start3A_198] : memref<8x32x128xf32, #tpu.memory_space<vmem>> -> memref<1x32x128xf32, #tpu.memory_space<vmem>>
      %dma_start3A_200 = tpu.memref_squeeze %dma_start3A_199 : memref<1x32x128xf32, #tpu.memory_space<vmem>> -> memref<32x128xf32, #tpu.memory_space<vmem>>
      %dma_start3A_201 = arith.constant 0 : i32
      %dma_start3A_202 = tpu.memref_slice %arg5[%dma_start3A_201, %multiple_of3A_189] : memref<32x1000000xf32, #tpu.memory_space<hbm>> -> memref<32x128xf32, #tpu.memory_space<hbm>>
      tpu.enqueue_dma source(%dma_start3A_202 : memref<32x128xf32, #tpu.memory_space<hbm>>) target(%dma_start3A_200 : memref<32x128xf32, #tpu.memory_space<vmem>>) target_semaphore(%arg12 : memref<!tpu.dma_semaphore, #tpu.memory_space<semaphore_mem>>)
      %slice3A_203 = vector.extract_strided_slice %mul3A_41 {offsets = [4], sizes = [1], strides = [1]} : vector<16xi32> to vector<1xi32>
      %squeeze3A_204 = vector.extract %slice3A_203[0] : i32 from vector<1xi32>
      %multiple_of3A_205 = tpu.assume_multiple %squeeze3A_204, 128 : i32
      %dma_start3A_206 = arith.constant 4 : i32
      %dma_start3A_207 = arith.constant 0 : i32
      %dma_start3A_208 = arith.constant 0 : i32
      %dma_start3A_209 = tpu.memref_slice %arg9[%dma_start3A_206, %dma_start3A_207, %dma_start3A_208] : memref<8x32x128xf32, #tpu.memory_space<vmem>> -> memref<1x32x128xf32, #tpu.memory_space<vmem>>
      %dma_start3A_210 = tpu.memref_squeeze %dma_start3A_209 : memref<1x32x128xf32, #tpu.memory_space<vmem>> -> memref<32x128xf32, #tpu.memory_space<vmem>>
      %dma_start3A_211 = arith.constant 0 : i32
      %dma_start3A_212 = tpu.memref_slice %arg4[%dma_start3A_211, %multiple_of3A_205] : memref<32x1000000xf32, #tpu.memory_space<hbm>> -> memref<32x128xf32, #tpu.memory_space<hbm>>
      %dma_start3A_213 = arith.constant 0 : i32
      %dma_start3A_214 = arith.constant 0 : i32
      %dma_start3A_215 = tpu.memref_slice %arg9[%dma_start3A_206, %dma_start3A_213, %dma_start3A_214] : memref<8x32x128xf32, #tpu.memory_space<vmem>> -> memref<1x32x128xf32, #tpu.memory_space<vmem>>
      %dma_start3A_216 = tpu.memref_squeeze %dma_start3A_215 : memref<1x32x128xf32, #tpu.memory_space<vmem>> -> memref<32x128xf32, #tpu.memory_space<vmem>>
      %dma_start3A_217 = arith.constant 0 : i32
      %dma_start3A_218 = tpu.memref_slice %arg4[%dma_start3A_217, %multiple_of3A_205] : memref<32x1000000xf32, #tpu.memory_space<hbm>> -> memref<32x128xf32, #tpu.memory_space<hbm>>
      tpu.enqueue_dma source(%dma_start3A_218 : memref<32x128xf32, #tpu.memory_space<hbm>>) target(%dma_start3A_216 : memref<32x128xf32, #tpu.memory_space<vmem>>) target_semaphore(%arg12 : memref<!tpu.dma_semaphore, #tpu.memory_space<semaphore_mem>>)
      %slice3A_219 = vector.extract_strided_slice %mul3A_75 {offsets = [4], sizes = [1], strides = [1]} : vector<16xi32> to vector<1xi32>
      %squeeze3A_220 = vector.extract %slice3A_219[0] : i32 from vector<1xi32>
      %multiple_of3A_221 = tpu.assume_multiple %squeeze3A_220, 128 : i32
      %dma_start3A_222 = arith.constant 4 : i32
      %dma_start3A_223 = arith.constant 0 : i32
      %dma_start3A_224 = arith.constant 0 : i32
      %dma_start3A_225 = tpu.memref_slice %arg10[%dma_start3A_222, %dma_start3A_223, %dma_start3A_224] : memref<8x32x128xf32, #tpu.memory_space<vmem>> -> memref<1x32x128xf32, #tpu.memory_space<vmem>>
      %dma_start3A_226 = tpu.memref_squeeze %dma_start3A_225 : memref<1x32x128xf32, #tpu.memory_space<vmem>> -> memref<32x128xf32, #tpu.memory_space<vmem>>
      %dma_start3A_227 = arith.constant 0 : i32
      %dma_start3A_228 = tpu.memref_slice %arg5[%dma_start3A_227, %multiple_of3A_221] : memref<32x1000000xf32, #tpu.memory_space<hbm>> -> memref<32x128xf32, #tpu.memory_space<hbm>>
      %dma_start3A_229 = arith.constant 0 : i32
      %dma_start3A_230 = arith.constant 0 : i32
      %dma_start3A_231 = tpu.memref_slice %arg10[%dma_start3A_222, %dma_start3A_229, %dma_start3A_230] : memref<8x32x128xf32, #tpu.memory_space<vmem>> -> memref<1x32x128xf32, #tpu.memory_space<vmem>>
      %dma_start3A_232 = tpu.memref_squeeze %dma_start3A_231 : memref<1x32x128xf32, #tpu.memory_space<vmem>> -> memref<32x128xf32, #tpu.memory_space<vmem>>
      %dma_start3A_233 = arith.constant 0 : i32
      %dma_start3A_234 = tpu.memref_slice %arg5[%dma_start3A_233, %multiple_of3A_221] : memref<32x1000000xf32, #tpu.memory_space<hbm>> -> memref<32x128xf32, #tpu.memory_space<hbm>>
      tpu.enqueue_dma source(%dma_start3A_234 : memref<32x128xf32, #tpu.memory_space<hbm>>) target(%dma_start3A_232 : memref<32x128xf32, #tpu.memory_space<vmem>>) target_semaphore(%arg12 : memref<!tpu.dma_semaphore, #tpu.memory_space<semaphore_mem>>)
      %slice3A_235 = vector.extract_strided_slice %mul3A_41 {offsets = [5], sizes = [1], strides = [1]} : vector<16xi32> to vector<1xi32>
      %squeeze3A_236 = vector.extract %slice3A_235[0] : i32 from vector<1xi32>
      %multiple_of3A_237 = tpu.assume_multiple %squeeze3A_236, 128 : i32
      %dma_start3A_238 = arith.constant 5 : i32
      %dma_start3A_239 = arith.constant 0 : i32
      %dma_start3A_240 = arith.constant 0 : i32
      %dma_start3A_241 = tpu.memref_slice %arg9[%dma_start3A_238, %dma_start3A_239, %dma_start3A_240] : memref<8x32x128xf32, #tpu.memory_space<vmem>> -> memref<1x32x128xf32, #tpu.memory_space<vmem>>
      %dma_start3A_242 = tpu.memref_squeeze %dma_start3A_241 : memref<1x32x128xf32, #tpu.memory_space<vmem>> -> memref<32x128xf32, #tpu.memory_space<vmem>>
      %dma_start3A_243 = arith.constant 0 : i32
      %dma_start3A_244 = tpu.memref_slice %arg4[%dma_start3A_243, %multiple_of3A_237] : memref<32x1000000xf32, #tpu.memory_space<hbm>> -> memref<32x128xf32, #tpu.memory_space<hbm>>
      %dma_start3A_245 = arith.constant 0 : i32
      %dma_start3A_246 = arith.constant 0 : i32
      %dma_start3A_247 = tpu.memref_slice %arg9[%dma_start3A_238, %dma_start3A_245, %dma_start3A_246] : memref<8x32x128xf32, #tpu.memory_space<vmem>> -> memref<1x32x128xf32, #tpu.memory_space<vmem>>
      %dma_start3A_248 = tpu.memref_squeeze %dma_start3A_247 : memref<1x32x128xf32, #tpu.memory_space<vmem>> -> memref<32x128xf32, #tpu.memory_space<vmem>>
      %dma_start3A_249 = arith.constant 0 : i32
      %dma_start3A_250 = tpu.memref_slice %arg4[%dma_start3A_249, %multiple_of3A_237] : memref<32x1000000xf32, #tpu.memory_space<hbm>> -> memref<32x128xf32, #tpu.memory_space<hbm>>
      tpu.enqueue_dma source(%dma_start3A_250 : memref<32x128xf32, #tpu.memory_space<hbm>>) target(%dma_start3A_248 : memref<32x128xf32, #tpu.memory_space<vmem>>) target_semaphore(%arg12 : memref<!tpu.dma_semaphore, #tpu.memory_space<semaphore_mem>>)
      %slice3A_251 = vector.extract_strided_slice %mul3A_75 {offsets = [5], sizes = [1], strides = [1]} : vector<16xi32> to vector<1xi32>
      %squeeze3A_252 = vector.extract %slice3A_251[0] : i32 from vector<1xi32>
      %multiple_of3A_253 = tpu.assume_multiple %squeeze3A_252, 128 : i32
      %dma_start3A_254 = arith.constant 5 : i32
      %dma_start3A_255 = arith.constant 0 : i32
      %dma_start3A_256 = arith.constant 0 : i32
      %dma_start3A_257 = tpu.memref_slice %arg10[%dma_start3A_254, %dma_start3A_255, %dma_start3A_256] : memref<8x32x128xf32, #tpu.memory_space<vmem>> -> memref<1x32x128xf32, #tpu.memory_space<vmem>>
      %dma_start3A_258 = tpu.memref_squeeze %dma_start3A_257 : memref<1x32x128xf32, #tpu.memory_space<vmem>> -> memref<32x128xf32, #tpu.memory_space<vmem>>
      %dma_start3A_259 = arith.constant 0 : i32
      %dma_start3A_260 = tpu.memref_slice %arg5[%dma_start3A_259, %multiple_of3A_253] : memref<32x1000000xf32, #tpu.memory_space<hbm>> -> memref<32x128xf32, #tpu.memory_space<hbm>>
      %dma_start3A_261 = arith.constant 0 : i32
      %dma_start3A_262 = arith.constant 0 : i32
      %dma_start3A_263 = tpu.memref_slice %arg10[%dma_start3A_254, %dma_start3A_261, %dma_start3A_262] : memref<8x32x128xf32, #tpu.memory_space<vmem>> -> memref<1x32x128xf32, #tpu.memory_space<vmem>>
      %dma_start3A_264 = tpu.memref_squeeze %dma_start3A_263 : memref<1x32x128xf32, #tpu.memory_space<vmem>> -> memref<32x128xf32, #tpu.memory_space<vmem>>
      %dma_start3A_265 = arith.constant 0 : i32
      %dma_start3A_266 = tpu.memref_slice %arg5[%dma_start3A_265, %multiple_of3A_253] : memref<32x1000000xf32, #tpu.memory_space<hbm>> -> memref<32x128xf32, #tpu.memory_space<hbm>>
      tpu.enqueue_dma source(%dma_start3A_266 : memref<32x128xf32, #tpu.memory_space<hbm>>) target(%dma_start3A_264 : memref<32x128xf32, #tpu.memory_space<vmem>>) target_semaphore(%arg12 : memref<!tpu.dma_semaphore, #tpu.memory_space<semaphore_mem>>)
      %slice3A_267 = vector.extract_strided_slice %mul3A_41 {offsets = [6], sizes = [1], strides = [1]} : vector<16xi32> to vector<1xi32>
      %squeeze3A_268 = vector.extract %slice3A_267[0] : i32 from vector<1xi32>
      %multiple_of3A_269 = tpu.assume_multiple %squeeze3A_268, 128 : i32
      %dma_start3A_270 = arith.constant 6 : i32
      %dma_start3A_271 = arith.constant 0 : i32
      %dma_start3A_272 = arith.constant 0 : i32
      %dma_start3A_273 = tpu.memref_slice %arg9[%dma_start3A_270, %dma_start3A_271, %dma_start3A_272] : memref<8x32x128xf32, #tpu.memory_space<vmem>> -> memref<1x32x128xf32, #tpu.memory_space<vmem>>
      %dma_start3A_274 = tpu.memref_squeeze %dma_start3A_273 : memref<1x32x128xf32, #tpu.memory_space<vmem>> -> memref<32x128xf32, #tpu.memory_space<vmem>>
      %dma_start3A_275 = arith.constant 0 : i32
      %dma_start3A_276 = tpu.memref_slice %arg4[%dma_start3A_275, %multiple_of3A_269] : memref<32x1000000xf32, #tpu.memory_space<hbm>> -> memref<32x128xf32, #tpu.memory_space<hbm>>
      %dma_start3A_277 = arith.constant 0 : i32
      %dma_start3A_278 = arith.constant 0 : i32
      %dma_start3A_279 = tpu.memref_slice %arg9[%dma_start3A_270, %dma_start3A_277, %dma_start3A_278] : memref<8x32x128xf32, #tpu.memory_space<vmem>> -> memref<1x32x128xf32, #tpu.memory_space<vmem>>
      %dma_start3A_280 = tpu.memref_squeeze %dma_start3A_279 : memref<1x32x128xf32, #tpu.memory_space<vmem>> -> memref<32x128xf32, #tpu.memory_space<vmem>>
      %dma_start3A_281 = arith.constant 0 : i32
      %dma_start3A_282 = tpu.memref_slice %arg4[%dma_start3A_281, %multiple_of3A_269] : memref<32x1000000xf32, #tpu.memory_space<hbm>> -> memref<32x128xf32, #tpu.memory_space<hbm>>
      tpu.enqueue_dma source(%dma_start3A_282 : memref<32x128xf32, #tpu.memory_space<hbm>>) target(%dma_start3A_280 : memref<32x128xf32, #tpu.memory_space<vmem>>) target_semaphore(%arg12 : memref<!tpu.dma_semaphore, #tpu.memory_space<semaphore_mem>>)
      %slice3A_283 = vector.extract_strided_slice %mul3A_75 {offsets = [6], sizes = [1], strides = [1]} : vector<16xi32> to vector<1xi32>
      %squeeze3A_284 = vector.extract %slice3A_283[0] : i32 from vector<1xi32>
      %multiple_of3A_285 = tpu.assume_multiple %squeeze3A_284, 128 : i32
      %dma_start3A_286 = arith.constant 6 : i32
      %dma_start3A_287 = arith.constant 0 : i32
      %dma_start3A_288 = arith.constant 0 : i32
      %dma_start3A_289 = tpu.memref_slice %arg10[%dma_start3A_286, %dma_start3A_287, %dma_start3A_288] : memref<8x32x128xf32, #tpu.memory_space<vmem>> -> memref<1x32x128xf32, #tpu.memory_space<vmem>>
      %dma_start3A_290 = tpu.memref_squeeze %dma_start3A_289 : memref<1x32x128xf32, #tpu.memory_space<vmem>> -> memref<32x128xf32, #tpu.memory_space<vmem>>
      %dma_start3A_291 = arith.constant 0 : i32
      %dma_start3A_292 = tpu.memref_slice %arg5[%dma_start3A_291, %multiple_of3A_285] : memref<32x1000000xf32, #tpu.memory_space<hbm>> -> memref<32x128xf32, #tpu.memory_space<hbm>>
      %dma_start3A_293 = arith.constant 0 : i32
      %dma_start3A_294 = arith.constant 0 : i32
      %dma_start3A_295 = tpu.memref_slice %arg10[%dma_start3A_286, %dma_start3A_293, %dma_start3A_294] : memref<8x32x128xf32, #tpu.memory_space<vmem>> -> memref<1x32x128xf32, #tpu.memory_space<vmem>>
      %dma_start3A_296 = tpu.memref_squeeze %dma_start3A_295 : memref<1x32x128xf32, #tpu.memory_space<vmem>> -> memref<32x128xf32, #tpu.memory_space<vmem>>
      %dma_start3A_297 = arith.constant 0 : i32
      %dma_start3A_298 = tpu.memref_slice %arg5[%dma_start3A_297, %multiple_of3A_285] : memref<32x1000000xf32, #tpu.memory_space<hbm>> -> memref<32x128xf32, #tpu.memory_space<hbm>>
      tpu.enqueue_dma source(%dma_start3A_298 : memref<32x128xf32, #tpu.memory_space<hbm>>) target(%dma_start3A_296 : memref<32x128xf32, #tpu.memory_space<vmem>>) target_semaphore(%arg12 : memref<!tpu.dma_semaphore, #tpu.memory_space<semaphore_mem>>)
      %slice3A_299 = vector.extract_strided_slice %mul3A_41 {offsets = [7], sizes = [1], strides = [1]} : vector<16xi32> to vector<1xi32>
      %squeeze3A_300 = vector.extract %slice3A_299[0] : i32 from vector<1xi32>
      %multiple_of3A_301 = tpu.assume_multiple %squeeze3A_300, 128 : i32
      %dma_start3A_302 = arith.constant 7 : i32
      %dma_start3A_303 = arith.constant 0 : i32
      %dma_start3A_304 = arith.constant 0 : i32
      %dma_start3A_305 = tpu.memref_slice %arg9[%dma_start3A_302, %dma_start3A_303, %dma_start3A_304] : memref<8x32x128xf32, #tpu.memory_space<vmem>> -> memref<1x32x128xf32, #tpu.memory_space<vmem>>
      %dma_start3A_306 = tpu.memref_squeeze %dma_start3A_305 : memref<1x32x128xf32, #tpu.memory_space<vmem>> -> memref<32x128xf32, #tpu.memory_space<vmem>>
      %dma_start3A_307 = arith.constant 0 : i32
      %dma_start3A_308 = tpu.memref_slice %arg4[%dma_start3A_307, %multiple_of3A_301] : memref<32x1000000xf32, #tpu.memory_space<hbm>> -> memref<32x128xf32, #tpu.memory_space<hbm>>
      %dma_start3A_309 = arith.constant 0 : i32
      %dma_start3A_310 = arith.constant 0 : i32
      %dma_start3A_311 = tpu.memref_slice %arg9[%dma_start3A_302, %dma_start3A_309, %dma_start3A_310] : memref<8x32x128xf32, #tpu.memory_space<vmem>> -> memref<1x32x128xf32, #tpu.memory_space<vmem>>
      %dma_start3A_312 = tpu.memref_squeeze %dma_start3A_311 : memref<1x32x128xf32, #tpu.memory_space<vmem>> -> memref<32x128xf32, #tpu.memory_space<vmem>>
      %dma_start3A_313 = arith.constant 0 : i32
      %dma_start3A_314 = tpu.memref_slice %arg4[%dma_start3A_313, %multiple_of3A_301] : memref<32x1000000xf32, #tpu.memory_space<hbm>> -> memref<32x128xf32, #tpu.memory_space<hbm>>
      tpu.enqueue_dma source(%dma_start3A_314 : memref<32x128xf32, #tpu.memory_space<hbm>>) target(%dma_start3A_312 : memref<32x128xf32, #tpu.memory_space<vmem>>) target_semaphore(%arg12 : memref<!tpu.dma_semaphore, #tpu.memory_space<semaphore_mem>>)
      %slice3A_315 = vector.extract_strided_slice %mul3A_75 {offsets = [7], sizes = [1], strides = [1]} : vector<16xi32> to vector<1xi32>
      %squeeze3A_316 = vector.extract %slice3A_315[0] : i32 from vector<1xi32>
      %multiple_of3A_317 = tpu.assume_multiple %squeeze3A_316, 128 : i32
      %dma_start3A_318 = arith.constant 7 : i32
      %dma_start3A_319 = arith.constant 0 : i32
      %dma_start3A_320 = arith.constant 0 : i32
      %dma_start3A_321 = tpu.memref_slice %arg10[%dma_start3A_318, %dma_start3A_319, %dma_start3A_320] : memref<8x32x128xf32, #tpu.memory_space<vmem>> -> memref<1x32x128xf32, #tpu.memory_space<vmem>>
      %dma_start3A_322 = tpu.memref_squeeze %dma_start3A_321 : memref<1x32x128xf32, #tpu.memory_space<vmem>> -> memref<32x128xf32, #tpu.memory_space<vmem>>
      %dma_start3A_323 = arith.constant 0 : i32
      %dma_start3A_324 = tpu.memref_slice %arg5[%dma_start3A_323, %multiple_of3A_317] : memref<32x1000000xf32, #tpu.memory_space<hbm>> -> memref<32x128xf32, #tpu.memory_space<hbm>>
      %dma_start3A_325 = arith.constant 0 : i32
      %dma_start3A_326 = arith.constant 0 : i32
      %dma_start3A_327 = tpu.memref_slice %arg10[%dma_start3A_318, %dma_start3A_325, %dma_start3A_326] : memref<8x32x128xf32, #tpu.memory_space<vmem>> -> memref<1x32x128xf32, #tpu.memory_space<vmem>>
      %dma_start3A_328 = tpu.memref_squeeze %dma_start3A_327 : memref<1x32x128xf32, #tpu.memory_space<vmem>> -> memref<32x128xf32, #tpu.memory_space<vmem>>
      %dma_start3A_329 = arith.constant 0 : i32
      %dma_start3A_330 = tpu.memref_slice %arg5[%dma_start3A_329, %multiple_of3A_317] : memref<32x1000000xf32, #tpu.memory_space<hbm>> -> memref<32x128xf32, #tpu.memory_space<hbm>>
      tpu.enqueue_dma source(%dma_start3A_330 : memref<32x128xf32, #tpu.memory_space<hbm>>) target(%dma_start3A_328 : memref<32x128xf32, #tpu.memory_space<vmem>>) target_semaphore(%arg12 : memref<!tpu.dma_semaphore, #tpu.memory_space<semaphore_mem>>)
      %dma_wait3A = arith.constant 0 : i32
      %dma_wait3A_331 = arith.constant 0 : i32
      %dma_wait3A_332 = arith.constant 0 : i32
      %dma_wait3A_333 = tpu.memref_slice %arg9[%dma_wait3A, %dma_wait3A_331, %dma_wait3A_332] : memref<8x32x128xf32, #tpu.memory_space<vmem>> -> memref<1x32x128xf32, #tpu.memory_space<vmem>>
      %dma_wait3A_334 = tpu.memref_squeeze %dma_wait3A_333 : memref<1x32x128xf32, #tpu.memory_space<vmem>> -> memref<32x128xf32, #tpu.memory_space<vmem>>
      %dma_wait3A_335 = arith.constant 0 : i32
      %dma_wait3A_336 = tpu.memref_slice %arg4[%dma_wait3A_335, %multiple_of3A] : memref<32x1000000xf32, #tpu.memory_space<hbm>> -> memref<32x128xf32, #tpu.memory_space<hbm>>
      %dma_wait3A_337 = arith.constant 0 : i32
      %dma_wait3A_338 = arith.constant 0 : i32
      %dma_wait3A_339 = tpu.memref_slice %arg9[%dma_wait3A, %dma_wait3A_337, %dma_wait3A_338] : memref<8x32x128xf32, #tpu.memory_space<vmem>> -> memref<1x32x128xf32, #tpu.memory_space<vmem>>
      %dma_wait3A_340 = tpu.memref_squeeze %dma_wait3A_339 : memref<1x32x128xf32, #tpu.memory_space<vmem>> -> memref<32x128xf32, #tpu.memory_space<vmem>>
      %dma_wait3A_341 = arith.constant 0 : i32
      %dma_wait3A_342 = tpu.memref_slice %arg4[%dma_wait3A_341, %multiple_of3A] : memref<32x1000000xf32, #tpu.memory_space<hbm>> -> memref<32x128xf32, #tpu.memory_space<hbm>>
      tpu.wait_dma2 semaphore(%arg12 : memref<!tpu.dma_semaphore, #tpu.memory_space<semaphore_mem>>) src(%dma_wait3A_342 : memref<32x128xf32, #tpu.memory_space<hbm>>) dst(%dma_wait3A_340 : memref<32x128xf32, #tpu.memory_space<vmem>>)
      %dma_wait3A_343 = arith.constant 0 : i32
      %dma_wait3A_344 = arith.constant 0 : i32
      %dma_wait3A_345 = arith.constant 0 : i32
      %dma_wait3A_346 = tpu.memref_slice %arg10[%dma_wait3A_343, %dma_wait3A_344, %dma_wait3A_345] : memref<8x32x128xf32, #tpu.memory_space<vmem>> -> memref<1x32x128xf32, #tpu.memory_space<vmem>>
      %dma_wait3A_347 = tpu.memref_squeeze %dma_wait3A_346 : memref<1x32x128xf32, #tpu.memory_space<vmem>> -> memref<32x128xf32, #tpu.memory_space<vmem>>
      %dma_wait3A_348 = arith.constant 0 : i32
      %dma_wait3A_349 = tpu.memref_slice %arg5[%dma_wait3A_348, %multiple_of3A_93] : memref<32x1000000xf32, #tpu.memory_space<hbm>> -> memref<32x128xf32, #tpu.memory_space<hbm>>
      %dma_wait3A_350 = arith.constant 0 : i32
      %dma_wait3A_351 = arith.constant 0 : i32
      %dma_wait3A_352 = tpu.memref_slice %arg10[%dma_wait3A_343, %dma_wait3A_350, %dma_wait3A_351] : memref<8x32x128xf32, #tpu.memory_space<vmem>> -> memref<1x32x128xf32, #tpu.memory_space<vmem>>
      %dma_wait3A_353 = tpu.memref_squeeze %dma_wait3A_352 : memref<1x32x128xf32, #tpu.memory_space<vmem>> -> memref<32x128xf32, #tpu.memory_space<vmem>>
      %dma_wait3A_354 = arith.constant 0 : i32
      %dma_wait3A_355 = tpu.memref_slice %arg5[%dma_wait3A_354, %multiple_of3A_93] : memref<32x1000000xf32, #tpu.memory_space<hbm>> -> memref<32x128xf32, #tpu.memory_space<hbm>>
      tpu.wait_dma2 semaphore(%arg12 : memref<!tpu.dma_semaphore, #tpu.memory_space<semaphore_mem>>) src(%dma_wait3A_355 : memref<32x128xf32, #tpu.memory_space<hbm>>) dst(%dma_wait3A_353 : memref<32x128xf32, #tpu.memory_space<vmem>>)
      %dma_wait3A_356 = arith.constant 1 : i32
      %dma_wait3A_357 = arith.constant 0 : i32
      %dma_wait3A_358 = arith.constant 0 : i32
      %dma_wait3A_359 = tpu.memref_slice %arg9[%dma_wait3A_356, %dma_wait3A_357, %dma_wait3A_358] : memref<8x32x128xf32, #tpu.memory_space<vmem>> -> memref<1x32x128xf32, #tpu.memory_space<vmem>>
      %dma_wait3A_360 = tpu.memref_squeeze %dma_wait3A_359 : memref<1x32x128xf32, #tpu.memory_space<vmem>> -> memref<32x128xf32, #tpu.memory_space<vmem>>
      %dma_wait3A_361 = arith.constant 0 : i32
      %dma_wait3A_362 = tpu.memref_slice %arg4[%dma_wait3A_361, %multiple_of3A_109] : memref<32x1000000xf32, #tpu.memory_space<hbm>> -> memref<32x128xf32, #tpu.memory_space<hbm>>
      %dma_wait3A_363 = arith.constant 0 : i32
      %dma_wait3A_364 = arith.constant 0 : i32
      %dma_wait3A_365 = tpu.memref_slice %arg9[%dma_wait3A_356, %dma_wait3A_363, %dma_wait3A_364] : memref<8x32x128xf32, #tpu.memory_space<vmem>> -> memref<1x32x128xf32, #tpu.memory_space<vmem>>
      %dma_wait3A_366 = tpu.memref_squeeze %dma_wait3A_365 : memref<1x32x128xf32, #tpu.memory_space<vmem>> -> memref<32x128xf32, #tpu.memory_space<vmem>>
      %dma_wait3A_367 = arith.constant 0 : i32
      %dma_wait3A_368 = tpu.memref_slice %arg4[%dma_wait3A_367, %multiple_of3A_109] : memref<32x1000000xf32, #tpu.memory_space<hbm>> -> memref<32x128xf32, #tpu.memory_space<hbm>>
      tpu.wait_dma2 semaphore(%arg12 : memref<!tpu.dma_semaphore, #tpu.memory_space<semaphore_mem>>) src(%dma_wait3A_368 : memref<32x128xf32, #tpu.memory_space<hbm>>) dst(%dma_wait3A_366 : memref<32x128xf32, #tpu.memory_space<vmem>>)
      %dma_wait3A_369 = arith.constant 1 : i32
      %dma_wait3A_370 = arith.constant 0 : i32
      %dma_wait3A_371 = arith.constant 0 : i32
      %dma_wait3A_372 = tpu.memref_slice %arg10[%dma_wait3A_369, %dma_wait3A_370, %dma_wait3A_371] : memref<8x32x128xf32, #tpu.memory_space<vmem>> -> memref<1x32x128xf32, #tpu.memory_space<vmem>>
      %dma_wait3A_373 = tpu.memref_squeeze %dma_wait3A_372 : memref<1x32x128xf32, #tpu.memory_space<vmem>> -> memref<32x128xf32, #tpu.memory_space<vmem>>
      %dma_wait3A_374 = arith.constant 0 : i32
      %dma_wait3A_375 = tpu.memref_slice %arg5[%dma_wait3A_374, %multiple_of3A_125] : memref<32x1000000xf32, #tpu.memory_space<hbm>> -> memref<32x128xf32, #tpu.memory_space<hbm>>
      %dma_wait3A_376 = arith.constant 0 : i32
      %dma_wait3A_377 = arith.constant 0 : i32
      %dma_wait3A_378 = tpu.memref_slice %arg10[%dma_wait3A_369, %dma_wait3A_376, %dma_wait3A_377] : memref<8x32x128xf32, #tpu.memory_space<vmem>> -> memref<1x32x128xf32, #tpu.memory_space<vmem>>
      %dma_wait3A_379 = tpu.memref_squeeze %dma_wait3A_378 : memref<1x32x128xf32, #tpu.memory_space<vmem>> -> memref<32x128xf32, #tpu.memory_space<vmem>>
      %dma_wait3A_380 = arith.constant 0 : i32
      %dma_wait3A_381 = tpu.memref_slice %arg5[%dma_wait3A_380, %multiple_of3A_125] : memref<32x1000000xf32, #tpu.memory_space<hbm>> -> memref<32x128xf32, #tpu.memory_space<hbm>>
      tpu.wait_dma2 semaphore(%arg12 : memref<!tpu.dma_semaphore, #tpu.memory_space<semaphore_mem>>) src(%dma_wait3A_381 : memref<32x128xf32, #tpu.memory_space<hbm>>) dst(%dma_wait3A_379 : memref<32x128xf32, #tpu.memory_space<vmem>>)
      %dma_wait3A_382 = arith.constant 2 : i32
      %dma_wait3A_383 = arith.constant 0 : i32
      %dma_wait3A_384 = arith.constant 0 : i32
      %dma_wait3A_385 = tpu.memref_slice %arg9[%dma_wait3A_382, %dma_wait3A_383, %dma_wait3A_384] : memref<8x32x128xf32, #tpu.memory_space<vmem>> -> memref<1x32x128xf32, #tpu.memory_space<vmem>>
      %dma_wait3A_386 = tpu.memref_squeeze %dma_wait3A_385 : memref<1x32x128xf32, #tpu.memory_space<vmem>> -> memref<32x128xf32, #tpu.memory_space<vmem>>
      %dma_wait3A_387 = arith.constant 0 : i32
      %dma_wait3A_388 = tpu.memref_slice %arg4[%dma_wait3A_387, %multiple_of3A_141] : memref<32x1000000xf32, #tpu.memory_space<hbm>> -> memref<32x128xf32, #tpu.memory_space<hbm>>
      %dma_wait3A_389 = arith.constant 0 : i32
      %dma_wait3A_390 = arith.constant 0 : i32
      %dma_wait3A_391 = tpu.memref_slice %arg9[%dma_wait3A_382, %dma_wait3A_389, %dma_wait3A_390] : memref<8x32x128xf32, #tpu.memory_space<vmem>> -> memref<1x32x128xf32, #tpu.memory_space<vmem>>
      %dma_wait3A_392 = tpu.memref_squeeze %dma_wait3A_391 : memref<1x32x128xf32, #tpu.memory_space<vmem>> -> memref<32x128xf32, #tpu.memory_space<vmem>>
      %dma_wait3A_393 = arith.constant 0 : i32
      %dma_wait3A_394 = tpu.memref_slice %arg4[%dma_wait3A_393, %multiple_of3A_141] : memref<32x1000000xf32, #tpu.memory_space<hbm>> -> memref<32x128xf32, #tpu.memory_space<hbm>>
      tpu.wait_dma2 semaphore(%arg12 : memref<!tpu.dma_semaphore, #tpu.memory_space<semaphore_mem>>) src(%dma_wait3A_394 : memref<32x128xf32, #tpu.memory_space<hbm>>) dst(%dma_wait3A_392 : memref<32x128xf32, #tpu.memory_space<vmem>>)
      %dma_wait3A_395 = arith.constant 2 : i32
      %dma_wait3A_396 = arith.constant 0 : i32
      %dma_wait3A_397 = arith.constant 0 : i32
      %dma_wait3A_398 = tpu.memref_slice %arg10[%dma_wait3A_395, %dma_wait3A_396, %dma_wait3A_397] : memref<8x32x128xf32, #tpu.memory_space<vmem>> -> memref<1x32x128xf32, #tpu.memory_space<vmem>>
      %dma_wait3A_399 = tpu.memref_squeeze %dma_wait3A_398 : memref<1x32x128xf32, #tpu.memory_space<vmem>> -> memref<32x128xf32, #tpu.memory_space<vmem>>
      %dma_wait3A_400 = arith.constant 0 : i32
      %dma_wait3A_401 = tpu.memref_slice %arg5[%dma_wait3A_400, %multiple_of3A_157] : memref<32x1000000xf32, #tpu.memory_space<hbm>> -> memref<32x128xf32, #tpu.memory_space<hbm>>
      %dma_wait3A_402 = arith.constant 0 : i32
      %dma_wait3A_403 = arith.constant 0 : i32
      %dma_wait3A_404 = tpu.memref_slice %arg10[%dma_wait3A_395, %dma_wait3A_402, %dma_wait3A_403] : memref<8x32x128xf32, #tpu.memory_space<vmem>> -> memref<1x32x128xf32, #tpu.memory_space<vmem>>
      %dma_wait3A_405 = tpu.memref_squeeze %dma_wait3A_404 : memref<1x32x128xf32, #tpu.memory_space<vmem>> -> memref<32x128xf32, #tpu.memory_space<vmem>>
      %dma_wait3A_406 = arith.constant 0 : i32
      %dma_wait3A_407 = tpu.memref_slice %arg5[%dma_wait3A_406, %multiple_of3A_157] : memref<32x1000000xf32, #tpu.memory_space<hbm>> -> memref<32x128xf32, #tpu.memory_space<hbm>>
      tpu.wait_dma2 semaphore(%arg12 : memref<!tpu.dma_semaphore, #tpu.memory_space<semaphore_mem>>) src(%dma_wait3A_407 : memref<32x128xf32, #tpu.memory_space<hbm>>) dst(%dma_wait3A_405 : memref<32x128xf32, #tpu.memory_space<vmem>>)
      %dma_wait3A_408 = arith.constant 3 : i32
      %dma_wait3A_409 = arith.constant 0 : i32
      %dma_wait3A_410 = arith.constant 0 : i32
      %dma_wait3A_411 = tpu.memref_slice %arg9[%dma_wait3A_408, %dma_wait3A_409, %dma_wait3A_410] : memref<8x32x128xf32, #tpu.memory_space<vmem>> -> memref<1x32x128xf32, #tpu.memory_space<vmem>>
      %dma_wait3A_412 = tpu.memref_squeeze %dma_wait3A_411 : memref<1x32x128xf32, #tpu.memory_space<vmem>> -> memref<32x128xf32, #tpu.memory_space<vmem>>
      %dma_wait3A_413 = arith.constant 0 : i32
      %dma_wait3A_414 = tpu.memref_slice %arg4[%dma_wait3A_413, %multiple_of3A_173] : memref<32x1000000xf32, #tpu.memory_space<hbm>> -> memref<32x128xf32, #tpu.memory_space<hbm>>
      %dma_wait3A_415 = arith.constant 0 : i32
      %dma_wait3A_416 = arith.constant 0 : i32
      %dma_wait3A_417 = tpu.memref_slice %arg9[%dma_wait3A_408, %dma_wait3A_415, %dma_wait3A_416] : memref<8x32x128xf32, #tpu.memory_space<vmem>> -> memref<1x32x128xf32, #tpu.memory_space<vmem>>
      %dma_wait3A_418 = tpu.memref_squeeze %dma_wait3A_417 : memref<1x32x128xf32, #tpu.memory_space<vmem>> -> memref<32x128xf32, #tpu.memory_space<vmem>>
      %dma_wait3A_419 = arith.constant 0 : i32
      %dma_wait3A_420 = tpu.memref_slice %arg4[%dma_wait3A_419, %multiple_of3A_173] : memref<32x1000000xf32, #tpu.memory_space<hbm>> -> memref<32x128xf32, #tpu.memory_space<hbm>>
      tpu.wait_dma2 semaphore(%arg12 : memref<!tpu.dma_semaphore, #tpu.memory_space<semaphore_mem>>) src(%dma_wait3A_420 : memref<32x128xf32, #tpu.memory_space<hbm>>) dst(%dma_wait3A_418 : memref<32x128xf32, #tpu.memory_space<vmem>>)
      %dma_wait3A_421 = arith.constant 3 : i32
      %dma_wait3A_422 = arith.constant 0 : i32
      %dma_wait3A_423 = arith.constant 0 : i32
      %dma_wait3A_424 = tpu.memref_slice %arg10[%dma_wait3A_421, %dma_wait3A_422, %dma_wait3A_423] : memref<8x32x128xf32, #tpu.memory_space<vmem>> -> memref<1x32x128xf32, #tpu.memory_space<vmem>>
      %dma_wait3A_425 = tpu.memref_squeeze %dma_wait3A_424 : memref<1x32x128xf32, #tpu.memory_space<vmem>> -> memref<32x128xf32, #tpu.memory_space<vmem>>
      %dma_wait3A_426 = arith.constant 0 : i32
      %dma_wait3A_427 = tpu.memref_slice %arg5[%dma_wait3A_426, %multiple_of3A_189] : memref<32x1000000xf32, #tpu.memory_space<hbm>> -> memref<32x128xf32, #tpu.memory_space<hbm>>
      %dma_wait3A_428 = arith.constant 0 : i32
      %dma_wait3A_429 = arith.constant 0 : i32
      %dma_wait3A_430 = tpu.memref_slice %arg10[%dma_wait3A_421, %dma_wait3A_428, %dma_wait3A_429] : memref<8x32x128xf32, #tpu.memory_space<vmem>> -> memref<1x32x128xf32, #tpu.memory_space<vmem>>
      %dma_wait3A_431 = tpu.memref_squeeze %dma_wait3A_430 : memref<1x32x128xf32, #tpu.memory_space<vmem>> -> memref<32x128xf32, #tpu.memory_space<vmem>>
      %dma_wait3A_432 = arith.constant 0 : i32
      %dma_wait3A_433 = tpu.memref_slice %arg5[%dma_wait3A_432, %multiple_of3A_189] : memref<32x1000000xf32, #tpu.memory_space<hbm>> -> memref<32x128xf32, #tpu.memory_space<hbm>>
      tpu.wait_dma2 semaphore(%arg12 : memref<!tpu.dma_semaphore, #tpu.memory_space<semaphore_mem>>) src(%dma_wait3A_433 : memref<32x128xf32, #tpu.memory_space<hbm>>) dst(%dma_wait3A_431 : memref<32x128xf32, #tpu.memory_space<vmem>>)
      %dma_wait3A_434 = arith.constant 4 : i32
      %dma_wait3A_435 = arith.constant 0 : i32
      %dma_wait3A_436 = arith.constant 0 : i32
      %dma_wait3A_437 = tpu.memref_slice %arg9[%dma_wait3A_434, %dma_wait3A_435, %dma_wait3A_436] : memref<8x32x128xf32, #tpu.memory_space<vmem>> -> memref<1x32x128xf32, #tpu.memory_space<vmem>>
      %dma_wait3A_438 = tpu.memref_squeeze %dma_wait3A_437 : memref<1x32x128xf32, #tpu.memory_space<vmem>> -> memref<32x128xf32, #tpu.memory_space<vmem>>
      %dma_wait3A_439 = arith.constant 0 : i32
      %dma_wait3A_440 = tpu.memref_slice %arg4[%dma_wait3A_439, %multiple_of3A_205] : memref<32x1000000xf32, #tpu.memory_space<hbm>> -> memref<32x128xf32, #tpu.memory_space<hbm>>
      %dma_wait3A_441 = arith.constant 0 : i32
      %dma_wait3A_442 = arith.constant 0 : i32
      %dma_wait3A_443 = tpu.memref_slice %arg9[%dma_wait3A_434, %dma_wait3A_441, %dma_wait3A_442] : memref<8x32x128xf32, #tpu.memory_space<vmem>> -> memref<1x32x128xf32, #tpu.memory_space<vmem>>
      %dma_wait3A_444 = tpu.memref_squeeze %dma_wait3A_443 : memref<1x32x128xf32, #tpu.memory_space<vmem>> -> memref<32x128xf32, #tpu.memory_space<vmem>>
      %dma_wait3A_445 = arith.constant 0 : i32
      %dma_wait3A_446 = tpu.memref_slice %arg4[%dma_wait3A_445, %multiple_of3A_205] : memref<32x1000000xf32, #tpu.memory_space<hbm>> -> memref<32x128xf32, #tpu.memory_space<hbm>>
      tpu.wait_dma2 semaphore(%arg12 : memref<!tpu.dma_semaphore, #tpu.memory_space<semaphore_mem>>) src(%dma_wait3A_446 : memref<32x128xf32, #tpu.memory_space<hbm>>) dst(%dma_wait3A_444 : memref<32x128xf32, #tpu.memory_space<vmem>>)
      %dma_wait3A_447 = arith.constant 4 : i32
      %dma_wait3A_448 = arith.constant 0 : i32
      %dma_wait3A_449 = arith.constant 0 : i32
      %dma_wait3A_450 = tpu.memref_slice %arg10[%dma_wait3A_447, %dma_wait3A_448, %dma_wait3A_449] : memref<8x32x128xf32, #tpu.memory_space<vmem>> -> memref<1x32x128xf32, #tpu.memory_space<vmem>>
      %dma_wait3A_451 = tpu.memref_squeeze %dma_wait3A_450 : memref<1x32x128xf32, #tpu.memory_space<vmem>> -> memref<32x128xf32, #tpu.memory_space<vmem>>
      %dma_wait3A_452 = arith.constant 0 : i32
      %dma_wait3A_453 = tpu.memref_slice %arg5[%dma_wait3A_452, %multiple_of3A_221] : memref<32x1000000xf32, #tpu.memory_space<hbm>> -> memref<32x128xf32, #tpu.memory_space<hbm>>
      %dma_wait3A_454 = arith.constant 0 : i32
      %dma_wait3A_455 = arith.constant 0 : i32
      %dma_wait3A_456 = tpu.memref_slice %arg10[%dma_wait3A_447, %dma_wait3A_454, %dma_wait3A_455] : memref<8x32x128xf32, #tpu.memory_space<vmem>> -> memref<1x32x128xf32, #tpu.memory_space<vmem>>
      %dma_wait3A_457 = tpu.memref_squeeze %dma_wait3A_456 : memref<1x32x128xf32, #tpu.memory_space<vmem>> -> memref<32x128xf32, #tpu.memory_space<vmem>>
      %dma_wait3A_458 = arith.constant 0 : i32
      %dma_wait3A_459 = tpu.memref_slice %arg5[%dma_wait3A_458, %multiple_of3A_221] : memref<32x1000000xf32, #tpu.memory_space<hbm>> -> memref<32x128xf32, #tpu.memory_space<hbm>>
      tpu.wait_dma2 semaphore(%arg12 : memref<!tpu.dma_semaphore, #tpu.memory_space<semaphore_mem>>) src(%dma_wait3A_459 : memref<32x128xf32, #tpu.memory_space<hbm>>) dst(%dma_wait3A_457 : memref<32x128xf32, #tpu.memory_space<vmem>>)
      %dma_wait3A_460 = arith.constant 5 : i32
      %dma_wait3A_461 = arith.constant 0 : i32
      %dma_wait3A_462 = arith.constant 0 : i32
      %dma_wait3A_463 = tpu.memref_slice %arg9[%dma_wait3A_460, %dma_wait3A_461, %dma_wait3A_462] : memref<8x32x128xf32, #tpu.memory_space<vmem>> -> memref<1x32x128xf32, #tpu.memory_space<vmem>>
      %dma_wait3A_464 = tpu.memref_squeeze %dma_wait3A_463 : memref<1x32x128xf32, #tpu.memory_space<vmem>> -> memref<32x128xf32, #tpu.memory_space<vmem>>
      %dma_wait3A_465 = arith.constant 0 : i32
      %dma_wait3A_466 = tpu.memref_slice %arg4[%dma_wait3A_465, %multiple_of3A_237] : memref<32x1000000xf32, #tpu.memory_space<hbm>> -> memref<32x128xf32, #tpu.memory_space<hbm>>
      %dma_wait3A_467 = arith.constant 0 : i32
      %dma_wait3A_468 = arith.constant 0 : i32
      %dma_wait3A_469 = tpu.memref_slice %arg9[%dma_wait3A_460, %dma_wait3A_467, %dma_wait3A_468] : memref<8x32x128xf32, #tpu.memory_space<vmem>> -> memref<1x32x128xf32, #tpu.memory_space<vmem>>
      %dma_wait3A_470 = tpu.memref_squeeze %dma_wait3A_469 : memref<1x32x128xf32, #tpu.memory_space<vmem>> -> memref<32x128xf32, #tpu.memory_space<vmem>>
      %dma_wait3A_471 = arith.constant 0 : i32
      %dma_wait3A_472 = tpu.memref_slice %arg4[%dma_wait3A_471, %multiple_of3A_237] : memref<32x1000000xf32, #tpu.memory_space<hbm>> -> memref<32x128xf32, #tpu.memory_space<hbm>>
      tpu.wait_dma2 semaphore(%arg12 : memref<!tpu.dma_semaphore, #tpu.memory_space<semaphore_mem>>) src(%dma_wait3A_472 : memref<32x128xf32, #tpu.memory_space<hbm>>) dst(%dma_wait3A_470 : memref<32x128xf32, #tpu.memory_space<vmem>>)
      %dma_wait3A_473 = arith.constant 5 : i32
      %dma_wait3A_474 = arith.constant 0 : i32
      %dma_wait3A_475 = arith.constant 0 : i32
      %dma_wait3A_476 = tpu.memref_slice %arg10[%dma_wait3A_473, %dma_wait3A_474, %dma_wait3A_475] : memref<8x32x128xf32, #tpu.memory_space<vmem>> -> memref<1x32x128xf32, #tpu.memory_space<vmem>>
      %dma_wait3A_477 = tpu.memref_squeeze %dma_wait3A_476 : memref<1x32x128xf32, #tpu.memory_space<vmem>> -> memref<32x128xf32, #tpu.memory_space<vmem>>
      %dma_wait3A_478 = arith.constant 0 : i32
      %dma_wait3A_479 = tpu.memref_slice %arg5[%dma_wait3A_478, %multiple_of3A_253] : memref<32x1000000xf32, #tpu.memory_space<hbm>> -> memref<32x128xf32, #tpu.memory_space<hbm>>
      %dma_wait3A_480 = arith.constant 0 : i32
      %dma_wait3A_481 = arith.constant 0 : i32
      %dma_wait3A_482 = tpu.memref_slice %arg10[%dma_wait3A_473, %dma_wait3A_480, %dma_wait3A_481] : memref<8x32x128xf32, #tpu.memory_space<vmem>> -> memref<1x32x128xf32, #tpu.memory_space<vmem>>
      %dma_wait3A_483 = tpu.memref_squeeze %dma_wait3A_482 : memref<1x32x128xf32, #tpu.memory_space<vmem>> -> memref<32x128xf32, #tpu.memory_space<vmem>>
      %dma_wait3A_484 = arith.constant 0 : i32
      %dma_wait3A_485 = tpu.memref_slice %arg5[%dma_wait3A_484, %multiple_of3A_253] : memref<32x1000000xf32, #tpu.memory_space<hbm>> -> memref<32x128xf32, #tpu.memory_space<hbm>>
      tpu.wait_dma2 semaphore(%arg12 : memref<!tpu.dma_semaphore, #tpu.memory_space<semaphore_mem>>) src(%dma_wait3A_485 : memref<32x128xf32, #tpu.memory_space<hbm>>) dst(%dma_wait3A_483 : memref<32x128xf32, #tpu.memory_space<vmem>>)
      %dma_wait3A_486 = arith.constant 6 : i32
      %dma_wait3A_487 = arith.constant 0 : i32
      %dma_wait3A_488 = arith.constant 0 : i32
      %dma_wait3A_489 = tpu.memref_slice %arg9[%dma_wait3A_486, %dma_wait3A_487, %dma_wait3A_488] : memref<8x32x128xf32, #tpu.memory_space<vmem>> -> memref<1x32x128xf32, #tpu.memory_space<vmem>>
      %dma_wait3A_490 = tpu.memref_squeeze %dma_wait3A_489 : memref<1x32x128xf32, #tpu.memory_space<vmem>> -> memref<32x128xf32, #tpu.memory_space<vmem>>
      %dma_wait3A_491 = arith.constant 0 : i32
      %dma_wait3A_492 = tpu.memref_slice %arg4[%dma_wait3A_491, %multiple_of3A_269] : memref<32x1000000xf32, #tpu.memory_space<hbm>> -> memref<32x128xf32, #tpu.memory_space<hbm>>
      %dma_wait3A_493 = arith.constant 0 : i32
      %dma_wait3A_494 = arith.constant 0 : i32
      %dma_wait3A_495 = tpu.memref_slice %arg9[%dma_wait3A_486, %dma_wait3A_493, %dma_wait3A_494] : memref<8x32x128xf32, #tpu.memory_space<vmem>> -> memref<1x32x128xf32, #tpu.memory_space<vmem>>
      %dma_wait3A_496 = tpu.memref_squeeze %dma_wait3A_495 : memref<1x32x128xf32, #tpu.memory_space<vmem>> -> memref<32x128xf32, #tpu.memory_space<vmem>>
      %dma_wait3A_497 = arith.constant 0 : i32
      %dma_wait3A_498 = tpu.memref_slice %arg4[%dma_wait3A_497, %multiple_of3A_269] : memref<32x1000000xf32, #tpu.memory_space<hbm>> -> memref<32x128xf32, #tpu.memory_space<hbm>>
      tpu.wait_dma2 semaphore(%arg12 : memref<!tpu.dma_semaphore, #tpu.memory_space<semaphore_mem>>) src(%dma_wait3A_498 : memref<32x128xf32, #tpu.memory_space<hbm>>) dst(%dma_wait3A_496 : memref<32x128xf32, #tpu.memory_space<vmem>>)
      %dma_wait3A_499 = arith.constant 6 : i32
      %dma_wait3A_500 = arith.constant 0 : i32
      %dma_wait3A_501 = arith.constant 0 : i32
      %dma_wait3A_502 = tpu.memref_slice %arg10[%dma_wait3A_499, %dma_wait3A_500, %dma_wait3A_501] : memref<8x32x128xf32, #tpu.memory_space<vmem>> -> memref<1x32x128xf32, #tpu.memory_space<vmem>>
      %dma_wait3A_503 = tpu.memref_squeeze %dma_wait3A_502 : memref<1x32x128xf32, #tpu.memory_space<vmem>> -> memref<32x128xf32, #tpu.memory_space<vmem>>
      %dma_wait3A_504 = arith.constant 0 : i32
      %dma_wait3A_505 = tpu.memref_slice %arg5[%dma_wait3A_504, %multiple_of3A_285] : memref<32x1000000xf32, #tpu.memory_space<hbm>> -> memref<32x128xf32, #tpu.memory_space<hbm>>
      %dma_wait3A_506 = arith.constant 0 : i32
      %dma_wait3A_507 = arith.constant 0 : i32
      %dma_wait3A_508 = tpu.memref_slice %arg10[%dma_wait3A_499, %dma_wait3A_506, %dma_wait3A_507] : memref<8x32x128xf32, #tpu.memory_space<vmem>> -> memref<1x32x128xf32, #tpu.memory_space<vmem>>
      %dma_wait3A_509 = tpu.memref_squeeze %dma_wait3A_508 : memref<1x32x128xf32, #tpu.memory_space<vmem>> -> memref<32x128xf32, #tpu.memory_space<vmem>>
      %dma_wait3A_510 = arith.constant 0 : i32
      %dma_wait3A_511 = tpu.memref_slice %arg5[%dma_wait3A_510, %multiple_of3A_285] : memref<32x1000000xf32, #tpu.memory_space<hbm>> -> memref<32x128xf32, #tpu.memory_space<hbm>>
      tpu.wait_dma2 semaphore(%arg12 : memref<!tpu.dma_semaphore, #tpu.memory_space<semaphore_mem>>) src(%dma_wait3A_511 : memref<32x128xf32, #tpu.memory_space<hbm>>) dst(%dma_wait3A_509 : memref<32x128xf32, #tpu.memory_space<vmem>>)
      %dma_wait3A_512 = arith.constant 7 : i32
      %dma_wait3A_513 = arith.constant 0 : i32
      %dma_wait3A_514 = arith.constant 0 : i32
      %dma_wait3A_515 = tpu.memref_slice %arg9[%dma_wait3A_512, %dma_wait3A_513, %dma_wait3A_514] : memref<8x32x128xf32, #tpu.memory_space<vmem>> -> memref<1x32x128xf32, #tpu.memory_space<vmem>>
      %dma_wait3A_516 = tpu.memref_squeeze %dma_wait3A_515 : memref<1x32x128xf32, #tpu.memory_space<vmem>> -> memref<32x128xf32, #tpu.memory_space<vmem>>
      %dma_wait3A_517 = arith.constant 0 : i32
      %dma_wait3A_518 = tpu.memref_slice %arg4[%dma_wait3A_517, %multiple_of3A_301] : memref<32x1000000xf32, #tpu.memory_space<hbm>> -> memref<32x128xf32, #tpu.memory_space<hbm>>
      %dma_wait3A_519 = arith.constant 0 : i32
      %dma_wait3A_520 = arith.constant 0 : i32
      %dma_wait3A_521 = tpu.memref_slice %arg9[%dma_wait3A_512, %dma_wait3A_519, %dma_wait3A_520] : memref<8x32x128xf32, #tpu.memory_space<vmem>> -> memref<1x32x128xf32, #tpu.memory_space<vmem>>
      %dma_wait3A_522 = tpu.memref_squeeze %dma_wait3A_521 : memref<1x32x128xf32, #tpu.memory_space<vmem>> -> memref<32x128xf32, #tpu.memory_space<vmem>>
      %dma_wait3A_523 = arith.constant 0 : i32
      %dma_wait3A_524 = tpu.memref_slice %arg4[%dma_wait3A_523, %multiple_of3A_301] : memref<32x1000000xf32, #tpu.memory_space<hbm>> -> memref<32x128xf32, #tpu.memory_space<hbm>>
      tpu.wait_dma2 semaphore(%arg12 : memref<!tpu.dma_semaphore, #tpu.memory_space<semaphore_mem>>) src(%dma_wait3A_524 : memref<32x128xf32, #tpu.memory_space<hbm>>) dst(%dma_wait3A_522 : memref<32x128xf32, #tpu.memory_space<vmem>>)
      %dma_wait3A_525 = arith.constant 7 : i32
      %dma_wait3A_526 = arith.constant 0 : i32
      %dma_wait3A_527 = arith.constant 0 : i32
      %dma_wait3A_528 = tpu.memref_slice %arg10[%dma_wait3A_525, %dma_wait3A_526, %dma_wait3A_527] : memref<8x32x128xf32, #tpu.memory_space<vmem>> -> memref<1x32x128xf32, #tpu.memory_space<vmem>>
      %dma_wait3A_529 = tpu.memref_squeeze %dma_wait3A_528 : memref<1x32x128xf32, #tpu.memory_space<vmem>> -> memref<32x128xf32, #tpu.memory_space<vmem>>
      %dma_wait3A_530 = arith.constant 0 : i32
      %dma_wait3A_531 = tpu.memref_slice %arg5[%dma_wait3A_530, %multiple_of3A_317] : memref<32x1000000xf32, #tpu.memory_space<hbm>> -> memref<32x128xf32, #tpu.memory_space<hbm>>
      %dma_wait3A_532 = arith.constant 0 : i32
      %dma_wait3A_533 = arith.constant 0 : i32
      %dma_wait3A_534 = tpu.memref_slice %arg10[%dma_wait3A_525, %dma_wait3A_532, %dma_wait3A_533] : memref<8x32x128xf32, #tpu.memory_space<vmem>> -> memref<1x32x128xf32, #tpu.memory_space<vmem>>
      %dma_wait3A_535 = tpu.memref_squeeze %dma_wait3A_534 : memref<1x32x128xf32, #tpu.memory_space<vmem>> -> memref<32x128xf32, #tpu.memory_space<vmem>>
      %dma_wait3A_536 = arith.constant 0 : i32
      %dma_wait3A_537 = tpu.memref_slice %arg5[%dma_wait3A_536, %multiple_of3A_317] : memref<32x1000000xf32, #tpu.memory_space<hbm>> -> memref<32x128xf32, #tpu.memory_space<hbm>>
      tpu.wait_dma2 semaphore(%arg12 : memref<!tpu.dma_semaphore, #tpu.memory_space<semaphore_mem>>) src(%dma_wait3A_537 : memref<32x128xf32, #tpu.memory_space<hbm>>) dst(%dma_wait3A_535 : memref<32x128xf32, #tpu.memory_space<vmem>>)
      %broadcast_in_dim3A_538 = arith.constant 0 : i32
      %broadcast_in_dim3A_539 = vector.broadcast %broadcast_in_dim3A_538 : i32 to vector<16xi32>
      %slice3A_540 = vector.extract_strided_slice %sub3A_76 {offsets = [0], sizes = [1], strides = [1]} : vector<16xi32> to vector<1xi32>
      %squeeze3A_541 = vector.extract %slice3A_540[0] : i32 from vector<1xi32>
      %broadcast_in_dim3A_542 = vector.broadcast %squeeze3A_541 : i32 to vector<16xi32>
      %slice3A_543 = vector.extract_strided_slice %sub3A_77 {offsets = [0], sizes = [1], strides = [1]} : vector<16xi32> to vector<1xi32>
      %squeeze3A_544 = vector.extract %slice3A_543[0] : i32 from vector<1xi32>
      %broadcast_in_dim3A_545 = vector.broadcast %squeeze3A_544 : i32 to vector<16xi32>
      %gather3A = tpu.vector_load_idx %arg9[%broadcast_in_dim3A_539, %iota3A, %broadcast_in_dim3A_542] : memref<8x32x128xf32, #tpu.memory_space<vmem>>[vector<16xi32>, vector<16xi32>, vector<16xi32>], vector<16xf32>,
      %add3A_546 = arith.constant 16 : i32
      %add3A_547 = vector.broadcast %add3A_546 : i32 to vector<16xi32>
      %add3A_548 = arith.addi %iota3A, %add3A_547 : vector<16xi32>
      %gather3A_549 = tpu.vector_load_idx %arg9[%broadcast_in_dim3A_539, %add3A_548, %broadcast_in_dim3A_542] : memref<8x32x128xf32, #tpu.memory_space<vmem>>[vector<16xi32>, vector<16xi32>, vector<16xi32>], vector<16xf32>,
      %gather3A_550 = tpu.vector_load_idx %arg10[%broadcast_in_dim3A_539, %iota3A, %broadcast_in_dim3A_545] : memref<8x32x128xf32, #tpu.memory_space<vmem>>[vector<16xi32>, vector<16xi32>, vector<16xi32>], vector<16xf32>,
      %add3A_551 = arith.constant 16 : i32
      %add3A_552 = vector.broadcast %add3A_551 : i32 to vector<16xi32>
      %add3A_553 = arith.addi %iota3A, %add3A_552 : vector<16xi32>
      %gather3A_554 = tpu.vector_load_idx %arg10[%broadcast_in_dim3A_539, %add3A_553, %broadcast_in_dim3A_545] : memref<8x32x128xf32, #tpu.memory_space<vmem>>[vector<16xi32>, vector<16xi32>, vector<16xi32>], vector<16xf32>,
      %mul3A_555 = arith.mulf %gather3A, %gather3A_550 : vector<16xf32>
      %mul3A_556 = arith.mulf %gather3A_549, %gather3A_554 : vector<16xf32>
      %add3A_557 = arith.addf %mul3A_555, %mul3A_556 : vector<16xf32>
      %reduce_sum3A = arith.constant true
      %reduce_sum3A_558 = vector.broadcast %reduce_sum3A : i1 to vector<16xi1>
      %reduce_sum3A_559 = tpu.scan <sum>, %add3A_557 masked %reduce_sum3A_558 : vector<16xf32>, vector<16xi1> -> vector<16xf32>
      %reduce_sum3A_560 = vector.extract %reduce_sum3A_559[15] : f32 from vector<16xf32>
      %eq3A = arith.constant 0 : i32
      %eq3A_561 = vector.broadcast %eq3A : i32 to vector<16xi32>
      %eq3A_562 = arith.cmpi eq, %iota3A, %eq3A_561 : vector<16xi32>
      %broadcast_in_dim3A_563 = vector.broadcast %reduce_sum3A_560 : f32 to vector<16xf32>
      %select_n3A_564 = arith.select %eq3A_562, %broadcast_in_dim3A_563, %broadcast_in_dim3A_78 : vector<16xi1>, vector<16xf32>
      %broadcast_in_dim3A_565 = arith.constant 1 : i32
      %broadcast_in_dim3A_566 = vector.broadcast %broadcast_in_dim3A_565 : i32 to vector<16xi32>
      %slice3A_567 = vector.extract_strided_slice %sub3A_76 {offsets = [1], sizes = [1], strides = [1]} : vector<16xi32> to vector<1xi32>
      %squeeze3A_568 = vector.extract %slice3A_567[0] : i32 from vector<1xi32>
      %broadcast_in_dim3A_569 = vector.broadcast %squeeze3A_568 : i32 to vector<16xi32>
      %slice3A_570 = vector.extract_strided_slice %sub3A_77 {offsets = [1], sizes = [1], strides = [1]} : vector<16xi32> to vector<1xi32>
      %squeeze3A_571 = vector.extract %slice3A_570[0] : i32 from vector<1xi32>
      %broadcast_in_dim3A_572 = vector.broadcast %squeeze3A_571 : i32 to vector<16xi32>
      %gather3A_573 = tpu.vector_load_idx %arg9[%broadcast_in_dim3A_566, %iota3A, %broadcast_in_dim3A_569] : memref<8x32x128xf32, #tpu.memory_space<vmem>>[vector<16xi32>, vector<16xi32>, vector<16xi32>], vector<16xf32>,
      %add3A_574 = arith.constant 16 : i32
      %add3A_575 = vector.broadcast %add3A_574 : i32 to vector<16xi32>
      %add3A_576 = arith.addi %iota3A, %add3A_575 : vector<16xi32>
      %gather3A_577 = tpu.vector_load_idx %arg9[%broadcast_in_dim3A_566, %add3A_576, %broadcast_in_dim3A_569] : memref<8x32x128xf32, #tpu.memory_space<vmem>>[vector<16xi32>, vector<16xi32>, vector<16xi32>], vector<16xf32>,
      %gather3A_578 = tpu.vector_load_idx %arg10[%broadcast_in_dim3A_566, %iota3A, %broadcast_in_dim3A_572] : memref<8x32x128xf32, #tpu.memory_space<vmem>>[vector<16xi32>, vector<16xi32>, vector<16xi32>], vector<16xf32>,
      %add3A_579 = arith.constant 16 : i32
      %add3A_580 = vector.broadcast %add3A_579 : i32 to vector<16xi32>
      %add3A_581 = arith.addi %iota3A, %add3A_580 : vector<16xi32>
      %gather3A_582 = tpu.vector_load_idx %arg10[%broadcast_in_dim3A_566, %add3A_581, %broadcast_in_dim3A_572] : memref<8x32x128xf32, #tpu.memory_space<vmem>>[vector<16xi32>, vector<16xi32>, vector<16xi32>], vector<16xf32>,
      %mul3A_583 = arith.mulf %gather3A_573, %gather3A_578 : vector<16xf32>
      %mul3A_584 = arith.mulf %gather3A_577, %gather3A_582 : vector<16xf32>
      %add3A_585 = arith.addf %mul3A_583, %mul3A_584 : vector<16xf32>
      %reduce_sum3A_586 = arith.constant true
      %reduce_sum3A_587 = vector.broadcast %reduce_sum3A_586 : i1 to vector<16xi1>
      %reduce_sum3A_588 = tpu.scan <sum>, %add3A_585 masked %reduce_sum3A_587 : vector<16xf32>, vector<16xi1> -> vector<16xf32>
      %reduce_sum3A_589 = vector.extract %reduce_sum3A_588[15] : f32 from vector<16xf32>
      %eq3A_590 = arith.constant 1 : i32
      %eq3A_591 = vector.broadcast %eq3A_590 : i32 to vector<16xi32>
      %eq3A_592 = arith.cmpi eq, %iota3A, %eq3A_591 : vector<16xi32>
      %broadcast_in_dim3A_593 = vector.broadcast %reduce_sum3A_589 : f32 to vector<16xf32>
      %select_n3A_594 = arith.select %eq3A_592, %broadcast_in_dim3A_593, %select_n3A_564 : vector<16xi1>, vector<16xf32>
      %broadcast_in_dim3A_595 = arith.constant 2 : i32
      %broadcast_in_dim3A_596 = vector.broadcast %broadcast_in_dim3A_595 : i32 to vector<16xi32>
      %slice3A_597 = vector.extract_strided_slice %sub3A_76 {offsets = [2], sizes = [1], strides = [1]} : vector<16xi32> to vector<1xi32>
      %squeeze3A_598 = vector.extract %slice3A_597[0] : i32 from vector<1xi32>
      %broadcast_in_dim3A_599 = vector.broadcast %squeeze3A_598 : i32 to vector<16xi32>
      %slice3A_600 = vector.extract_strided_slice %sub3A_77 {offsets = [2], sizes = [1], strides = [1]} : vector<16xi32> to vector<1xi32>
      %squeeze3A_601 = vector.extract %slice3A_600[0] : i32 from vector<1xi32>
      %broadcast_in_dim3A_602 = vector.broadcast %squeeze3A_601 : i32 to vector<16xi32>
      %gather3A_603 = tpu.vector_load_idx %arg9[%broadcast_in_dim3A_596, %iota3A, %broadcast_in_dim3A_599] : memref<8x32x128xf32, #tpu.memory_space<vmem>>[vector<16xi32>, vector<16xi32>, vector<16xi32>], vector<16xf32>,
      %add3A_604 = arith.constant 16 : i32
      %add3A_605 = vector.broadcast %add3A_604 : i32 to vector<16xi32>
      %add3A_606 = arith.addi %iota3A, %add3A_605 : vector<16xi32>
      %gather3A_607 = tpu.vector_load_idx %arg9[%broadcast_in_dim3A_596, %add3A_606, %broadcast_in_dim3A_599] : memref<8x32x128xf32, #tpu.memory_space<vmem>>[vector<16xi32>, vector<16xi32>, vector<16xi32>], vector<16xf32>,
      %gather3A_608 = tpu.vector_load_idx %arg10[%broadcast_in_dim3A_596, %iota3A, %broadcast_in_dim3A_602] : memref<8x32x128xf32, #tpu.memory_space<vmem>>[vector<16xi32>, vector<16xi32>, vector<16xi32>], vector<16xf32>,
      %add3A_609 = arith.constant 16 : i32
      %add3A_610 = vector.broadcast %add3A_609 : i32 to vector<16xi32>
      %add3A_611 = arith.addi %iota3A, %add3A_610 : vector<16xi32>
      %gather3A_612 = tpu.vector_load_idx %arg10[%broadcast_in_dim3A_596, %add3A_611, %broadcast_in_dim3A_602] : memref<8x32x128xf32, #tpu.memory_space<vmem>>[vector<16xi32>, vector<16xi32>, vector<16xi32>], vector<16xf32>,
      %mul3A_613 = arith.mulf %gather3A_603, %gather3A_608 : vector<16xf32>
      %mul3A_614 = arith.mulf %gather3A_607, %gather3A_612 : vector<16xf32>
      %add3A_615 = arith.addf %mul3A_613, %mul3A_614 : vector<16xf32>
      %reduce_sum3A_616 = arith.constant true
      %reduce_sum3A_617 = vector.broadcast %reduce_sum3A_616 : i1 to vector<16xi1>
      %reduce_sum3A_618 = tpu.scan <sum>, %add3A_615 masked %reduce_sum3A_617 : vector<16xf32>, vector<16xi1> -> vector<16xf32>
      %reduce_sum3A_619 = vector.extract %reduce_sum3A_618[15] : f32 from vector<16xf32>
      %eq3A_620 = arith.constant 2 : i32
      %eq3A_621 = vector.broadcast %eq3A_620 : i32 to vector<16xi32>
      %eq3A_622 = arith.cmpi eq, %iota3A, %eq3A_621 : vector<16xi32>
      %broadcast_in_dim3A_623 = vector.broadcast %reduce_sum3A_619 : f32 to vector<16xf32>
      %select_n3A_624 = arith.select %eq3A_622, %broadcast_in_dim3A_623, %select_n3A_594 : vector<16xi1>, vector<16xf32>
      %broadcast_in_dim3A_625 = arith.constant 3 : i32
      %broadcast_in_dim3A_626 = vector.broadcast %broadcast_in_dim3A_625 : i32 to vector<16xi32>
      %slice3A_627 = vector.extract_strided_slice %sub3A_76 {offsets = [3], sizes = [1], strides = [1]} : vector<16xi32> to vector<1xi32>
      %squeeze3A_628 = vector.extract %slice3A_627[0] : i32 from vector<1xi32>
      %broadcast_in_dim3A_629 = vector.broadcast %squeeze3A_628 : i32 to vector<16xi32>
      %slice3A_630 = vector.extract_strided_slice %sub3A_77 {offsets = [3], sizes = [1], strides = [1]} : vector<16xi32> to vector<1xi32>
      %squeeze3A_631 = vector.extract %slice3A_630[0] : i32 from vector<1xi32>
      %broadcast_in_dim3A_632 = vector.broadcast %squeeze3A_631 : i32 to vector<16xi32>
      %gather3A_633 = tpu.vector_load_idx %arg9[%broadcast_in_dim3A_626, %iota3A, %broadcast_in_dim3A_629] : memref<8x32x128xf32, #tpu.memory_space<vmem>>[vector<16xi32>, vector<16xi32>, vector<16xi32>], vector<16xf32>,
      %add3A_634 = arith.constant 16 : i32
      %add3A_635 = vector.broadcast %add3A_634 : i32 to vector<16xi32>
      %add3A_636 = arith.addi %iota3A, %add3A_635 : vector<16xi32>
      %gather3A_637 = tpu.vector_load_idx %arg9[%broadcast_in_dim3A_626, %add3A_636, %broadcast_in_dim3A_629] : memref<8x32x128xf32, #tpu.memory_space<vmem>>[vector<16xi32>, vector<16xi32>, vector<16xi32>], vector<16xf32>,
      %gather3A_638 = tpu.vector_load_idx %arg10[%broadcast_in_dim3A_626, %iota3A, %broadcast_in_dim3A_632] : memref<8x32x128xf32, #tpu.memory_space<vmem>>[vector<16xi32>, vector<16xi32>, vector<16xi32>], vector<16xf32>,
      %add3A_639 = arith.constant 16 : i32
      %add3A_640 = vector.broadcast %add3A_639 : i32 to vector<16xi32>
      %add3A_641 = arith.addi %iota3A, %add3A_640 : vector<16xi32>
      %gather3A_642 = tpu.vector_load_idx %arg10[%broadcast_in_dim3A_626, %add3A_641, %broadcast_in_dim3A_632] : memref<8x32x128xf32, #tpu.memory_space<vmem>>[vector<16xi32>, vector<16xi32>, vector<16xi32>], vector<16xf32>,
      %mul3A_643 = arith.mulf %gather3A_633, %gather3A_638 : vector<16xf32>
      %mul3A_644 = arith.mulf %gather3A_637, %gather3A_642 : vector<16xf32>
      %add3A_645 = arith.addf %mul3A_643, %mul3A_644 : vector<16xf32>
      %reduce_sum3A_646 = arith.constant true
      %reduce_sum3A_647 = vector.broadcast %reduce_sum3A_646 : i1 to vector<16xi1>
      %reduce_sum3A_648 = tpu.scan <sum>, %add3A_645 masked %reduce_sum3A_647 : vector<16xf32>, vector<16xi1> -> vector<16xf32>
      %reduce_sum3A_649 = vector.extract %reduce_sum3A_648[15] : f32 from vector<16xf32>
      %eq3A_650 = arith.constant 3 : i32
      %eq3A_651 = vector.broadcast %eq3A_650 : i32 to vector<16xi32>
      %eq3A_652 = arith.cmpi eq, %iota3A, %eq3A_651 : vector<16xi32>
      %broadcast_in_dim3A_653 = vector.broadcast %reduce_sum3A_649 : f32 to vector<16xf32>
      %select_n3A_654 = arith.select %eq3A_652, %broadcast_in_dim3A_653, %select_n3A_624 : vector<16xi1>, vector<16xf32>
      %broadcast_in_dim3A_655 = arith.constant 4 : i32
      %broadcast_in_dim3A_656 = vector.broadcast %broadcast_in_dim3A_655 : i32 to vector<16xi32>
      %slice3A_657 = vector.extract_strided_slice %sub3A_76 {offsets = [4], sizes = [1], strides = [1]} : vector<16xi32> to vector<1xi32>
      %squeeze3A_658 = vector.extract %slice3A_657[0] : i32 from vector<1xi32>
      %broadcast_in_dim3A_659 = vector.broadcast %squeeze3A_658 : i32 to vector<16xi32>
      %slice3A_660 = vector.extract_strided_slice %sub3A_77 {offsets = [4], sizes = [1], strides = [1]} : vector<16xi32> to vector<1xi32>
      %squeeze3A_661 = vector.extract %slice3A_660[0] : i32 from vector<1xi32>
      %broadcast_in_dim3A_662 = vector.broadcast %squeeze3A_661 : i32 to vector<16xi32>
      %gather3A_663 = tpu.vector_load_idx %arg9[%broadcast_in_dim3A_656, %iota3A, %broadcast_in_dim3A_659] : memref<8x32x128xf32, #tpu.memory_space<vmem>>[vector<16xi32>, vector<16xi32>, vector<16xi32>], vector<16xf32>,
      %add3A_664 = arith.constant 16 : i32
      %add3A_665 = vector.broadcast %add3A_664 : i32 to vector<16xi32>
      %add3A_666 = arith.addi %iota3A, %add3A_665 : vector<16xi32>
      %gather3A_667 = tpu.vector_load_idx %arg9[%broadcast_in_dim3A_656, %add3A_666, %broadcast_in_dim3A_659] : memref<8x32x128xf32, #tpu.memory_space<vmem>>[vector<16xi32>, vector<16xi32>, vector<16xi32>], vector<16xf32>,
      %gather3A_668 = tpu.vector_load_idx %arg10[%broadcast_in_dim3A_656, %iota3A, %broadcast_in_dim3A_662] : memref<8x32x128xf32, #tpu.memory_space<vmem>>[vector<16xi32>, vector<16xi32>, vector<16xi32>], vector<16xf32>,
      %add3A_669 = arith.constant 16 : i32
      %add3A_670 = vector.broadcast %add3A_669 : i32 to vector<16xi32>
      %add3A_671 = arith.addi %iota3A, %add3A_670 : vector<16xi32>
      %gather3A_672 = tpu.vector_load_idx %arg10[%broadcast_in_dim3A_656, %add3A_671, %broadcast_in_dim3A_662] : memref<8x32x128xf32, #tpu.memory_space<vmem>>[vector<16xi32>, vector<16xi32>, vector<16xi32>], vector<16xf32>,
      %mul3A_673 = arith.mulf %gather3A_663, %gather3A_668 : vector<16xf32>
      %mul3A_674 = arith.mulf %gather3A_667, %gather3A_672 : vector<16xf32>
      %add3A_675 = arith.addf %mul3A_673, %mul3A_674 : vector<16xf32>
      %reduce_sum3A_676 = arith.constant true
      %reduce_sum3A_677 = vector.broadcast %reduce_sum3A_676 : i1 to vector<16xi1>
      %reduce_sum3A_678 = tpu.scan <sum>, %add3A_675 masked %reduce_sum3A_677 : vector<16xf32>, vector<16xi1> -> vector<16xf32>
      %reduce_sum3A_679 = vector.extract %reduce_sum3A_678[15] : f32 from vector<16xf32>
      %eq3A_680 = arith.constant 4 : i32
      %eq3A_681 = vector.broadcast %eq3A_680 : i32 to vector<16xi32>
      %eq3A_682 = arith.cmpi eq, %iota3A, %eq3A_681 : vector<16xi32>
      %broadcast_in_dim3A_683 = vector.broadcast %reduce_sum3A_679 : f32 to vector<16xf32>
      %select_n3A_684 = arith.select %eq3A_682, %broadcast_in_dim3A_683, %select_n3A_654 : vector<16xi1>, vector<16xf32>
      %broadcast_in_dim3A_685 = arith.constant 5 : i32
      %broadcast_in_dim3A_686 = vector.broadcast %broadcast_in_dim3A_685 : i32 to vector<16xi32>
      %slice3A_687 = vector.extract_strided_slice %sub3A_76 {offsets = [5], sizes = [1], strides = [1]} : vector<16xi32> to vector<1xi32>
      %squeeze3A_688 = vector.extract %slice3A_687[0] : i32 from vector<1xi32>
      %broadcast_in_dim3A_689 = vector.broadcast %squeeze3A_688 : i32 to vector<16xi32>
      %slice3A_690 = vector.extract_strided_slice %sub3A_77 {offsets = [5], sizes = [1], strides = [1]} : vector<16xi32> to vector<1xi32>
      %squeeze3A_691 = vector.extract %slice3A_690[0] : i32 from vector<1xi32>
      %broadcast_in_dim3A_692 = vector.broadcast %squeeze3A_691 : i32 to vector<16xi32>
      %gather3A_693 = tpu.vector_load_idx %arg9[%broadcast_in_dim3A_686, %iota3A, %broadcast_in_dim3A_689] : memref<8x32x128xf32, #tpu.memory_space<vmem>>[vector<16xi32>, vector<16xi32>, vector<16xi32>], vector<16xf32>,
      %add3A_694 = arith.constant 16 : i32
      %add3A_695 = vector.broadcast %add3A_694 : i32 to vector<16xi32>
      %add3A_696 = arith.addi %iota3A, %add3A_695 : vector<16xi32>
      %gather3A_697 = tpu.vector_load_idx %arg9[%broadcast_in_dim3A_686, %add3A_696, %broadcast_in_dim3A_689] : memref<8x32x128xf32, #tpu.memory_space<vmem>>[vector<16xi32>, vector<16xi32>, vector<16xi32>], vector<16xf32>,
      %gather3A_698 = tpu.vector_load_idx %arg10[%broadcast_in_dim3A_686, %iota3A, %broadcast_in_dim3A_692] : memref<8x32x128xf32, #tpu.memory_space<vmem>>[vector<16xi32>, vector<16xi32>, vector<16xi32>], vector<16xf32>,
      %add3A_699 = arith.constant 16 : i32
      %add3A_700 = vector.broadcast %add3A_699 : i32 to vector<16xi32>
      %add3A_701 = arith.addi %iota3A, %add3A_700 : vector<16xi32>
      %gather3A_702 = tpu.vector_load_idx %arg10[%broadcast_in_dim3A_686, %add3A_701, %broadcast_in_dim3A_692] : memref<8x32x128xf32, #tpu.memory_space<vmem>>[vector<16xi32>, vector<16xi32>, vector<16xi32>], vector<16xf32>,
      %mul3A_703 = arith.mulf %gather3A_693, %gather3A_698 : vector<16xf32>
      %mul3A_704 = arith.mulf %gather3A_697, %gather3A_702 : vector<16xf32>
      %add3A_705 = arith.addf %mul3A_703, %mul3A_704 : vector<16xf32>
      %reduce_sum3A_706 = arith.constant true
      %reduce_sum3A_707 = vector.broadcast %reduce_sum3A_706 : i1 to vector<16xi1>
      %reduce_sum3A_708 = tpu.scan <sum>, %add3A_705 masked %reduce_sum3A_707 : vector<16xf32>, vector<16xi1> -> vector<16xf32>
      %reduce_sum3A_709 = vector.extract %reduce_sum3A_708[15] : f32 from vector<16xf32>
      %eq3A_710 = arith.constant 5 : i32
      %eq3A_711 = vector.broadcast %eq3A_710 : i32 to vector<16xi32>
      %eq3A_712 = arith.cmpi eq, %iota3A, %eq3A_711 : vector<16xi32>
      %broadcast_in_dim3A_713 = vector.broadcast %reduce_sum3A_709 : f32 to vector<16xf32>
      %select_n3A_714 = arith.select %eq3A_712, %broadcast_in_dim3A_713, %select_n3A_684 : vector<16xi1>, vector<16xf32>
      %broadcast_in_dim3A_715 = arith.constant 6 : i32
      %broadcast_in_dim3A_716 = vector.broadcast %broadcast_in_dim3A_715 : i32 to vector<16xi32>
      %slice3A_717 = vector.extract_strided_slice %sub3A_76 {offsets = [6], sizes = [1], strides = [1]} : vector<16xi32> to vector<1xi32>
      %squeeze3A_718 = vector.extract %slice3A_717[0] : i32 from vector<1xi32>
      %broadcast_in_dim3A_719 = vector.broadcast %squeeze3A_718 : i32 to vector<16xi32>
      %slice3A_720 = vector.extract_strided_slice %sub3A_77 {offsets = [6], sizes = [1], strides = [1]} : vector<16xi32> to vector<1xi32>
      %squeeze3A_721 = vector.extract %slice3A_720[0] : i32 from vector<1xi32>
      %broadcast_in_dim3A_722 = vector.broadcast %squeeze3A_721 : i32 to vector<16xi32>
      %gather3A_723 = tpu.vector_load_idx %arg9[%broadcast_in_dim3A_716, %iota3A, %broadcast_in_dim3A_719] : memref<8x32x128xf32, #tpu.memory_space<vmem>>[vector<16xi32>, vector<16xi32>, vector<16xi32>], vector<16xf32>,
      %add3A_724 = arith.constant 16 : i32
      %add3A_725 = vector.broadcast %add3A_724 : i32 to vector<16xi32>
      %add3A_726 = arith.addi %iota3A, %add3A_725 : vector<16xi32>
      %gather3A_727 = tpu.vector_load_idx %arg9[%broadcast_in_dim3A_716, %add3A_726, %broadcast_in_dim3A_719] : memref<8x32x128xf32, #tpu.memory_space<vmem>>[vector<16xi32>, vector<16xi32>, vector<16xi32>], vector<16xf32>,
      %gather3A_728 = tpu.vector_load_idx %arg10[%broadcast_in_dim3A_716, %iota3A, %broadcast_in_dim3A_722] : memref<8x32x128xf32, #tpu.memory_space<vmem>>[vector<16xi32>, vector<16xi32>, vector<16xi32>], vector<16xf32>,
      %add3A_729 = arith.constant 16 : i32
      %add3A_730 = vector.broadcast %add3A_729 : i32 to vector<16xi32>
      %add3A_731 = arith.addi %iota3A, %add3A_730 : vector<16xi32>
      %gather3A_732 = tpu.vector_load_idx %arg10[%broadcast_in_dim3A_716, %add3A_731, %broadcast_in_dim3A_722] : memref<8x32x128xf32, #tpu.memory_space<vmem>>[vector<16xi32>, vector<16xi32>, vector<16xi32>], vector<16xf32>,
      %mul3A_733 = arith.mulf %gather3A_723, %gather3A_728 : vector<16xf32>
      %mul3A_734 = arith.mulf %gather3A_727, %gather3A_732 : vector<16xf32>
      %add3A_735 = arith.addf %mul3A_733, %mul3A_734 : vector<16xf32>
      %reduce_sum3A_736 = arith.constant true
      %reduce_sum3A_737 = vector.broadcast %reduce_sum3A_736 : i1 to vector<16xi1>
      %reduce_sum3A_738 = tpu.scan <sum>, %add3A_735 masked %reduce_sum3A_737 : vector<16xf32>, vector<16xi1> -> vector<16xf32>
      %reduce_sum3A_739 = vector.extract %reduce_sum3A_738[15] : f32 from vector<16xf32>
      %eq3A_740 = arith.constant 6 : i32
      %eq3A_741 = vector.broadcast %eq3A_740 : i32 to vector<16xi32>
      %eq3A_742 = arith.cmpi eq, %iota3A, %eq3A_741 : vector<16xi32>
      %broadcast_in_dim3A_743 = vector.broadcast %reduce_sum3A_739 : f32 to vector<16xf32>
      %select_n3A_744 = arith.select %eq3A_742, %broadcast_in_dim3A_743, %select_n3A_714 : vector<16xi1>, vector<16xf32>
      %broadcast_in_dim3A_745 = arith.constant 7 : i32
      %broadcast_in_dim3A_746 = vector.broadcast %broadcast_in_dim3A_745 : i32 to vector<16xi32>
      %slice3A_747 = vector.extract_strided_slice %sub3A_76 {offsets = [7], sizes = [1], strides = [1]} : vector<16xi32> to vector<1xi32>
      %squeeze3A_748 = vector.extract %slice3A_747[0] : i32 from vector<1xi32>
      %broadcast_in_dim3A_749 = vector.broadcast %squeeze3A_748 : i32 to vector<16xi32>
      %slice3A_750 = vector.extract_strided_slice %sub3A_77 {offsets = [7], sizes = [1], strides = [1]} : vector<16xi32> to vector<1xi32>
      %squeeze3A_751 = vector.extract %slice3A_750[0] : i32 from vector<1xi32>
      %broadcast_in_dim3A_752 = vector.broadcast %squeeze3A_751 : i32 to vector<16xi32>
      %gather3A_753 = tpu.vector_load_idx %arg9[%broadcast_in_dim3A_746, %iota3A, %broadcast_in_dim3A_749] : memref<8x32x128xf32, #tpu.memory_space<vmem>>[vector<16xi32>, vector<16xi32>, vector<16xi32>], vector<16xf32>,
      %add3A_754 = arith.constant 16 : i32
      %add3A_755 = vector.broadcast %add3A_754 : i32 to vector<16xi32>
      %add3A_756 = arith.addi %iota3A, %add3A_755 : vector<16xi32>
      %gather3A_757 = tpu.vector_load_idx %arg9[%broadcast_in_dim3A_746, %add3A_756, %broadcast_in_dim3A_749] : memref<8x32x128xf32, #tpu.memory_space<vmem>>[vector<16xi32>, vector<16xi32>, vector<16xi32>], vector<16xf32>,
      %gather3A_758 = tpu.vector_load_idx %arg10[%broadcast_in_dim3A_746, %iota3A, %broadcast_in_dim3A_752] : memref<8x32x128xf32, #tpu.memory_space<vmem>>[vector<16xi32>, vector<16xi32>, vector<16xi32>], vector<16xf32>,
      %add3A_759 = arith.constant 16 : i32
      %add3A_760 = vector.broadcast %add3A_759 : i32 to vector<16xi32>
      %add3A_761 = arith.addi %iota3A, %add3A_760 : vector<16xi32>
      %gather3A_762 = tpu.vector_load_idx %arg10[%broadcast_in_dim3A_746, %add3A_761, %broadcast_in_dim3A_752] : memref<8x32x128xf32, #tpu.memory_space<vmem>>[vector<16xi32>, vector<16xi32>, vector<16xi32>], vector<16xf32>,
      %mul3A_763 = arith.mulf %gather3A_753, %gather3A_758 : vector<16xf32>
      %mul3A_764 = arith.mulf %gather3A_757, %gather3A_762 : vector<16xf32>
      %add3A_765 = arith.addf %mul3A_763, %mul3A_764 : vector<16xf32>
      %reduce_sum3A_766 = arith.constant true
      %reduce_sum3A_767 = vector.broadcast %reduce_sum3A_766 : i1 to vector<16xi1>
      %reduce_sum3A_768 = tpu.scan <sum>, %add3A_765 masked %reduce_sum3A_767 : vector<16xf32>, vector<16xi1> -> vector<16xf32>
      %reduce_sum3A_769 = vector.extract %reduce_sum3A_768[15] : f32 from vector<16xf32>
      %eq3A_770 = arith.constant 7 : i32
      %eq3A_771 = vector.broadcast %eq3A_770 : i32 to vector<16xi32>
      %eq3A_772 = arith.cmpi eq, %iota3A, %eq3A_771 : vector<16xi32>
      %broadcast_in_dim3A_773 = vector.broadcast %reduce_sum3A_769 : f32 to vector<16xf32>
      %select_n3A_774 = arith.select %eq3A_772, %broadcast_in_dim3A_773, %select_n3A_744 : vector<16xi1>, vector<16xf32>
      %slice3A_775 = vector.extract_strided_slice %mul3A_41 {offsets = [8], sizes = [1], strides = [1]} : vector<16xi32> to vector<1xi32>
      %squeeze3A_776 = vector.extract %slice3A_775[0] : i32 from vector<1xi32>
      %multiple_of3A_777 = tpu.assume_multiple %squeeze3A_776, 128 : i32
      %dma_start3A_778 = arith.constant 0 : i32
      %dma_start3A_779 = arith.constant 0 : i32
      %dma_start3A_780 = arith.constant 0 : i32
      %dma_start3A_781 = tpu.memref_slice %arg9[%dma_start3A_778, %dma_start3A_779, %dma_start3A_780] : memref<8x32x128xf32, #tpu.memory_space<vmem>> -> memref<1x32x128xf32, #tpu.memory_space<vmem>>
      %dma_start3A_782 = tpu.memref_squeeze %dma_start3A_781 : memref<1x32x128xf32, #tpu.memory_space<vmem>> -> memref<32x128xf32, #tpu.memory_space<vmem>>
      %dma_start3A_783 = arith.constant 0 : i32
      %dma_start3A_784 = tpu.memref_slice %arg4[%dma_start3A_783, %multiple_of3A_777] : memref<32x1000000xf32, #tpu.memory_space<hbm>> -> memref<32x128xf32, #tpu.memory_space<hbm>>
      %dma_start3A_785 = arith.constant 0 : i32
      %dma_start3A_786 = arith.constant 0 : i32
      %dma_start3A_787 = tpu.memref_slice %arg9[%dma_start3A_778, %dma_start3A_785, %dma_start3A_786] : memref<8x32x128xf32, #tpu.memory_space<vmem>> -> memref<1x32x128xf32, #tpu.memory_space<vmem>>
      %dma_start3A_788 = tpu.memref_squeeze %dma_start3A_787 : memref<1x32x128xf32, #tpu.memory_space<vmem>> -> memref<32x128xf32, #tpu.memory_space<vmem>>
      %dma_start3A_789 = arith.constant 0 : i32
      %dma_start3A_790 = tpu.memref_slice %arg4[%dma_start3A_789, %multiple_of3A_777] : memref<32x1000000xf32, #tpu.memory_space<hbm>> -> memref<32x128xf32, #tpu.memory_space<hbm>>
      tpu.enqueue_dma source(%dma_start3A_790 : memref<32x128xf32, #tpu.memory_space<hbm>>) target(%dma_start3A_788 : memref<32x128xf32, #tpu.memory_space<vmem>>) target_semaphore(%arg12 : memref<!tpu.dma_semaphore, #tpu.memory_space<semaphore_mem>>)
      %slice3A_791 = vector.extract_strided_slice %mul3A_75 {offsets = [8], sizes = [1], strides = [1]} : vector<16xi32> to vector<1xi32>
      %squeeze3A_792 = vector.extract %slice3A_791[0] : i32 from vector<1xi32>
      %multiple_of3A_793 = tpu.assume_multiple %squeeze3A_792, 128 : i32
      %dma_start3A_794 = arith.constant 0 : i32
      %dma_start3A_795 = arith.constant 0 : i32
      %dma_start3A_796 = arith.constant 0 : i32
      %dma_start3A_797 = tpu.memref_slice %arg10[%dma_start3A_794, %dma_start3A_795, %dma_start3A_796] : memref<8x32x128xf32, #tpu.memory_space<vmem>> -> memref<1x32x128xf32, #tpu.memory_space<vmem>>
      %dma_start3A_798 = tpu.memref_squeeze %dma_start3A_797 : memref<1x32x128xf32, #tpu.memory_space<vmem>> -> memref<32x128xf32, #tpu.memory_space<vmem>>
      %dma_start3A_799 = arith.constant 0 : i32
      %dma_start3A_800 = tpu.memref_slice %arg5[%dma_start3A_799, %multiple_of3A_793] : memref<32x1000000xf32, #tpu.memory_space<hbm>> -> memref<32x128xf32, #tpu.memory_space<hbm>>
      %dma_start3A_801 = arith.constant 0 : i32
      %dma_start3A_802 = arith.constant 0 : i32
      %dma_start3A_803 = tpu.memref_slice %arg10[%dma_start3A_794, %dma_start3A_801, %dma_start3A_802] : memref<8x32x128xf32, #tpu.memory_space<vmem>> -> memref<1x32x128xf32, #tpu.memory_space<vmem>>
      %dma_start3A_804 = tpu.memref_squeeze %dma_start3A_803 : memref<1x32x128xf32, #tpu.memory_space<vmem>> -> memref<32x128xf32, #tpu.memory_space<vmem>>
      %dma_start3A_805 = arith.constant 0 : i32
      %dma_start3A_806 = tpu.memref_slice %arg5[%dma_start3A_805, %multiple_of3A_793] : memref<32x1000000xf32, #tpu.memory_space<hbm>> -> memref<32x128xf32, #tpu.memory_space<hbm>>
      tpu.enqueue_dma source(%dma_start3A_806 : memref<32x128xf32, #tpu.memory_space<hbm>>) target(%dma_start3A_804 : memref<32x128xf32, #tpu.memory_space<vmem>>) target_semaphore(%arg12 : memref<!tpu.dma_semaphore, #tpu.memory_space<semaphore_mem>>)
      %slice3A_807 = vector.extract_strided_slice %mul3A_41 {offsets = [9], sizes = [1], strides = [1]} : vector<16xi32> to vector<1xi32>
      %squeeze3A_808 = vector.extract %slice3A_807[0] : i32 from vector<1xi32>
      %multiple_of3A_809 = tpu.assume_multiple %squeeze3A_808, 128 : i32
      %dma_start3A_810 = arith.constant 1 : i32
      %dma_start3A_811 = arith.constant 0 : i32
      %dma_start3A_812 = arith.constant 0 : i32
      %dma_start3A_813 = tpu.memref_slice %arg9[%dma_start3A_810, %dma_start3A_811, %dma_start3A_812] : memref<8x32x128xf32, #tpu.memory_space<vmem>> -> memref<1x32x128xf32, #tpu.memory_space<vmem>>
      %dma_start3A_814 = tpu.memref_squeeze %dma_start3A_813 : memref<1x32x128xf32, #tpu.memory_space<vmem>> -> memref<32x128xf32, #tpu.memory_space<vmem>>
      %dma_start3A_815 = arith.constant 0 : i32
      %dma_start3A_816 = tpu.memref_slice %arg4[%dma_start3A_815, %multiple_of3A_809] : memref<32x1000000xf32, #tpu.memory_space<hbm>> -> memref<32x128xf32, #tpu.memory_space<hbm>>
      %dma_start3A_817 = arith.constant 0 : i32
      %dma_start3A_818 = arith.constant 0 : i32
      %dma_start3A_819 = tpu.memref_slice %arg9[%dma_start3A_810, %dma_start3A_817, %dma_start3A_818] : memref<8x32x128xf32, #tpu.memory_space<vmem>> -> memref<1x32x128xf32, #tpu.memory_space<vmem>>
      %dma_start3A_820 = tpu.memref_squeeze %dma_start3A_819 : memref<1x32x128xf32, #tpu.memory_space<vmem>> -> memref<32x128xf32, #tpu.memory_space<vmem>>
      %dma_start3A_821 = arith.constant 0 : i32
      %dma_start3A_822 = tpu.memref_slice %arg4[%dma_start3A_821, %multiple_of3A_809] : memref<32x1000000xf32, #tpu.memory_space<hbm>> -> memref<32x128xf32, #tpu.memory_space<hbm>>
      tpu.enqueue_dma source(%dma_start3A_822 : memref<32x128xf32, #tpu.memory_space<hbm>>) target(%dma_start3A_820 : memref<32x128xf32, #tpu.memory_space<vmem>>) target_semaphore(%arg12 : memref<!tpu.dma_semaphore, #tpu.memory_space<semaphore_mem>>)
      %slice3A_823 = vector.extract_strided_slice %mul3A_75 {offsets = [9], sizes = [1], strides = [1]} : vector<16xi32> to vector<1xi32>
      %squeeze3A_824 = vector.extract %slice3A_823[0] : i32 from vector<1xi32>
      %multiple_of3A_825 = tpu.assume_multiple %squeeze3A_824, 128 : i32
      %dma_start3A_826 = arith.constant 1 : i32
      %dma_start3A_827 = arith.constant 0 : i32
      %dma_start3A_828 = arith.constant 0 : i32
      %dma_start3A_829 = tpu.memref_slice %arg10[%dma_start3A_826, %dma_start3A_827, %dma_start3A_828] : memref<8x32x128xf32, #tpu.memory_space<vmem>> -> memref<1x32x128xf32, #tpu.memory_space<vmem>>
      %dma_start3A_830 = tpu.memref_squeeze %dma_start3A_829 : memref<1x32x128xf32, #tpu.memory_space<vmem>> -> memref<32x128xf32, #tpu.memory_space<vmem>>
      %dma_start3A_831 = arith.constant 0 : i32
      %dma_start3A_832 = tpu.memref_slice %arg5[%dma_start3A_831, %multiple_of3A_825] : memref<32x1000000xf32, #tpu.memory_space<hbm>> -> memref<32x128xf32, #tpu.memory_space<hbm>>
      %dma_start3A_833 = arith.constant 0 : i32
      %dma_start3A_834 = arith.constant 0 : i32
      %dma_start3A_835 = tpu.memref_slice %arg10[%dma_start3A_826, %dma_start3A_833, %dma_start3A_834] : memref<8x32x128xf32, #tpu.memory_space<vmem>> -> memref<1x32x128xf32, #tpu.memory_space<vmem>>
      %dma_start3A_836 = tpu.memref_squeeze %dma_start3A_835 : memref<1x32x128xf32, #tpu.memory_space<vmem>> -> memref<32x128xf32, #tpu.memory_space<vmem>>
      %dma_start3A_837 = arith.constant 0 : i32
      %dma_start3A_838 = tpu.memref_slice %arg5[%dma_start3A_837, %multiple_of3A_825] : memref<32x1000000xf32, #tpu.memory_space<hbm>> -> memref<32x128xf32, #tpu.memory_space<hbm>>
      tpu.enqueue_dma source(%dma_start3A_838 : memref<32x128xf32, #tpu.memory_space<hbm>>) target(%dma_start3A_836 : memref<32x128xf32, #tpu.memory_space<vmem>>) target_semaphore(%arg12 : memref<!tpu.dma_semaphore, #tpu.memory_space<semaphore_mem>>)
      %slice3A_839 = vector.extract_strided_slice %mul3A_41 {offsets = [10], sizes = [1], strides = [1]} : vector<16xi32> to vector<1xi32>
      %squeeze3A_840 = vector.extract %slice3A_839[0] : i32 from vector<1xi32>
      %multiple_of3A_841 = tpu.assume_multiple %squeeze3A_840, 128 : i32
      %dma_start3A_842 = arith.constant 2 : i32
      %dma_start3A_843 = arith.constant 0 : i32
      %dma_start3A_844 = arith.constant 0 : i32
      %dma_start3A_845 = tpu.memref_slice %arg9[%dma_start3A_842, %dma_start3A_843, %dma_start3A_844] : memref<8x32x128xf32, #tpu.memory_space<vmem>> -> memref<1x32x128xf32, #tpu.memory_space<vmem>>
      %dma_start3A_846 = tpu.memref_squeeze %dma_start3A_845 : memref<1x32x128xf32, #tpu.memory_space<vmem>> -> memref<32x128xf32, #tpu.memory_space<vmem>>
      %dma_start3A_847 = arith.constant 0 : i32
      %dma_start3A_848 = tpu.memref_slice %arg4[%dma_start3A_847, %multiple_of3A_841] : memref<32x1000000xf32, #tpu.memory_space<hbm>> -> memref<32x128xf32, #tpu.memory_space<hbm>>
      %dma_start3A_849 = arith.constant 0 : i32
      %dma_start3A_850 = arith.constant 0 : i32
      %dma_start3A_851 = tpu.memref_slice %arg9[%dma_start3A_842, %dma_start3A_849, %dma_start3A_850] : memref<8x32x128xf32, #tpu.memory_space<vmem>> -> memref<1x32x128xf32, #tpu.memory_space<vmem>>
      %dma_start3A_852 = tpu.memref_squeeze %dma_start3A_851 : memref<1x32x128xf32, #tpu.memory_space<vmem>> -> memref<32x128xf32, #tpu.memory_space<vmem>>
      %dma_start3A_853 = arith.constant 0 : i32
      %dma_start3A_854 = tpu.memref_slice %arg4[%dma_start3A_853, %multiple_of3A_841] : memref<32x1000000xf32, #tpu.memory_space<hbm>> -> memref<32x128xf32, #tpu.memory_space<hbm>>
      tpu.enqueue_dma source(%dma_start3A_854 : memref<32x128xf32, #tpu.memory_space<hbm>>) target(%dma_start3A_852 : memref<32x128xf32, #tpu.memory_space<vmem>>) target_semaphore(%arg12 : memref<!tpu.dma_semaphore, #tpu.memory_space<semaphore_mem>>)
      %slice3A_855 = vector.extract_strided_slice %mul3A_75 {offsets = [10], sizes = [1], strides = [1]} : vector<16xi32> to vector<1xi32>
      %squeeze3A_856 = vector.extract %slice3A_855[0] : i32 from vector<1xi32>
      %multiple_of3A_857 = tpu.assume_multiple %squeeze3A_856, 128 : i32
      %dma_start3A_858 = arith.constant 2 : i32
      %dma_start3A_859 = arith.constant 0 : i32
      %dma_start3A_860 = arith.constant 0 : i32
      %dma_start3A_861 = tpu.memref_slice %arg10[%dma_start3A_858, %dma_start3A_859, %dma_start3A_860] : memref<8x32x128xf32, #tpu.memory_space<vmem>> -> memref<1x32x128xf32, #tpu.memory_space<vmem>>
      %dma_start3A_862 = tpu.memref_squeeze %dma_start3A_861 : memref<1x32x128xf32, #tpu.memory_space<vmem>> -> memref<32x128xf32, #tpu.memory_space<vmem>>
      %dma_start3A_863 = arith.constant 0 : i32
      %dma_start3A_864 = tpu.memref_slice %arg5[%dma_start3A_863, %multiple_of3A_857] : memref<32x1000000xf32, #tpu.memory_space<hbm>> -> memref<32x128xf32, #tpu.memory_space<hbm>>
      %dma_start3A_865 = arith.constant 0 : i32
      %dma_start3A_866 = arith.constant 0 : i32
      %dma_start3A_867 = tpu.memref_slice %arg10[%dma_start3A_858, %dma_start3A_865, %dma_start3A_866] : memref<8x32x128xf32, #tpu.memory_space<vmem>> -> memref<1x32x128xf32, #tpu.memory_space<vmem>>
      %dma_start3A_868 = tpu.memref_squeeze %dma_start3A_867 : memref<1x32x128xf32, #tpu.memory_space<vmem>> -> memref<32x128xf32, #tpu.memory_space<vmem>>
      %dma_start3A_869 = arith.constant 0 : i32
      %dma_start3A_870 = tpu.memref_slice %arg5[%dma_start3A_869, %multiple_of3A_857] : memref<32x1000000xf32, #tpu.memory_space<hbm>> -> memref<32x128xf32, #tpu.memory_space<hbm>>
      tpu.enqueue_dma source(%dma_start3A_870 : memref<32x128xf32, #tpu.memory_space<hbm>>) target(%dma_start3A_868 : memref<32x128xf32, #tpu.memory_space<vmem>>) target_semaphore(%arg12 : memref<!tpu.dma_semaphore, #tpu.memory_space<semaphore_mem>>)
      %slice3A_871 = vector.extract_strided_slice %mul3A_41 {offsets = [11], sizes = [1], strides = [1]} : vector<16xi32> to vector<1xi32>
      %squeeze3A_872 = vector.extract %slice3A_871[0] : i32 from vector<1xi32>
      %multiple_of3A_873 = tpu.assume_multiple %squeeze3A_872, 128 : i32
      %dma_start3A_874 = arith.constant 3 : i32
      %dma_start3A_875 = arith.constant 0 : i32
      %dma_start3A_876 = arith.constant 0 : i32
      %dma_start3A_877 = tpu.memref_slice %arg9[%dma_start3A_874, %dma_start3A_875, %dma_start3A_876] : memref<8x32x128xf32, #tpu.memory_space<vmem>> -> memref<1x32x128xf32, #tpu.memory_space<vmem>>
      %dma_start3A_878 = tpu.memref_squeeze %dma_start3A_877 : memref<1x32x128xf32, #tpu.memory_space<vmem>> -> memref<32x128xf32, #tpu.memory_space<vmem>>
      %dma_start3A_879 = arith.constant 0 : i32
      %dma_start3A_880 = tpu.memref_slice %arg4[%dma_start3A_879, %multiple_of3A_873] : memref<32x1000000xf32, #tpu.memory_space<hbm>> -> memref<32x128xf32, #tpu.memory_space<hbm>>
      %dma_start3A_881 = arith.constant 0 : i32
      %dma_start3A_882 = arith.constant 0 : i32
      %dma_start3A_883 = tpu.memref_slice %arg9[%dma_start3A_874, %dma_start3A_881, %dma_start3A_882] : memref<8x32x128xf32, #tpu.memory_space<vmem>> -> memref<1x32x128xf32, #tpu.memory_space<vmem>>
      %dma_start3A_884 = tpu.memref_squeeze %dma_start3A_883 : memref<1x32x128xf32, #tpu.memory_space<vmem>> -> memref<32x128xf32, #tpu.memory_space<vmem>>
      %dma_start3A_885 = arith.constant 0 : i32
      %dma_start3A_886 = tpu.memref_slice %arg4[%dma_start3A_885, %multiple_of3A_873] : memref<32x1000000xf32, #tpu.memory_space<hbm>> -> memref<32x128xf32, #tpu.memory_space<hbm>>
      tpu.enqueue_dma source(%dma_start3A_886 : memref<32x128xf32, #tpu.memory_space<hbm>>) target(%dma_start3A_884 : memref<32x128xf32, #tpu.memory_space<vmem>>) target_semaphore(%arg12 : memref<!tpu.dma_semaphore, #tpu.memory_space<semaphore_mem>>)
      %slice3A_887 = vector.extract_strided_slice %mul3A_75 {offsets = [11], sizes = [1], strides = [1]} : vector<16xi32> to vector<1xi32>
      %squeeze3A_888 = vector.extract %slice3A_887[0] : i32 from vector<1xi32>
      %multiple_of3A_889 = tpu.assume_multiple %squeeze3A_888, 128 : i32
      %dma_start3A_890 = arith.constant 3 : i32
      %dma_start3A_891 = arith.constant 0 : i32
      %dma_start3A_892 = arith.constant 0 : i32
      %dma_start3A_893 = tpu.memref_slice %arg10[%dma_start3A_890, %dma_start3A_891, %dma_start3A_892] : memref<8x32x128xf32, #tpu.memory_space<vmem>> -> memref<1x32x128xf32, #tpu.memory_space<vmem>>
      %dma_start3A_894 = tpu.memref_squeeze %dma_start3A_893 : memref<1x32x128xf32, #tpu.memory_space<vmem>> -> memref<32x128xf32, #tpu.memory_space<vmem>>
      %dma_start3A_895 = arith.constant 0 : i32
      %dma_start3A_896 = tpu.memref_slice %arg5[%dma_start3A_895, %multiple_of3A_889] : memref<32x1000000xf32, #tpu.memory_space<hbm>> -> memref<32x128xf32, #tpu.memory_space<hbm>>
      %dma_start3A_897 = arith.constant 0 : i32
      %dma_start3A_898 = arith.constant 0 : i32
      %dma_start3A_899 = tpu.memref_slice %arg10[%dma_start3A_890, %dma_start3A_897, %dma_start3A_898] : memref<8x32x128xf32, #tpu.memory_space<vmem>> -> memref<1x32x128xf32, #tpu.memory_space<vmem>>
      %dma_start3A_900 = tpu.memref_squeeze %dma_start3A_899 : memref<1x32x128xf32, #tpu.memory_space<vmem>> -> memref<32x128xf32, #tpu.memory_space<vmem>>
      %dma_start3A_901 = arith.constant 0 : i32
      %dma_start3A_902 = tpu.memref_slice %arg5[%dma_start3A_901, %multiple_of3A_889] : memref<32x1000000xf32, #tpu.memory_space<hbm>> -> memref<32x128xf32, #tpu.memory_space<hbm>>
      tpu.enqueue_dma source(%dma_start3A_902 : memref<32x128xf32, #tpu.memory_space<hbm>>) target(%dma_start3A_900 : memref<32x128xf32, #tpu.memory_space<vmem>>) target_semaphore(%arg12 : memref<!tpu.dma_semaphore, #tpu.memory_space<semaphore_mem>>)
      %slice3A_903 = vector.extract_strided_slice %mul3A_41 {offsets = [12], sizes = [1], strides = [1]} : vector<16xi32> to vector<1xi32>
      %squeeze3A_904 = vector.extract %slice3A_903[0] : i32 from vector<1xi32>
      %multiple_of3A_905 = tpu.assume_multiple %squeeze3A_904, 128 : i32
      %dma_start3A_906 = arith.constant 4 : i32
      %dma_start3A_907 = arith.constant 0 : i32
      %dma_start3A_908 = arith.constant 0 : i32
      %dma_start3A_909 = tpu.memref_slice %arg9[%dma_start3A_906, %dma_start3A_907, %dma_start3A_908] : memref<8x32x128xf32, #tpu.memory_space<vmem>> -> memref<1x32x128xf32, #tpu.memory_space<vmem>>
      %dma_start3A_910 = tpu.memref_squeeze %dma_start3A_909 : memref<1x32x128xf32, #tpu.memory_space<vmem>> -> memref<32x128xf32, #tpu.memory_space<vmem>>
      %dma_start3A_911 = arith.constant 0 : i32
      %dma_start3A_912 = tpu.memref_slice %arg4[%dma_start3A_911, %multiple_of3A_905] : memref<32x1000000xf32, #tpu.memory_space<hbm>> -> memref<32x128xf32, #tpu.memory_space<hbm>>
      %dma_start3A_913 = arith.constant 0 : i32
      %dma_start3A_914 = arith.constant 0 : i32
      %dma_start3A_915 = tpu.memref_slice %arg9[%dma_start3A_906, %dma_start3A_913, %dma_start3A_914] : memref<8x32x128xf32, #tpu.memory_space<vmem>> -> memref<1x32x128xf32, #tpu.memory_space<vmem>>
      %dma_start3A_916 = tpu.memref_squeeze %dma_start3A_915 : memref<1x32x128xf32, #tpu.memory_space<vmem>> -> memref<32x128xf32, #tpu.memory_space<vmem>>
      %dma_start3A_917 = arith.constant 0 : i32
      %dma_start3A_918 = tpu.memref_slice %arg4[%dma_start3A_917, %multiple_of3A_905] : memref<32x1000000xf32, #tpu.memory_space<hbm>> -> memref<32x128xf32, #tpu.memory_space<hbm>>
      tpu.enqueue_dma source(%dma_start3A_918 : memref<32x128xf32, #tpu.memory_space<hbm>>) target(%dma_start3A_916 : memref<32x128xf32, #tpu.memory_space<vmem>>) target_semaphore(%arg12 : memref<!tpu.dma_semaphore, #tpu.memory_space<semaphore_mem>>)
      %slice3A_919 = vector.extract_strided_slice %mul3A_75 {offsets = [12], sizes = [1], strides = [1]} : vector<16xi32> to vector<1xi32>
      %squeeze3A_920 = vector.extract %slice3A_919[0] : i32 from vector<1xi32>
      %multiple_of3A_921 = tpu.assume_multiple %squeeze3A_920, 128 : i32
      %dma_start3A_922 = arith.constant 4 : i32
      %dma_start3A_923 = arith.constant 0 : i32
      %dma_start3A_924 = arith.constant 0 : i32
      %dma_start3A_925 = tpu.memref_slice %arg10[%dma_start3A_922, %dma_start3A_923, %dma_start3A_924] : memref<8x32x128xf32, #tpu.memory_space<vmem>> -> memref<1x32x128xf32, #tpu.memory_space<vmem>>
      %dma_start3A_926 = tpu.memref_squeeze %dma_start3A_925 : memref<1x32x128xf32, #tpu.memory_space<vmem>> -> memref<32x128xf32, #tpu.memory_space<vmem>>
      %dma_start3A_927 = arith.constant 0 : i32
      %dma_start3A_928 = tpu.memref_slice %arg5[%dma_start3A_927, %multiple_of3A_921] : memref<32x1000000xf32, #tpu.memory_space<hbm>> -> memref<32x128xf32, #tpu.memory_space<hbm>>
      %dma_start3A_929 = arith.constant 0 : i32
      %dma_start3A_930 = arith.constant 0 : i32
      %dma_start3A_931 = tpu.memref_slice %arg10[%dma_start3A_922, %dma_start3A_929, %dma_start3A_930] : memref<8x32x128xf32, #tpu.memory_space<vmem>> -> memref<1x32x128xf32, #tpu.memory_space<vmem>>
      %dma_start3A_932 = tpu.memref_squeeze %dma_start3A_931 : memref<1x32x128xf32, #tpu.memory_space<vmem>> -> memref<32x128xf32, #tpu.memory_space<vmem>>
      %dma_start3A_933 = arith.constant 0 : i32
      %dma_start3A_934 = tpu.memref_slice %arg5[%dma_start3A_933, %multiple_of3A_921] : memref<32x1000000xf32, #tpu.memory_space<hbm>> -> memref<32x128xf32, #tpu.memory_space<hbm>>
      tpu.enqueue_dma source(%dma_start3A_934 : memref<32x128xf32, #tpu.memory_space<hbm>>) target(%dma_start3A_932 : memref<32x128xf32, #tpu.memory_space<vmem>>) target_semaphore(%arg12 : memref<!tpu.dma_semaphore, #tpu.memory_space<semaphore_mem>>)
      %slice3A_935 = vector.extract_strided_slice %mul3A_41 {offsets = [13], sizes = [1], strides = [1]} : vector<16xi32> to vector<1xi32>
      %squeeze3A_936 = vector.extract %slice3A_935[0] : i32 from vector<1xi32>
      %multiple_of3A_937 = tpu.assume_multiple %squeeze3A_936, 128 : i32
      %dma_start3A_938 = arith.constant 5 : i32
      %dma_start3A_939 = arith.constant 0 : i32
      %dma_start3A_940 = arith.constant 0 : i32
      %dma_start3A_941 = tpu.memref_slice %arg9[%dma_start3A_938, %dma_start3A_939, %dma_start3A_940] : memref<8x32x128xf32, #tpu.memory_space<vmem>> -> memref<1x32x128xf32, #tpu.memory_space<vmem>>
      %dma_start3A_942 = tpu.memref_squeeze %dma_start3A_941 : memref<1x32x128xf32, #tpu.memory_space<vmem>> -> memref<32x128xf32, #tpu.memory_space<vmem>>
      %dma_start3A_943 = arith.constant 0 : i32
      %dma_start3A_944 = tpu.memref_slice %arg4[%dma_start3A_943, %multiple_of3A_937] : memref<32x1000000xf32, #tpu.memory_space<hbm>> -> memref<32x128xf32, #tpu.memory_space<hbm>>
      %dma_start3A_945 = arith.constant 0 : i32
      %dma_start3A_946 = arith.constant 0 : i32
      %dma_start3A_947 = tpu.memref_slice %arg9[%dma_start3A_938, %dma_start3A_945, %dma_start3A_946] : memref<8x32x128xf32, #tpu.memory_space<vmem>> -> memref<1x32x128xf32, #tpu.memory_space<vmem>>
      %dma_start3A_948 = tpu.memref_squeeze %dma_start3A_947 : memref<1x32x128xf32, #tpu.memory_space<vmem>> -> memref<32x128xf32, #tpu.memory_space<vmem>>
      %dma_start3A_949 = arith.constant 0 : i32
      %dma_start3A_950 = tpu.memref_slice %arg4[%dma_start3A_949, %multiple_of3A_937] : memref<32x1000000xf32, #tpu.memory_space<hbm>> -> memref<32x128xf32, #tpu.memory_space<hbm>>
      tpu.enqueue_dma source(%dma_start3A_950 : memref<32x128xf32, #tpu.memory_space<hbm>>) target(%dma_start3A_948 : memref<32x128xf32, #tpu.memory_space<vmem>>) target_semaphore(%arg12 : memref<!tpu.dma_semaphore, #tpu.memory_space<semaphore_mem>>)
      %slice3A_951 = vector.extract_strided_slice %mul3A_75 {offsets = [13], sizes = [1], strides = [1]} : vector<16xi32> to vector<1xi32>
      %squeeze3A_952 = vector.extract %slice3A_951[0] : i32 from vector<1xi32>
      %multiple_of3A_953 = tpu.assume_multiple %squeeze3A_952, 128 : i32
      %dma_start3A_954 = arith.constant 5 : i32
      %dma_start3A_955 = arith.constant 0 : i32
      %dma_start3A_956 = arith.constant 0 : i32
      %dma_start3A_957 = tpu.memref_slice %arg10[%dma_start3A_954, %dma_start3A_955, %dma_start3A_956] : memref<8x32x128xf32, #tpu.memory_space<vmem>> -> memref<1x32x128xf32, #tpu.memory_space<vmem>>
      %dma_start3A_958 = tpu.memref_squeeze %dma_start3A_957 : memref<1x32x128xf32, #tpu.memory_space<vmem>> -> memref<32x128xf32, #tpu.memory_space<vmem>>
      %dma_start3A_959 = arith.constant 0 : i32
      %dma_start3A_960 = tpu.memref_slice %arg5[%dma_start3A_959, %multiple_of3A_953] : memref<32x1000000xf32, #tpu.memory_space<hbm>> -> memref<32x128xf32, #tpu.memory_space<hbm>>
      %dma_start3A_961 = arith.constant 0 : i32
      %dma_start3A_962 = arith.constant 0 : i32
      %dma_start3A_963 = tpu.memref_slice %arg10[%dma_start3A_954, %dma_start3A_961, %dma_start3A_962] : memref<8x32x128xf32, #tpu.memory_space<vmem>> -> memref<1x32x128xf32, #tpu.memory_space<vmem>>
      %dma_start3A_964 = tpu.memref_squeeze %dma_start3A_963 : memref<1x32x128xf32, #tpu.memory_space<vmem>> -> memref<32x128xf32, #tpu.memory_space<vmem>>
      %dma_start3A_965 = arith.constant 0 : i32
      %dma_start3A_966 = tpu.memref_slice %arg5[%dma_start3A_965, %multiple_of3A_953] : memref<32x1000000xf32, #tpu.memory_space<hbm>> -> memref<32x128xf32, #tpu.memory_space<hbm>>
      tpu.enqueue_dma source(%dma_start3A_966 : memref<32x128xf32, #tpu.memory_space<hbm>>) target(%dma_start3A_964 : memref<32x128xf32, #tpu.memory_space<vmem>>) target_semaphore(%arg12 : memref<!tpu.dma_semaphore, #tpu.memory_space<semaphore_mem>>)
      %slice3A_967 = vector.extract_strided_slice %mul3A_41 {offsets = [14], sizes = [1], strides = [1]} : vector<16xi32> to vector<1xi32>
      %squeeze3A_968 = vector.extract %slice3A_967[0] : i32 from vector<1xi32>
      %multiple_of3A_969 = tpu.assume_multiple %squeeze3A_968, 128 : i32
      %dma_start3A_970 = arith.constant 6 : i32
      %dma_start3A_971 = arith.constant 0 : i32
      %dma_start3A_972 = arith.constant 0 : i32
      %dma_start3A_973 = tpu.memref_slice %arg9[%dma_start3A_970, %dma_start3A_971, %dma_start3A_972] : memref<8x32x128xf32, #tpu.memory_space<vmem>> -> memref<1x32x128xf32, #tpu.memory_space<vmem>>
      %dma_start3A_974 = tpu.memref_squeeze %dma_start3A_973 : memref<1x32x128xf32, #tpu.memory_space<vmem>> -> memref<32x128xf32, #tpu.memory_space<vmem>>
      %dma_start3A_975 = arith.constant 0 : i32
      %dma_start3A_976 = tpu.memref_slice %arg4[%dma_start3A_975, %multiple_of3A_969] : memref<32x1000000xf32, #tpu.memory_space<hbm>> -> memref<32x128xf32, #tpu.memory_space<hbm>>
      %dma_start3A_977 = arith.constant 0 : i32
      %dma_start3A_978 = arith.constant 0 : i32
      %dma_start3A_979 = tpu.memref_slice %arg9[%dma_start3A_970, %dma_start3A_977, %dma_start3A_978] : memref<8x32x128xf32, #tpu.memory_space<vmem>> -> memref<1x32x128xf32, #tpu.memory_space<vmem>>
      %dma_start3A_980 = tpu.memref_squeeze %dma_start3A_979 : memref<1x32x128xf32, #tpu.memory_space<vmem>> -> memref<32x128xf32, #tpu.memory_space<vmem>>
      %dma_start3A_981 = arith.constant 0 : i32
      %dma_start3A_982 = tpu.memref_slice %arg4[%dma_start3A_981, %multiple_of3A_969] : memref<32x1000000xf32, #tpu.memory_space<hbm>> -> memref<32x128xf32, #tpu.memory_space<hbm>>
      tpu.enqueue_dma source(%dma_start3A_982 : memref<32x128xf32, #tpu.memory_space<hbm>>) target(%dma_start3A_980 : memref<32x128xf32, #tpu.memory_space<vmem>>) target_semaphore(%arg12 : memref<!tpu.dma_semaphore, #tpu.memory_space<semaphore_mem>>)
      %slice3A_983 = vector.extract_strided_slice %mul3A_75 {offsets = [14], sizes = [1], strides = [1]} : vector<16xi32> to vector<1xi32>
      %squeeze3A_984 = vector.extract %slice3A_983[0] : i32 from vector<1xi32>
      %multiple_of3A_985 = tpu.assume_multiple %squeeze3A_984, 128 : i32
      %dma_start3A_986 = arith.constant 6 : i32
      %dma_start3A_987 = arith.constant 0 : i32
      %dma_start3A_988 = arith.constant 0 : i32
      %dma_start3A_989 = tpu.memref_slice %arg10[%dma_start3A_986, %dma_start3A_987, %dma_start3A_988] : memref<8x32x128xf32, #tpu.memory_space<vmem>> -> memref<1x32x128xf32, #tpu.memory_space<vmem>>
      %dma_start3A_990 = tpu.memref_squeeze %dma_start3A_989 : memref<1x32x128xf32, #tpu.memory_space<vmem>> -> memref<32x128xf32, #tpu.memory_space<vmem>>
      %dma_start3A_991 = arith.constant 0 : i32
      %dma_start3A_992 = tpu.memref_slice %arg5[%dma_start3A_991, %multiple_of3A_985] : memref<32x1000000xf32, #tpu.memory_space<hbm>> -> memref<32x128xf32, #tpu.memory_space<hbm>>
      %dma_start3A_993 = arith.constant 0 : i32
      %dma_start3A_994 = arith.constant 0 : i32
      %dma_start3A_995 = tpu.memref_slice %arg10[%dma_start3A_986, %dma_start3A_993, %dma_start3A_994] : memref<8x32x128xf32, #tpu.memory_space<vmem>> -> memref<1x32x128xf32, #tpu.memory_space<vmem>>
      %dma_start3A_996 = tpu.memref_squeeze %dma_start3A_995 : memref<1x32x128xf32, #tpu.memory_space<vmem>> -> memref<32x128xf32, #tpu.memory_space<vmem>>
      %dma_start3A_997 = arith.constant 0 : i32
      %dma_start3A_998 = tpu.memref_slice %arg5[%dma_start3A_997, %multiple_of3A_985] : memref<32x1000000xf32, #tpu.memory_space<hbm>> -> memref<32x128xf32, #tpu.memory_space<hbm>>
      tpu.enqueue_dma source(%dma_start3A_998 : memref<32x128xf32, #tpu.memory_space<hbm>>) target(%dma_start3A_996 : memref<32x128xf32, #tpu.memory_space<vmem>>) target_semaphore(%arg12 : memref<!tpu.dma_semaphore, #tpu.memory_space<semaphore_mem>>)
      %slice3A_999 = vector.extract_strided_slice %mul3A_41 {offsets = [15], sizes = [1], strides = [1]} : vector<16xi32> to vector<1xi32>
      %squeeze3A_1000 = vector.extract %slice3A_999[0] : i32 from vector<1xi32>
      %multiple_of3A_1001 = tpu.assume_multiple %squeeze3A_1000, 128 : i32
      %dma_start3A_1002 = arith.constant 7 : i32
      %dma_start3A_1003 = arith.constant 0 : i32
      %dma_start3A_1004 = arith.constant 0 : i32
      %dma_start3A_1005 = tpu.memref_slice %arg9[%dma_start3A_1002, %dma_start3A_1003, %dma_start3A_1004] : memref<8x32x128xf32, #tpu.memory_space<vmem>> -> memref<1x32x128xf32, #tpu.memory_space<vmem>>
      %dma_start3A_1006 = tpu.memref_squeeze %dma_start3A_1005 : memref<1x32x128xf32, #tpu.memory_space<vmem>> -> memref<32x128xf32, #tpu.memory_space<vmem>>
      %dma_start3A_1007 = arith.constant 0 : i32
      %dma_start3A_1008 = tpu.memref_slice %arg4[%dma_start3A_1007, %multiple_of3A_1001] : memref<32x1000000xf32, #tpu.memory_space<hbm>> -> memref<32x128xf32, #tpu.memory_space<hbm>>
      %dma_start3A_1009 = arith.constant 0 : i32
      %dma_start3A_1010 = arith.constant 0 : i32
      %dma_start3A_1011 = tpu.memref_slice %arg9[%dma_start3A_1002, %dma_start3A_1009, %dma_start3A_1010] : memref<8x32x128xf32, #tpu.memory_space<vmem>> -> memref<1x32x128xf32, #tpu.memory_space<vmem>>
      %dma_start3A_1012 = tpu.memref_squeeze %dma_start3A_1011 : memref<1x32x128xf32, #tpu.memory_space<vmem>> -> memref<32x128xf32, #tpu.memory_space<vmem>>
      %dma_start3A_1013 = arith.constant 0 : i32
      %dma_start3A_1014 = tpu.memref_slice %arg4[%dma_start3A_1013, %multiple_of3A_1001] : memref<32x1000000xf32, #tpu.memory_space<hbm>> -> memref<32x128xf32, #tpu.memory_space<hbm>>
      tpu.enqueue_dma source(%dma_start3A_1014 : memref<32x128xf32, #tpu.memory_space<hbm>>) target(%dma_start3A_1012 : memref<32x128xf32, #tpu.memory_space<vmem>>) target_semaphore(%arg12 : memref<!tpu.dma_semaphore, #tpu.memory_space<semaphore_mem>>)
      %slice3A_1015 = vector.extract_strided_slice %mul3A_75 {offsets = [15], sizes = [1], strides = [1]} : vector<16xi32> to vector<1xi32>
      %squeeze3A_1016 = vector.extract %slice3A_1015[0] : i32 from vector<1xi32>
      %multiple_of3A_1017 = tpu.assume_multiple %squeeze3A_1016, 128 : i32
      %dma_start3A_1018 = arith.constant 7 : i32
      %dma_start3A_1019 = arith.constant 0 : i32
      %dma_start3A_1020 = arith.constant 0 : i32
      %dma_start3A_1021 = tpu.memref_slice %arg10[%dma_start3A_1018, %dma_start3A_1019, %dma_start3A_1020] : memref<8x32x128xf32, #tpu.memory_space<vmem>> -> memref<1x32x128xf32, #tpu.memory_space<vmem>>
      %dma_start3A_1022 = tpu.memref_squeeze %dma_start3A_1021 : memref<1x32x128xf32, #tpu.memory_space<vmem>> -> memref<32x128xf32, #tpu.memory_space<vmem>>
      %dma_start3A_1023 = arith.constant 0 : i32
      %dma_start3A_1024 = tpu.memref_slice %arg5[%dma_start3A_1023, %multiple_of3A_1017] : memref<32x1000000xf32, #tpu.memory_space<hbm>> -> memref<32x128xf32, #tpu.memory_space<hbm>>
      %dma_start3A_1025 = arith.constant 0 : i32
      %dma_start3A_1026 = arith.constant 0 : i32
      %dma_start3A_1027 = tpu.memref_slice %arg10[%dma_start3A_1018, %dma_start3A_1025, %dma_start3A_1026] : memref<8x32x128xf32, #tpu.memory_space<vmem>> -> memref<1x32x128xf32, #tpu.memory_space<vmem>>
      %dma_start3A_1028 = tpu.memref_squeeze %dma_start3A_1027 : memref<1x32x128xf32, #tpu.memory_space<vmem>> -> memref<32x128xf32, #tpu.memory_space<vmem>>
      %dma_start3A_1029 = arith.constant 0 : i32
      %dma_start3A_1030 = tpu.memref_slice %arg5[%dma_start3A_1029, %multiple_of3A_1017] : memref<32x1000000xf32, #tpu.memory_space<hbm>> -> memref<32x128xf32, #tpu.memory_space<hbm>>
      tpu.enqueue_dma source(%dma_start3A_1030 : memref<32x128xf32, #tpu.memory_space<hbm>>) target(%dma_start3A_1028 : memref<32x128xf32, #tpu.memory_space<vmem>>) target_semaphore(%arg12 : memref<!tpu.dma_semaphore, #tpu.memory_space<semaphore_mem>>)
      %dma_wait3A_1031 = arith.constant 0 : i32
      %dma_wait3A_1032 = arith.constant 0 : i32
      %dma_wait3A_1033 = arith.constant 0 : i32
      %dma_wait3A_1034 = tpu.memref_slice %arg9[%dma_wait3A_1031, %dma_wait3A_1032, %dma_wait3A_1033] : memref<8x32x128xf32, #tpu.memory_space<vmem>> -> memref<1x32x128xf32, #tpu.memory_space<vmem>>
      %dma_wait3A_1035 = tpu.memref_squeeze %dma_wait3A_1034 : memref<1x32x128xf32, #tpu.memory_space<vmem>> -> memref<32x128xf32, #tpu.memory_space<vmem>>
      %dma_wait3A_1036 = arith.constant 0 : i32
      %dma_wait3A_1037 = tpu.memref_slice %arg4[%dma_wait3A_1036, %multiple_of3A_777] : memref<32x1000000xf32, #tpu.memory_space<hbm>> -> memref<32x128xf32, #tpu.memory_space<hbm>>
      %dma_wait3A_1038 = arith.constant 0 : i32
      %dma_wait3A_1039 = arith.constant 0 : i32
      %dma_wait3A_1040 = tpu.memref_slice %arg9[%dma_wait3A_1031, %dma_wait3A_1038, %dma_wait3A_1039] : memref<8x32x128xf32, #tpu.memory_space<vmem>> -> memref<1x32x128xf32, #tpu.memory_space<vmem>>
      %dma_wait3A_1041 = tpu.memref_squeeze %dma_wait3A_1040 : memref<1x32x128xf32, #tpu.memory_space<vmem>> -> memref<32x128xf32, #tpu.memory_space<vmem>>
      %dma_wait3A_1042 = arith.constant 0 : i32
      %dma_wait3A_1043 = tpu.memref_slice %arg4[%dma_wait3A_1042, %multiple_of3A_777] : memref<32x1000000xf32, #tpu.memory_space<hbm>> -> memref<32x128xf32, #tpu.memory_space<hbm>>
      tpu.wait_dma2 semaphore(%arg12 : memref<!tpu.dma_semaphore, #tpu.memory_space<semaphore_mem>>) src(%dma_wait3A_1043 : memref<32x128xf32, #tpu.memory_space<hbm>>) dst(%dma_wait3A_1041 : memref<32x128xf32, #tpu.memory_space<vmem>>)
      %dma_wait3A_1044 = arith.constant 0 : i32
      %dma_wait3A_1045 = arith.constant 0 : i32
      %dma_wait3A_1046 = arith.constant 0 : i32
      %dma_wait3A_1047 = tpu.memref_slice %arg10[%dma_wait3A_1044, %dma_wait3A_1045, %dma_wait3A_1046] : memref<8x32x128xf32, #tpu.memory_space<vmem>> -> memref<1x32x128xf32, #tpu.memory_space<vmem>>
      %dma_wait3A_1048 = tpu.memref_squeeze %dma_wait3A_1047 : memref<1x32x128xf32, #tpu.memory_space<vmem>> -> memref<32x128xf32, #tpu.memory_space<vmem>>
      %dma_wait3A_1049 = arith.constant 0 : i32
      %dma_wait3A_1050 = tpu.memref_slice %arg5[%dma_wait3A_1049, %multiple_of3A_793] : memref<32x1000000xf32, #tpu.memory_space<hbm>> -> memref<32x128xf32, #tpu.memory_space<hbm>>
      %dma_wait3A_1051 = arith.constant 0 : i32
      %dma_wait3A_1052 = arith.constant 0 : i32
      %dma_wait3A_1053 = tpu.memref_slice %arg10[%dma_wait3A_1044, %dma_wait3A_1051, %dma_wait3A_1052] : memref<8x32x128xf32, #tpu.memory_space<vmem>> -> memref<1x32x128xf32, #tpu.memory_space<vmem>>
      %dma_wait3A_1054 = tpu.memref_squeeze %dma_wait3A_1053 : memref<1x32x128xf32, #tpu.memory_space<vmem>> -> memref<32x128xf32, #tpu.memory_space<vmem>>
      %dma_wait3A_1055 = arith.constant 0 : i32
      %dma_wait3A_1056 = tpu.memref_slice %arg5[%dma_wait3A_1055, %multiple_of3A_793] : memref<32x1000000xf32, #tpu.memory_space<hbm>> -> memref<32x128xf32, #tpu.memory_space<hbm>>
      tpu.wait_dma2 semaphore(%arg12 : memref<!tpu.dma_semaphore, #tpu.memory_space<semaphore_mem>>) src(%dma_wait3A_1056 : memref<32x128xf32, #tpu.memory_space<hbm>>) dst(%dma_wait3A_1054 : memref<32x128xf32, #tpu.memory_space<vmem>>)
      %dma_wait3A_1057 = arith.constant 1 : i32
      %dma_wait3A_1058 = arith.constant 0 : i32
      %dma_wait3A_1059 = arith.constant 0 : i32
      %dma_wait3A_1060 = tpu.memref_slice %arg9[%dma_wait3A_1057, %dma_wait3A_1058, %dma_wait3A_1059] : memref<8x32x128xf32, #tpu.memory_space<vmem>> -> memref<1x32x128xf32, #tpu.memory_space<vmem>>
      %dma_wait3A_1061 = tpu.memref_squeeze %dma_wait3A_1060 : memref<1x32x128xf32, #tpu.memory_space<vmem>> -> memref<32x128xf32, #tpu.memory_space<vmem>>
      %dma_wait3A_1062 = arith.constant 0 : i32
      %dma_wait3A_1063 = tpu.memref_slice %arg4[%dma_wait3A_1062, %multiple_of3A_809] : memref<32x1000000xf32, #tpu.memory_space<hbm>> -> memref<32x128xf32, #tpu.memory_space<hbm>>
      %dma_wait3A_1064 = arith.constant 0 : i32
      %dma_wait3A_1065 = arith.constant 0 : i32
      %dma_wait3A_1066 = tpu.memref_slice %arg9[%dma_wait3A_1057, %dma_wait3A_1064, %dma_wait3A_1065] : memref<8x32x128xf32, #tpu.memory_space<vmem>> -> memref<1x32x128xf32, #tpu.memory_space<vmem>>
      %dma_wait3A_1067 = tpu.memref_squeeze %dma_wait3A_1066 : memref<1x32x128xf32, #tpu.memory_space<vmem>> -> memref<32x128xf32, #tpu.memory_space<vmem>>
      %dma_wait3A_1068 = arith.constant 0 : i32
      %dma_wait3A_1069 = tpu.memref_slice %arg4[%dma_wait3A_1068, %multiple_of3A_809] : memref<32x1000000xf32, #tpu.memory_space<hbm>> -> memref<32x128xf32, #tpu.memory_space<hbm>>
      tpu.wait_dma2 semaphore(%arg12 : memref<!tpu.dma_semaphore, #tpu.memory_space<semaphore_mem>>) src(%dma_wait3A_1069 : memref<32x128xf32, #tpu.memory_space<hbm>>) dst(%dma_wait3A_1067 : memref<32x128xf32, #tpu.memory_space<vmem>>)
      %dma_wait3A_1070 = arith.constant 1 : i32
      %dma_wait3A_1071 = arith.constant 0 : i32
      %dma_wait3A_1072 = arith.constant 0 : i32
      %dma_wait3A_1073 = tpu.memref_slice %arg10[%dma_wait3A_1070, %dma_wait3A_1071, %dma_wait3A_1072] : memref<8x32x128xf32, #tpu.memory_space<vmem>> -> memref<1x32x128xf32, #tpu.memory_space<vmem>>
      %dma_wait3A_1074 = tpu.memref_squeeze %dma_wait3A_1073 : memref<1x32x128xf32, #tpu.memory_space<vmem>> -> memref<32x128xf32, #tpu.memory_space<vmem>>
      %dma_wait3A_1075 = arith.constant 0 : i32
      %dma_wait3A_1076 = tpu.memref_slice %arg5[%dma_wait3A_1075, %multiple_of3A_825] : memref<32x1000000xf32, #tpu.memory_space<hbm>> -> memref<32x128xf32, #tpu.memory_space<hbm>>
      %dma_wait3A_1077 = arith.constant 0 : i32
      %dma_wait3A_1078 = arith.constant 0 : i32
      %dma_wait3A_1079 = tpu.memref_slice %arg10[%dma_wait3A_1070, %dma_wait3A_1077, %dma_wait3A_1078] : memref<8x32x128xf32, #tpu.memory_space<vmem>> -> memref<1x32x128xf32, #tpu.memory_space<vmem>>
      %dma_wait3A_1080 = tpu.memref_squeeze %dma_wait3A_1079 : memref<1x32x128xf32, #tpu.memory_space<vmem>> -> memref<32x128xf32, #tpu.memory_space<vmem>>
      %dma_wait3A_1081 = arith.constant 0 : i32
      %dma_wait3A_1082 = tpu.memref_slice %arg5[%dma_wait3A_1081, %multiple_of3A_825] : memref<32x1000000xf32, #tpu.memory_space<hbm>> -> memref<32x128xf32, #tpu.memory_space<hbm>>
      tpu.wait_dma2 semaphore(%arg12 : memref<!tpu.dma_semaphore, #tpu.memory_space<semaphore_mem>>) src(%dma_wait3A_1082 : memref<32x128xf32, #tpu.memory_space<hbm>>) dst(%dma_wait3A_1080 : memref<32x128xf32, #tpu.memory_space<vmem>>)
      %dma_wait3A_1083 = arith.constant 2 : i32
      %dma_wait3A_1084 = arith.constant 0 : i32
      %dma_wait3A_1085 = arith.constant 0 : i32
      %dma_wait3A_1086 = tpu.memref_slice %arg9[%dma_wait3A_1083, %dma_wait3A_1084, %dma_wait3A_1085] : memref<8x32x128xf32, #tpu.memory_space<vmem>> -> memref<1x32x128xf32, #tpu.memory_space<vmem>>
      %dma_wait3A_1087 = tpu.memref_squeeze %dma_wait3A_1086 : memref<1x32x128xf32, #tpu.memory_space<vmem>> -> memref<32x128xf32, #tpu.memory_space<vmem>>
      %dma_wait3A_1088 = arith.constant 0 : i32
      %dma_wait3A_1089 = tpu.memref_slice %arg4[%dma_wait3A_1088, %multiple_of3A_841] : memref<32x1000000xf32, #tpu.memory_space<hbm>> -> memref<32x128xf32, #tpu.memory_space<hbm>>
      %dma_wait3A_1090 = arith.constant 0 : i32
      %dma_wait3A_1091 = arith.constant 0 : i32
      %dma_wait3A_1092 = tpu.memref_slice %arg9[%dma_wait3A_1083, %dma_wait3A_1090, %dma_wait3A_1091] : memref<8x32x128xf32, #tpu.memory_space<vmem>> -> memref<1x32x128xf32, #tpu.memory_space<vmem>>
      %dma_wait3A_1093 = tpu.memref_squeeze %dma_wait3A_1092 : memref<1x32x128xf32, #tpu.memory_space<vmem>> -> memref<32x128xf32, #tpu.memory_space<vmem>>
      %dma_wait3A_1094 = arith.constant 0 : i32
      %dma_wait3A_1095 = tpu.memref_slice %arg4[%dma_wait3A_1094, %multiple_of3A_841] : memref<32x1000000xf32, #tpu.memory_space<hbm>> -> memref<32x128xf32, #tpu.memory_space<hbm>>
      tpu.wait_dma2 semaphore(%arg12 : memref<!tpu.dma_semaphore, #tpu.memory_space<semaphore_mem>>) src(%dma_wait3A_1095 : memref<32x128xf32, #tpu.memory_space<hbm>>) dst(%dma_wait3A_1093 : memref<32x128xf32, #tpu.memory_space<vmem>>)
      %dma_wait3A_1096 = arith.constant 2 : i32
      %dma_wait3A_1097 = arith.constant 0 : i32
      %dma_wait3A_1098 = arith.constant 0 : i32
      %dma_wait3A_1099 = tpu.memref_slice %arg10[%dma_wait3A_1096, %dma_wait3A_1097, %dma_wait3A_1098] : memref<8x32x128xf32, #tpu.memory_space<vmem>> -> memref<1x32x128xf32, #tpu.memory_space<vmem>>
      %dma_wait3A_1100 = tpu.memref_squeeze %dma_wait3A_1099 : memref<1x32x128xf32, #tpu.memory_space<vmem>> -> memref<32x128xf32, #tpu.memory_space<vmem>>
      %dma_wait3A_1101 = arith.constant 0 : i32
      %dma_wait3A_1102 = tpu.memref_slice %arg5[%dma_wait3A_1101, %multiple_of3A_857] : memref<32x1000000xf32, #tpu.memory_space<hbm>> -> memref<32x128xf32, #tpu.memory_space<hbm>>
      %dma_wait3A_1103 = arith.constant 0 : i32
      %dma_wait3A_1104 = arith.constant 0 : i32
      %dma_wait3A_1105 = tpu.memref_slice %arg10[%dma_wait3A_1096, %dma_wait3A_1103, %dma_wait3A_1104] : memref<8x32x128xf32, #tpu.memory_space<vmem>> -> memref<1x32x128xf32, #tpu.memory_space<vmem>>
      %dma_wait3A_1106 = tpu.memref_squeeze %dma_wait3A_1105 : memref<1x32x128xf32, #tpu.memory_space<vmem>> -> memref<32x128xf32, #tpu.memory_space<vmem>>
      %dma_wait3A_1107 = arith.constant 0 : i32
      %dma_wait3A_1108 = tpu.memref_slice %arg5[%dma_wait3A_1107, %multiple_of3A_857] : memref<32x1000000xf32, #tpu.memory_space<hbm>> -> memref<32x128xf32, #tpu.memory_space<hbm>>
      tpu.wait_dma2 semaphore(%arg12 : memref<!tpu.dma_semaphore, #tpu.memory_space<semaphore_mem>>) src(%dma_wait3A_1108 : memref<32x128xf32, #tpu.memory_space<hbm>>) dst(%dma_wait3A_1106 : memref<32x128xf32, #tpu.memory_space<vmem>>)
      %dma_wait3A_1109 = arith.constant 3 : i32
      %dma_wait3A_1110 = arith.constant 0 : i32
      %dma_wait3A_1111 = arith.constant 0 : i32
      %dma_wait3A_1112 = tpu.memref_slice %arg9[%dma_wait3A_1109, %dma_wait3A_1110, %dma_wait3A_1111] : memref<8x32x128xf32, #tpu.memory_space<vmem>> -> memref<1x32x128xf32, #tpu.memory_space<vmem>>
      %dma_wait3A_1113 = tpu.memref_squeeze %dma_wait3A_1112 : memref<1x32x128xf32, #tpu.memory_space<vmem>> -> memref<32x128xf32, #tpu.memory_space<vmem>>
      %dma_wait3A_1114 = arith.constant 0 : i32
      %dma_wait3A_1115 = tpu.memref_slice %arg4[%dma_wait3A_1114, %multiple_of3A_873] : memref<32x1000000xf32, #tpu.memory_space<hbm>> -> memref<32x128xf32, #tpu.memory_space<hbm>>
      %dma_wait3A_1116 = arith.constant 0 : i32
      %dma_wait3A_1117 = arith.constant 0 : i32
      %dma_wait3A_1118 = tpu.memref_slice %arg9[%dma_wait3A_1109, %dma_wait3A_1116, %dma_wait3A_1117] : memref<8x32x128xf32, #tpu.memory_space<vmem>> -> memref<1x32x128xf32, #tpu.memory_space<vmem>>
      %dma_wait3A_1119 = tpu.memref_squeeze %dma_wait3A_1118 : memref<1x32x128xf32, #tpu.memory_space<vmem>> -> memref<32x128xf32, #tpu.memory_space<vmem>>
      %dma_wait3A_1120 = arith.constant 0 : i32
      %dma_wait3A_1121 = tpu.memref_slice %arg4[%dma_wait3A_1120, %multiple_of3A_873] : memref<32x1000000xf32, #tpu.memory_space<hbm>> -> memref<32x128xf32, #tpu.memory_space<hbm>>
      tpu.wait_dma2 semaphore(%arg12 : memref<!tpu.dma_semaphore, #tpu.memory_space<semaphore_mem>>) src(%dma_wait3A_1121 : memref<32x128xf32, #tpu.memory_space<hbm>>) dst(%dma_wait3A_1119 : memref<32x128xf32, #tpu.memory_space<vmem>>)
      %dma_wait3A_1122 = arith.constant 3 : i32
      %dma_wait3A_1123 = arith.constant 0 : i32
      %dma_wait3A_1124 = arith.constant 0 : i32
      %dma_wait3A_1125 = tpu.memref_slice %arg10[%dma_wait3A_1122, %dma_wait3A_1123, %dma_wait3A_1124] : memref<8x32x128xf32, #tpu.memory_space<vmem>> -> memref<1x32x128xf32, #tpu.memory_space<vmem>>
      %dma_wait3A_1126 = tpu.memref_squeeze %dma_wait3A_1125 : memref<1x32x128xf32, #tpu.memory_space<vmem>> -> memref<32x128xf32, #tpu.memory_space<vmem>>
      %dma_wait3A_1127 = arith.constant 0 : i32
      %dma_wait3A_1128 = tpu.memref_slice %arg5[%dma_wait3A_1127, %multiple_of3A_889] : memref<32x1000000xf32, #tpu.memory_space<hbm>> -> memref<32x128xf32, #tpu.memory_space<hbm>>
      %dma_wait3A_1129 = arith.constant 0 : i32
      %dma_wait3A_1130 = arith.constant 0 : i32
      %dma_wait3A_1131 = tpu.memref_slice %arg10[%dma_wait3A_1122, %dma_wait3A_1129, %dma_wait3A_1130] : memref<8x32x128xf32, #tpu.memory_space<vmem>> -> memref<1x32x128xf32, #tpu.memory_space<vmem>>
      %dma_wait3A_1132 = tpu.memref_squeeze %dma_wait3A_1131 : memref<1x32x128xf32, #tpu.memory_space<vmem>> -> memref<32x128xf32, #tpu.memory_space<vmem>>
      %dma_wait3A_1133 = arith.constant 0 : i32
      %dma_wait3A_1134 = tpu.memref_slice %arg5[%dma_wait3A_1133, %multiple_of3A_889] : memref<32x1000000xf32, #tpu.memory_space<hbm>> -> memref<32x128xf32, #tpu.memory_space<hbm>>
      tpu.wait_dma2 semaphore(%arg12 : memref<!tpu.dma_semaphore, #tpu.memory_space<semaphore_mem>>) src(%dma_wait3A_1134 : memref<32x128xf32, #tpu.memory_space<hbm>>) dst(%dma_wait3A_1132 : memref<32x128xf32, #tpu.memory_space<vmem>>)
      %dma_wait3A_1135 = arith.constant 4 : i32
      %dma_wait3A_1136 = arith.constant 0 : i32
      %dma_wait3A_1137 = arith.constant 0 : i32
      %dma_wait3A_1138 = tpu.memref_slice %arg9[%dma_wait3A_1135, %dma_wait3A_1136, %dma_wait3A_1137] : memref<8x32x128xf32, #tpu.memory_space<vmem>> -> memref<1x32x128xf32, #tpu.memory_space<vmem>>
      %dma_wait3A_1139 = tpu.memref_squeeze %dma_wait3A_1138 : memref<1x32x128xf32, #tpu.memory_space<vmem>> -> memref<32x128xf32, #tpu.memory_space<vmem>>
      %dma_wait3A_1140 = arith.constant 0 : i32
      %dma_wait3A_1141 = tpu.memref_slice %arg4[%dma_wait3A_1140, %multiple_of3A_905] : memref<32x1000000xf32, #tpu.memory_space<hbm>> -> memref<32x128xf32, #tpu.memory_space<hbm>>
      %dma_wait3A_1142 = arith.constant 0 : i32
      %dma_wait3A_1143 = arith.constant 0 : i32
      %dma_wait3A_1144 = tpu.memref_slice %arg9[%dma_wait3A_1135, %dma_wait3A_1142, %dma_wait3A_1143] : memref<8x32x128xf32, #tpu.memory_space<vmem>> -> memref<1x32x128xf32, #tpu.memory_space<vmem>>
      %dma_wait3A_1145 = tpu.memref_squeeze %dma_wait3A_1144 : memref<1x32x128xf32, #tpu.memory_space<vmem>> -> memref<32x128xf32, #tpu.memory_space<vmem>>
      %dma_wait3A_1146 = arith.constant 0 : i32
      %dma_wait3A_1147 = tpu.memref_slice %arg4[%dma_wait3A_1146, %multiple_of3A_905] : memref<32x1000000xf32, #tpu.memory_space<hbm>> -> memref<32x128xf32, #tpu.memory_space<hbm>>
      tpu.wait_dma2 semaphore(%arg12 : memref<!tpu.dma_semaphore, #tpu.memory_space<semaphore_mem>>) src(%dma_wait3A_1147 : memref<32x128xf32, #tpu.memory_space<hbm>>) dst(%dma_wait3A_1145 : memref<32x128xf32, #tpu.memory_space<vmem>>)
      %dma_wait3A_1148 = arith.constant 4 : i32
      %dma_wait3A_1149 = arith.constant 0 : i32
      %dma_wait3A_1150 = arith.constant 0 : i32
      %dma_wait3A_1151 = tpu.memref_slice %arg10[%dma_wait3A_1148, %dma_wait3A_1149, %dma_wait3A_1150] : memref<8x32x128xf32, #tpu.memory_space<vmem>> -> memref<1x32x128xf32, #tpu.memory_space<vmem>>
      %dma_wait3A_1152 = tpu.memref_squeeze %dma_wait3A_1151 : memref<1x32x128xf32, #tpu.memory_space<vmem>> -> memref<32x128xf32, #tpu.memory_space<vmem>>
      %dma_wait3A_1153 = arith.constant 0 : i32
      %dma_wait3A_1154 = tpu.memref_slice %arg5[%dma_wait3A_1153, %multiple_of3A_921] : memref<32x1000000xf32, #tpu.memory_space<hbm>> -> memref<32x128xf32, #tpu.memory_space<hbm>>
      %dma_wait3A_1155 = arith.constant 0 : i32
      %dma_wait3A_1156 = arith.constant 0 : i32
      %dma_wait3A_1157 = tpu.memref_slice %arg10[%dma_wait3A_1148, %dma_wait3A_1155, %dma_wait3A_1156] : memref<8x32x128xf32, #tpu.memory_space<vmem>> -> memref<1x32x128xf32, #tpu.memory_space<vmem>>
      %dma_wait3A_1158 = tpu.memref_squeeze %dma_wait3A_1157 : memref<1x32x128xf32, #tpu.memory_space<vmem>> -> memref<32x128xf32, #tpu.memory_space<vmem>>
      %dma_wait3A_1159 = arith.constant 0 : i32
      %dma_wait3A_1160 = tpu.memref_slice %arg5[%dma_wait3A_1159, %multiple_of3A_921] : memref<32x1000000xf32, #tpu.memory_space<hbm>> -> memref<32x128xf32, #tpu.memory_space<hbm>>
      tpu.wait_dma2 semaphore(%arg12 : memref<!tpu.dma_semaphore, #tpu.memory_space<semaphore_mem>>) src(%dma_wait3A_1160 : memref<32x128xf32, #tpu.memory_space<hbm>>) dst(%dma_wait3A_1158 : memref<32x128xf32, #tpu.memory_space<vmem>>)
      %dma_wait3A_1161 = arith.constant 5 : i32
      %dma_wait3A_1162 = arith.constant 0 : i32
      %dma_wait3A_1163 = arith.constant 0 : i32
      %dma_wait3A_1164 = tpu.memref_slice %arg9[%dma_wait3A_1161, %dma_wait3A_1162, %dma_wait3A_1163] : memref<8x32x128xf32, #tpu.memory_space<vmem>> -> memref<1x32x128xf32, #tpu.memory_space<vmem>>
      %dma_wait3A_1165 = tpu.memref_squeeze %dma_wait3A_1164 : memref<1x32x128xf32, #tpu.memory_space<vmem>> -> memref<32x128xf32, #tpu.memory_space<vmem>>
      %dma_wait3A_1166 = arith.constant 0 : i32
      %dma_wait3A_1167 = tpu.memref_slice %arg4[%dma_wait3A_1166, %multiple_of3A_937] : memref<32x1000000xf32, #tpu.memory_space<hbm>> -> memref<32x128xf32, #tpu.memory_space<hbm>>
      %dma_wait3A_1168 = arith.constant 0 : i32
      %dma_wait3A_1169 = arith.constant 0 : i32
      %dma_wait3A_1170 = tpu.memref_slice %arg9[%dma_wait3A_1161, %dma_wait3A_1168, %dma_wait3A_1169] : memref<8x32x128xf32, #tpu.memory_space<vmem>> -> memref<1x32x128xf32, #tpu.memory_space<vmem>>
      %dma_wait3A_1171 = tpu.memref_squeeze %dma_wait3A_1170 : memref<1x32x128xf32, #tpu.memory_space<vmem>> -> memref<32x128xf32, #tpu.memory_space<vmem>>
      %dma_wait3A_1172 = arith.constant 0 : i32
      %dma_wait3A_1173 = tpu.memref_slice %arg4[%dma_wait3A_1172, %multiple_of3A_937] : memref<32x1000000xf32, #tpu.memory_space<hbm>> -> memref<32x128xf32, #tpu.memory_space<hbm>>
      tpu.wait_dma2 semaphore(%arg12 : memref<!tpu.dma_semaphore, #tpu.memory_space<semaphore_mem>>) src(%dma_wait3A_1173 : memref<32x128xf32, #tpu.memory_space<hbm>>) dst(%dma_wait3A_1171 : memref<32x128xf32, #tpu.memory_space<vmem>>)
      %dma_wait3A_1174 = arith.constant 5 : i32
      %dma_wait3A_1175 = arith.constant 0 : i32
      %dma_wait3A_1176 = arith.constant 0 : i32
      %dma_wait3A_1177 = tpu.memref_slice %arg10[%dma_wait3A_1174, %dma_wait3A_1175, %dma_wait3A_1176] : memref<8x32x128xf32, #tpu.memory_space<vmem>> -> memref<1x32x128xf32, #tpu.memory_space<vmem>>
      %dma_wait3A_1178 = tpu.memref_squeeze %dma_wait3A_1177 : memref<1x32x128xf32, #tpu.memory_space<vmem>> -> memref<32x128xf32, #tpu.memory_space<vmem>>
      %dma_wait3A_1179 = arith.constant 0 : i32
      %dma_wait3A_1180 = tpu.memref_slice %arg5[%dma_wait3A_1179, %multiple_of3A_953] : memref<32x1000000xf32, #tpu.memory_space<hbm>> -> memref<32x128xf32, #tpu.memory_space<hbm>>
      %dma_wait3A_1181 = arith.constant 0 : i32
      %dma_wait3A_1182 = arith.constant 0 : i32
      %dma_wait3A_1183 = tpu.memref_slice %arg10[%dma_wait3A_1174, %dma_wait3A_1181, %dma_wait3A_1182] : memref<8x32x128xf32, #tpu.memory_space<vmem>> -> memref<1x32x128xf32, #tpu.memory_space<vmem>>
      %dma_wait3A_1184 = tpu.memref_squeeze %dma_wait3A_1183 : memref<1x32x128xf32, #tpu.memory_space<vmem>> -> memref<32x128xf32, #tpu.memory_space<vmem>>
      %dma_wait3A_1185 = arith.constant 0 : i32
      %dma_wait3A_1186 = tpu.memref_slice %arg5[%dma_wait3A_1185, %multiple_of3A_953] : memref<32x1000000xf32, #tpu.memory_space<hbm>> -> memref<32x128xf32, #tpu.memory_space<hbm>>
      tpu.wait_dma2 semaphore(%arg12 : memref<!tpu.dma_semaphore, #tpu.memory_space<semaphore_mem>>) src(%dma_wait3A_1186 : memref<32x128xf32, #tpu.memory_space<hbm>>) dst(%dma_wait3A_1184 : memref<32x128xf32, #tpu.memory_space<vmem>>)
      %dma_wait3A_1187 = arith.constant 6 : i32
      %dma_wait3A_1188 = arith.constant 0 : i32
      %dma_wait3A_1189 = arith.constant 0 : i32
      %dma_wait3A_1190 = tpu.memref_slice %arg9[%dma_wait3A_1187, %dma_wait3A_1188, %dma_wait3A_1189] : memref<8x32x128xf32, #tpu.memory_space<vmem>> -> memref<1x32x128xf32, #tpu.memory_space<vmem>>
      %dma_wait3A_1191 = tpu.memref_squeeze %dma_wait3A_1190 : memref<1x32x128xf32, #tpu.memory_space<vmem>> -> memref<32x128xf32, #tpu.memory_space<vmem>>
      %dma_wait3A_1192 = arith.constant 0 : i32
      %dma_wait3A_1193 = tpu.memref_slice %arg4[%dma_wait3A_1192, %multiple_of3A_969] : memref<32x1000000xf32, #tpu.memory_space<hbm>> -> memref<32x128xf32, #tpu.memory_space<hbm>>
      %dma_wait3A_1194 = arith.constant 0 : i32
      %dma_wait3A_1195 = arith.constant 0 : i32
      %dma_wait3A_1196 = tpu.memref_slice %arg9[%dma_wait3A_1187, %dma_wait3A_1194, %dma_wait3A_1195] : memref<8x32x128xf32, #tpu.memory_space<vmem>> -> memref<1x32x128xf32, #tpu.memory_space<vmem>>
      %dma_wait3A_1197 = tpu.memref_squeeze %dma_wait3A_1196 : memref<1x32x128xf32, #tpu.memory_space<vmem>> -> memref<32x128xf32, #tpu.memory_space<vmem>>
      %dma_wait3A_1198 = arith.constant 0 : i32
      %dma_wait3A_1199 = tpu.memref_slice %arg4[%dma_wait3A_1198, %multiple_of3A_969] : memref<32x1000000xf32, #tpu.memory_space<hbm>> -> memref<32x128xf32, #tpu.memory_space<hbm>>
      tpu.wait_dma2 semaphore(%arg12 : memref<!tpu.dma_semaphore, #tpu.memory_space<semaphore_mem>>) src(%dma_wait3A_1199 : memref<32x128xf32, #tpu.memory_space<hbm>>) dst(%dma_wait3A_1197 : memref<32x128xf32, #tpu.memory_space<vmem>>)
      %dma_wait3A_1200 = arith.constant 6 : i32
      %dma_wait3A_1201 = arith.constant 0 : i32
      %dma_wait3A_1202 = arith.constant 0 : i32
      %dma_wait3A_1203 = tpu.memref_slice %arg10[%dma_wait3A_1200, %dma_wait3A_1201, %dma_wait3A_1202] : memref<8x32x128xf32, #tpu.memory_space<vmem>> -> memref<1x32x128xf32, #tpu.memory_space<vmem>>
      %dma_wait3A_1204 = tpu.memref_squeeze %dma_wait3A_1203 : memref<1x32x128xf32, #tpu.memory_space<vmem>> -> memref<32x128xf32, #tpu.memory_space<vmem>>
      %dma_wait3A_1205 = arith.constant 0 : i32
      %dma_wait3A_1206 = tpu.memref_slice %arg5[%dma_wait3A_1205, %multiple_of3A_985] : memref<32x1000000xf32, #tpu.memory_space<hbm>> -> memref<32x128xf32, #tpu.memory_space<hbm>>
      %dma_wait3A_1207 = arith.constant 0 : i32
      %dma_wait3A_1208 = arith.constant 0 : i32
      %dma_wait3A_1209 = tpu.memref_slice %arg10[%dma_wait3A_1200, %dma_wait3A_1207, %dma_wait3A_1208] : memref<8x32x128xf32, #tpu.memory_space<vmem>> -> memref<1x32x128xf32, #tpu.memory_space<vmem>>
      %dma_wait3A_1210 = tpu.memref_squeeze %dma_wait3A_1209 : memref<1x32x128xf32, #tpu.memory_space<vmem>> -> memref<32x128xf32, #tpu.memory_space<vmem>>
      %dma_wait3A_1211 = arith.constant 0 : i32
      %dma_wait3A_1212 = tpu.memref_slice %arg5[%dma_wait3A_1211, %multiple_of3A_985] : memref<32x1000000xf32, #tpu.memory_space<hbm>> -> memref<32x128xf32, #tpu.memory_space<hbm>>
      tpu.wait_dma2 semaphore(%arg12 : memref<!tpu.dma_semaphore, #tpu.memory_space<semaphore_mem>>) src(%dma_wait3A_1212 : memref<32x128xf32, #tpu.memory_space<hbm>>) dst(%dma_wait3A_1210 : memref<32x128xf32, #tpu.memory_space<vmem>>)
      %dma_wait3A_1213 = arith.constant 7 : i32
      %dma_wait3A_1214 = arith.constant 0 : i32
      %dma_wait3A_1215 = arith.constant 0 : i32
      %dma_wait3A_1216 = tpu.memref_slice %arg9[%dma_wait3A_1213, %dma_wait3A_1214, %dma_wait3A_1215] : memref<8x32x128xf32, #tpu.memory_space<vmem>> -> memref<1x32x128xf32, #tpu.memory_space<vmem>>
      %dma_wait3A_1217 = tpu.memref_squeeze %dma_wait3A_1216 : memref<1x32x128xf32, #tpu.memory_space<vmem>> -> memref<32x128xf32, #tpu.memory_space<vmem>>
      %dma_wait3A_1218 = arith.constant 0 : i32
      %dma_wait3A_1219 = tpu.memref_slice %arg4[%dma_wait3A_1218, %multiple_of3A_1001] : memref<32x1000000xf32, #tpu.memory_space<hbm>> -> memref<32x128xf32, #tpu.memory_space<hbm>>
      %dma_wait3A_1220 = arith.constant 0 : i32
      %dma_wait3A_1221 = arith.constant 0 : i32
      %dma_wait3A_1222 = tpu.memref_slice %arg9[%dma_wait3A_1213, %dma_wait3A_1220, %dma_wait3A_1221] : memref<8x32x128xf32, #tpu.memory_space<vmem>> -> memref<1x32x128xf32, #tpu.memory_space<vmem>>
      %dma_wait3A_1223 = tpu.memref_squeeze %dma_wait3A_1222 : memref<1x32x128xf32, #tpu.memory_space<vmem>> -> memref<32x128xf32, #tpu.memory_space<vmem>>
      %dma_wait3A_1224 = arith.constant 0 : i32
      %dma_wait3A_1225 = tpu.memref_slice %arg4[%dma_wait3A_1224, %multiple_of3A_1001] : memref<32x1000000xf32, #tpu.memory_space<hbm>> -> memref<32x128xf32, #tpu.memory_space<hbm>>
      tpu.wait_dma2 semaphore(%arg12 : memref<!tpu.dma_semaphore, #tpu.memory_space<semaphore_mem>>) src(%dma_wait3A_1225 : memref<32x128xf32, #tpu.memory_space<hbm>>) dst(%dma_wait3A_1223 : memref<32x128xf32, #tpu.memory_space<vmem>>)
      %dma_wait3A_1226 = arith.constant 7 : i32
      %dma_wait3A_1227 = arith.constant 0 : i32
      %dma_wait3A_1228 = arith.constant 0 : i32
      %dma_wait3A_1229 = tpu.memref_slice %arg10[%dma_wait3A_1226, %dma_wait3A_1227, %dma_wait3A_1228] : memref<8x32x128xf32, #tpu.memory_space<vmem>> -> memref<1x32x128xf32, #tpu.memory_space<vmem>>
      %dma_wait3A_1230 = tpu.memref_squeeze %dma_wait3A_1229 : memref<1x32x128xf32, #tpu.memory_space<vmem>> -> memref<32x128xf32, #tpu.memory_space<vmem>>
      %dma_wait3A_1231 = arith.constant 0 : i32
      %dma_wait3A_1232 = tpu.memref_slice %arg5[%dma_wait3A_1231, %multiple_of3A_1017] : memref<32x1000000xf32, #tpu.memory_space<hbm>> -> memref<32x128xf32, #tpu.memory_space<hbm>>
      %dma_wait3A_1233 = arith.constant 0 : i32
      %dma_wait3A_1234 = arith.constant 0 : i32
      %dma_wait3A_1235 = tpu.memref_slice %arg10[%dma_wait3A_1226, %dma_wait3A_1233, %dma_wait3A_1234] : memref<8x32x128xf32, #tpu.memory_space<vmem>> -> memref<1x32x128xf32, #tpu.memory_space<vmem>>
      %dma_wait3A_1236 = tpu.memref_squeeze %dma_wait3A_1235 : memref<1x32x128xf32, #tpu.memory_space<vmem>> -> memref<32x128xf32, #tpu.memory_space<vmem>>
      %dma_wait3A_1237 = arith.constant 0 : i32
      %dma_wait3A_1238 = tpu.memref_slice %arg5[%dma_wait3A_1237, %multiple_of3A_1017] : memref<32x1000000xf32, #tpu.memory_space<hbm>> -> memref<32x128xf32, #tpu.memory_space<hbm>>
      tpu.wait_dma2 semaphore(%arg12 : memref<!tpu.dma_semaphore, #tpu.memory_space<semaphore_mem>>) src(%dma_wait3A_1238 : memref<32x128xf32, #tpu.memory_space<hbm>>) dst(%dma_wait3A_1236 : memref<32x128xf32, #tpu.memory_space<vmem>>)
      %broadcast_in_dim3A_1239 = arith.constant 0 : i32
      %broadcast_in_dim3A_1240 = vector.broadcast %broadcast_in_dim3A_1239 : i32 to vector<16xi32>
      %slice3A_1241 = vector.extract_strided_slice %sub3A_76 {offsets = [8], sizes = [1], strides = [1]} : vector<16xi32> to vector<1xi32>
      %squeeze3A_1242 = vector.extract %slice3A_1241[0] : i32 from vector<1xi32>
      %broadcast_in_dim3A_1243 = vector.broadcast %squeeze3A_1242 : i32 to vector<16xi32>
      %slice3A_1244 = vector.extract_strided_slice %sub3A_77 {offsets = [8], sizes = [1], strides = [1]} : vector<16xi32> to vector<1xi32>
      %squeeze3A_1245 = vector.extract %slice3A_1244[0] : i32 from vector<1xi32>
      %broadcast_in_dim3A_1246 = vector.broadcast %squeeze3A_1245 : i32 to vector<16xi32>
      %gather3A_1247 = tpu.vector_load_idx %arg9[%broadcast_in_dim3A_1240, %iota3A, %broadcast_in_dim3A_1243] : memref<8x32x128xf32, #tpu.memory_space<vmem>>[vector<16xi32>, vector<16xi32>, vector<16xi32>], vector<16xf32>,
      %add3A_1248 = arith.constant 16 : i32
      %add3A_1249 = vector.broadcast %add3A_1248 : i32 to vector<16xi32>
      %add3A_1250 = arith.addi %iota3A, %add3A_1249 : vector<16xi32>
      %gather3A_1251 = tpu.vector_load_idx %arg9[%broadcast_in_dim3A_1240, %add3A_1250, %broadcast_in_dim3A_1243] : memref<8x32x128xf32, #tpu.memory_space<vmem>>[vector<16xi32>, vector<16xi32>, vector<16xi32>], vector<16xf32>,
      %gather3A_1252 = tpu.vector_load_idx %arg10[%broadcast_in_dim3A_1240, %iota3A, %broadcast_in_dim3A_1246] : memref<8x32x128xf32, #tpu.memory_space<vmem>>[vector<16xi32>, vector<16xi32>, vector<16xi32>], vector<16xf32>,
      %add3A_1253 = arith.constant 16 : i32
      %add3A_1254 = vector.broadcast %add3A_1253 : i32 to vector<16xi32>
      %add3A_1255 = arith.addi %iota3A, %add3A_1254 : vector<16xi32>
      %gather3A_1256 = tpu.vector_load_idx %arg10[%broadcast_in_dim3A_1240, %add3A_1255, %broadcast_in_dim3A_1246] : memref<8x32x128xf32, #tpu.memory_space<vmem>>[vector<16xi32>, vector<16xi32>, vector<16xi32>], vector<16xf32>,
      %mul3A_1257 = arith.mulf %gather3A_1247, %gather3A_1252 : vector<16xf32>
      %mul3A_1258 = arith.mulf %gather3A_1251, %gather3A_1256 : vector<16xf32>
      %add3A_1259 = arith.addf %mul3A_1257, %mul3A_1258 : vector<16xf32>
      %reduce_sum3A_1260 = arith.constant true
      %reduce_sum3A_1261 = vector.broadcast %reduce_sum3A_1260 : i1 to vector<16xi1>
      %reduce_sum3A_1262 = tpu.scan <sum>, %add3A_1259 masked %reduce_sum3A_1261 : vector<16xf32>, vector<16xi1> -> vector<16xf32>
      %reduce_sum3A_1263 = vector.extract %reduce_sum3A_1262[15] : f32 from vector<16xf32>
      %eq3A_1264 = arith.constant 8 : i32
      %eq3A_1265 = vector.broadcast %eq3A_1264 : i32 to vector<16xi32>
      %eq3A_1266 = arith.cmpi eq, %iota3A, %eq3A_1265 : vector<16xi32>
      %broadcast_in_dim3A_1267 = vector.broadcast %reduce_sum3A_1263 : f32 to vector<16xf32>
      %select_n3A_1268 = arith.select %eq3A_1266, %broadcast_in_dim3A_1267, %select_n3A_774 : vector<16xi1>, vector<16xf32>
      %broadcast_in_dim3A_1269 = arith.constant 1 : i32
      %broadcast_in_dim3A_1270 = vector.broadcast %broadcast_in_dim3A_1269 : i32 to vector<16xi32>
      %slice3A_1271 = vector.extract_strided_slice %sub3A_76 {offsets = [9], sizes = [1], strides = [1]} : vector<16xi32> to vector<1xi32>
      %squeeze3A_1272 = vector.extract %slice3A_1271[0] : i32 from vector<1xi32>
      %broadcast_in_dim3A_1273 = vector.broadcast %squeeze3A_1272 : i32 to vector<16xi32>
      %slice3A_1274 = vector.extract_strided_slice %sub3A_77 {offsets = [9], sizes = [1], strides = [1]} : vector<16xi32> to vector<1xi32>
      %squeeze3A_1275 = vector.extract %slice3A_1274[0] : i32 from vector<1xi32>
      %broadcast_in_dim3A_1276 = vector.broadcast %squeeze3A_1275 : i32 to vector<16xi32>
      %gather3A_1277 = tpu.vector_load_idx %arg9[%broadcast_in_dim3A_1270, %iota3A, %broadcast_in_dim3A_1273] : memref<8x32x128xf32, #tpu.memory_space<vmem>>[vector<16xi32>, vector<16xi32>, vector<16xi32>], vector<16xf32>,
      %add3A_1278 = arith.constant 16 : i32
      %add3A_1279 = vector.broadcast %add3A_1278 : i32 to vector<16xi32>
      %add3A_1280 = arith.addi %iota3A, %add3A_1279 : vector<16xi32>
      %gather3A_1281 = tpu.vector_load_idx %arg9[%broadcast_in_dim3A_1270, %add3A_1280, %broadcast_in_dim3A_1273] : memref<8x32x128xf32, #tpu.memory_space<vmem>>[vector<16xi32>, vector<16xi32>, vector<16xi32>], vector<16xf32>,
      %gather3A_1282 = tpu.vector_load_idx %arg10[%broadcast_in_dim3A_1270, %iota3A, %broadcast_in_dim3A_1276] : memref<8x32x128xf32, #tpu.memory_space<vmem>>[vector<16xi32>, vector<16xi32>, vector<16xi32>], vector<16xf32>,
      %add3A_1283 = arith.constant 16 : i32
      %add3A_1284 = vector.broadcast %add3A_1283 : i32 to vector<16xi32>
      %add3A_1285 = arith.addi %iota3A, %add3A_1284 : vector<16xi32>
      %gather3A_1286 = tpu.vector_load_idx %arg10[%broadcast_in_dim3A_1270, %add3A_1285, %broadcast_in_dim3A_1276] : memref<8x32x128xf32, #tpu.memory_space<vmem>>[vector<16xi32>, vector<16xi32>, vector<16xi32>], vector<16xf32>,
      %mul3A_1287 = arith.mulf %gather3A_1277, %gather3A_1282 : vector<16xf32>
      %mul3A_1288 = arith.mulf %gather3A_1281, %gather3A_1286 : vector<16xf32>
      %add3A_1289 = arith.addf %mul3A_1287, %mul3A_1288 : vector<16xf32>
      %reduce_sum3A_1290 = arith.constant true
      %reduce_sum3A_1291 = vector.broadcast %reduce_sum3A_1290 : i1 to vector<16xi1>
      %reduce_sum3A_1292 = tpu.scan <sum>, %add3A_1289 masked %reduce_sum3A_1291 : vector<16xf32>, vector<16xi1> -> vector<16xf32>
      %reduce_sum3A_1293 = vector.extract %reduce_sum3A_1292[15] : f32 from vector<16xf32>
      %eq3A_1294 = arith.constant 9 : i32
      %eq3A_1295 = vector.broadcast %eq3A_1294 : i32 to vector<16xi32>
      %eq3A_1296 = arith.cmpi eq, %iota3A, %eq3A_1295 : vector<16xi32>
      %broadcast_in_dim3A_1297 = vector.broadcast %reduce_sum3A_1293 : f32 to vector<16xf32>
      %select_n3A_1298 = arith.select %eq3A_1296, %broadcast_in_dim3A_1297, %select_n3A_1268 : vector<16xi1>, vector<16xf32>
      %broadcast_in_dim3A_1299 = arith.constant 2 : i32
      %broadcast_in_dim3A_1300 = vector.broadcast %broadcast_in_dim3A_1299 : i32 to vector<16xi32>
      %slice3A_1301 = vector.extract_strided_slice %sub3A_76 {offsets = [10], sizes = [1], strides = [1]} : vector<16xi32> to vector<1xi32>
      %squeeze3A_1302 = vector.extract %slice3A_1301[0] : i32 from vector<1xi32>
      %broadcast_in_dim3A_1303 = vector.broadcast %squeeze3A_1302 : i32 to vector<16xi32>
      %slice3A_1304 = vector.extract_strided_slice %sub3A_77 {offsets = [10], sizes = [1], strides = [1]} : vector<16xi32> to vector<1xi32>
      %squeeze3A_1305 = vector.extract %slice3A_1304[0] : i32 from vector<1xi32>
      %broadcast_in_dim3A_1306 = vector.broadcast %squeeze3A_1305 : i32 to vector<16xi32>
      %gather3A_1307 = tpu.vector_load_idx %arg9[%broadcast_in_dim3A_1300, %iota3A, %broadcast_in_dim3A_1303] : memref<8x32x128xf32, #tpu.memory_space<vmem>>[vector<16xi32>, vector<16xi32>, vector<16xi32>], vector<16xf32>,
      %add3A_1308 = arith.constant 16 : i32
      %add3A_1309 = vector.broadcast %add3A_1308 : i32 to vector<16xi32>
      %add3A_1310 = arith.addi %iota3A, %add3A_1309 : vector<16xi32>
      %gather3A_1311 = tpu.vector_load_idx %arg9[%broadcast_in_dim3A_1300, %add3A_1310, %broadcast_in_dim3A_1303] : memref<8x32x128xf32, #tpu.memory_space<vmem>>[vector<16xi32>, vector<16xi32>, vector<16xi32>], vector<16xf32>,
      %gather3A_1312 = tpu.vector_load_idx %arg10[%broadcast_in_dim3A_1300, %iota3A, %broadcast_in_dim3A_1306] : memref<8x32x128xf32, #tpu.memory_space<vmem>>[vector<16xi32>, vector<16xi32>, vector<16xi32>], vector<16xf32>,
      %add3A_1313 = arith.constant 16 : i32
      %add3A_1314 = vector.broadcast %add3A_1313 : i32 to vector<16xi32>
      %add3A_1315 = arith.addi %iota3A, %add3A_1314 : vector<16xi32>
      %gather3A_1316 = tpu.vector_load_idx %arg10[%broadcast_in_dim3A_1300, %add3A_1315, %broadcast_in_dim3A_1306] : memref<8x32x128xf32, #tpu.memory_space<vmem>>[vector<16xi32>, vector<16xi32>, vector<16xi32>], vector<16xf32>,
      %mul3A_1317 = arith.mulf %gather3A_1307, %gather3A_1312 : vector<16xf32>
      %mul3A_1318 = arith.mulf %gather3A_1311, %gather3A_1316 : vector<16xf32>
      %add3A_1319 = arith.addf %mul3A_1317, %mul3A_1318 : vector<16xf32>
      %reduce_sum3A_1320 = arith.constant true
      %reduce_sum3A_1321 = vector.broadcast %reduce_sum3A_1320 : i1 to vector<16xi1>
      %reduce_sum3A_1322 = tpu.scan <sum>, %add3A_1319 masked %reduce_sum3A_1321 : vector<16xf32>, vector<16xi1> -> vector<16xf32>
      %reduce_sum3A_1323 = vector.extract %reduce_sum3A_1322[15] : f32 from vector<16xf32>
      %eq3A_1324 = arith.constant 10 : i32
      %eq3A_1325 = vector.broadcast %eq3A_1324 : i32 to vector<16xi32>
      %eq3A_1326 = arith.cmpi eq, %iota3A, %eq3A_1325 : vector<16xi32>
      %broadcast_in_dim3A_1327 = vector.broadcast %reduce_sum3A_1323 : f32 to vector<16xf32>
      %select_n3A_1328 = arith.select %eq3A_1326, %broadcast_in_dim3A_1327, %select_n3A_1298 : vector<16xi1>, vector<16xf32>
      %broadcast_in_dim3A_1329 = arith.constant 3 : i32
      %broadcast_in_dim3A_1330 = vector.broadcast %broadcast_in_dim3A_1329 : i32 to vector<16xi32>
      %slice3A_1331 = vector.extract_strided_slice %sub3A_76 {offsets = [11], sizes = [1], strides = [1]} : vector<16xi32> to vector<1xi32>
      %squeeze3A_1332 = vector.extract %slice3A_1331[0] : i32 from vector<1xi32>
      %broadcast_in_dim3A_1333 = vector.broadcast %squeeze3A_1332 : i32 to vector<16xi32>
      %slice3A_1334 = vector.extract_strided_slice %sub3A_77 {offsets = [11], sizes = [1], strides = [1]} : vector<16xi32> to vector<1xi32>
      %squeeze3A_1335 = vector.extract %slice3A_1334[0] : i32 from vector<1xi32>
      %broadcast_in_dim3A_1336 = vector.broadcast %squeeze3A_1335 : i32 to vector<16xi32>
      %gather3A_1337 = tpu.vector_load_idx %arg9[%broadcast_in_dim3A_1330, %iota3A, %broadcast_in_dim3A_1333] : memref<8x32x128xf32, #tpu.memory_space<vmem>>[vector<16xi32>, vector<16xi32>, vector<16xi32>], vector<16xf32>,
      %add3A_1338 = arith.constant 16 : i32
      %add3A_1339 = vector.broadcast %add3A_1338 : i32 to vector<16xi32>
      %add3A_1340 = arith.addi %iota3A, %add3A_1339 : vector<16xi32>
      %gather3A_1341 = tpu.vector_load_idx %arg9[%broadcast_in_dim3A_1330, %add3A_1340, %broadcast_in_dim3A_1333] : memref<8x32x128xf32, #tpu.memory_space<vmem>>[vector<16xi32>, vector<16xi32>, vector<16xi32>], vector<16xf32>,
      %gather3A_1342 = tpu.vector_load_idx %arg10[%broadcast_in_dim3A_1330, %iota3A, %broadcast_in_dim3A_1336] : memref<8x32x128xf32, #tpu.memory_space<vmem>>[vector<16xi32>, vector<16xi32>, vector<16xi32>], vector<16xf32>,
      %add3A_1343 = arith.constant 16 : i32
      %add3A_1344 = vector.broadcast %add3A_1343 : i32 to vector<16xi32>
      %add3A_1345 = arith.addi %iota3A, %add3A_1344 : vector<16xi32>
      %gather3A_1346 = tpu.vector_load_idx %arg10[%broadcast_in_dim3A_1330, %add3A_1345, %broadcast_in_dim3A_1336] : memref<8x32x128xf32, #tpu.memory_space<vmem>>[vector<16xi32>, vector<16xi32>, vector<16xi32>], vector<16xf32>,
      %mul3A_1347 = arith.mulf %gather3A_1337, %gather3A_1342 : vector<16xf32>
      %mul3A_1348 = arith.mulf %gather3A_1341, %gather3A_1346 : vector<16xf32>
      %add3A_1349 = arith.addf %mul3A_1347, %mul3A_1348 : vector<16xf32>
      %reduce_sum3A_1350 = arith.constant true
      %reduce_sum3A_1351 = vector.broadcast %reduce_sum3A_1350 : i1 to vector<16xi1>
      %reduce_sum3A_1352 = tpu.scan <sum>, %add3A_1349 masked %reduce_sum3A_1351 : vector<16xf32>, vector<16xi1> -> vector<16xf32>
      %reduce_sum3A_1353 = vector.extract %reduce_sum3A_1352[15] : f32 from vector<16xf32>
      %eq3A_1354 = arith.constant 11 : i32
      %eq3A_1355 = vector.broadcast %eq3A_1354 : i32 to vector<16xi32>
      %eq3A_1356 = arith.cmpi eq, %iota3A, %eq3A_1355 : vector<16xi32>
      %broadcast_in_dim3A_1357 = vector.broadcast %reduce_sum3A_1353 : f32 to vector<16xf32>
      %select_n3A_1358 = arith.select %eq3A_1356, %broadcast_in_dim3A_1357, %select_n3A_1328 : vector<16xi1>, vector<16xf32>
      %broadcast_in_dim3A_1359 = arith.constant 4 : i32
      %broadcast_in_dim3A_1360 = vector.broadcast %broadcast_in_dim3A_1359 : i32 to vector<16xi32>
      %slice3A_1361 = vector.extract_strided_slice %sub3A_76 {offsets = [12], sizes = [1], strides = [1]} : vector<16xi32> to vector<1xi32>
      %squeeze3A_1362 = vector.extract %slice3A_1361[0] : i32 from vector<1xi32>
      %broadcast_in_dim3A_1363 = vector.broadcast %squeeze3A_1362 : i32 to vector<16xi32>
      %slice3A_1364 = vector.extract_strided_slice %sub3A_77 {offsets = [12], sizes = [1], strides = [1]} : vector<16xi32> to vector<1xi32>
      %squeeze3A_1365 = vector.extract %slice3A_1364[0] : i32 from vector<1xi32>
      %broadcast_in_dim3A_1366 = vector.broadcast %squeeze3A_1365 : i32 to vector<16xi32>
      %gather3A_1367 = tpu.vector_load_idx %arg9[%broadcast_in_dim3A_1360, %iota3A, %broadcast_in_dim3A_1363] : memref<8x32x128xf32, #tpu.memory_space<vmem>>[vector<16xi32>, vector<16xi32>, vector<16xi32>], vector<16xf32>,
      %add3A_1368 = arith.constant 16 : i32
      %add3A_1369 = vector.broadcast %add3A_1368 : i32 to vector<16xi32>
      %add3A_1370 = arith.addi %iota3A, %add3A_1369 : vector<16xi32>
      %gather3A_1371 = tpu.vector_load_idx %arg9[%broadcast_in_dim3A_1360, %add3A_1370, %broadcast_in_dim3A_1363] : memref<8x32x128xf32, #tpu.memory_space<vmem>>[vector<16xi32>, vector<16xi32>, vector<16xi32>], vector<16xf32>,
      %gather3A_1372 = tpu.vector_load_idx %arg10[%broadcast_in_dim3A_1360, %iota3A, %broadcast_in_dim3A_1366] : memref<8x32x128xf32, #tpu.memory_space<vmem>>[vector<16xi32>, vector<16xi32>, vector<16xi32>], vector<16xf32>,
      %add3A_1373 = arith.constant 16 : i32
      %add3A_1374 = vector.broadcast %add3A_1373 : i32 to vector<16xi32>
      %add3A_1375 = arith.addi %iota3A, %add3A_1374 : vector<16xi32>
      %gather3A_1376 = tpu.vector_load_idx %arg10[%broadcast_in_dim3A_1360, %add3A_1375, %broadcast_in_dim3A_1366] : memref<8x32x128xf32, #tpu.memory_space<vmem>>[vector<16xi32>, vector<16xi32>, vector<16xi32>], vector<16xf32>,
      %mul3A_1377 = arith.mulf %gather3A_1367, %gather3A_1372 : vector<16xf32>
      %mul3A_1378 = arith.mulf %gather3A_1371, %gather3A_1376 : vector<16xf32>
      %add3A_1379 = arith.addf %mul3A_1377, %mul3A_1378 : vector<16xf32>
      %reduce_sum3A_1380 = arith.constant true
      %reduce_sum3A_1381 = vector.broadcast %reduce_sum3A_1380 : i1 to vector<16xi1>
      %reduce_sum3A_1382 = tpu.scan <sum>, %add3A_1379 masked %reduce_sum3A_1381 : vector<16xf32>, vector<16xi1> -> vector<16xf32>
      %reduce_sum3A_1383 = vector.extract %reduce_sum3A_1382[15] : f32 from vector<16xf32>
      %eq3A_1384 = arith.constant 12 : i32
      %eq3A_1385 = vector.broadcast %eq3A_1384 : i32 to vector<16xi32>
      %eq3A_1386 = arith.cmpi eq, %iota3A, %eq3A_1385 : vector<16xi32>
      %broadcast_in_dim3A_1387 = vector.broadcast %reduce_sum3A_1383 : f32 to vector<16xf32>
      %select_n3A_1388 = arith.select %eq3A_1386, %broadcast_in_dim3A_1387, %select_n3A_1358 : vector<16xi1>, vector<16xf32>
      %broadcast_in_dim3A_1389 = arith.constant 5 : i32
      %broadcast_in_dim3A_1390 = vector.broadcast %broadcast_in_dim3A_1389 : i32 to vector<16xi32>
      %slice3A_1391 = vector.extract_strided_slice %sub3A_76 {offsets = [13], sizes = [1], strides = [1]} : vector<16xi32> to vector<1xi32>
      %squeeze3A_1392 = vector.extract %slice3A_1391[0] : i32 from vector<1xi32>
      %broadcast_in_dim3A_1393 = vector.broadcast %squeeze3A_1392 : i32 to vector<16xi32>
      %slice3A_1394 = vector.extract_strided_slice %sub3A_77 {offsets = [13], sizes = [1], strides = [1]} : vector<16xi32> to vector<1xi32>
      %squeeze3A_1395 = vector.extract %slice3A_1394[0] : i32 from vector<1xi32>
      %broadcast_in_dim3A_1396 = vector.broadcast %squeeze3A_1395 : i32 to vector<16xi32>
      %gather3A_1397 = tpu.vector_load_idx %arg9[%broadcast_in_dim3A_1390, %iota3A, %broadcast_in_dim3A_1393] : memref<8x32x128xf32, #tpu.memory_space<vmem>>[vector<16xi32>, vector<16xi32>, vector<16xi32>], vector<16xf32>,
      %add3A_1398 = arith.constant 16 : i32
      %add3A_1399 = vector.broadcast %add3A_1398 : i32 to vector<16xi32>
      %add3A_1400 = arith.addi %iota3A, %add3A_1399 : vector<16xi32>
      %gather3A_1401 = tpu.vector_load_idx %arg9[%broadcast_in_dim3A_1390, %add3A_1400, %broadcast_in_dim3A_1393] : memref<8x32x128xf32, #tpu.memory_space<vmem>>[vector<16xi32>, vector<16xi32>, vector<16xi32>], vector<16xf32>,
      %gather3A_1402 = tpu.vector_load_idx %arg10[%broadcast_in_dim3A_1390, %iota3A, %broadcast_in_dim3A_1396] : memref<8x32x128xf32, #tpu.memory_space<vmem>>[vector<16xi32>, vector<16xi32>, vector<16xi32>], vector<16xf32>,
      %add3A_1403 = arith.constant 16 : i32
      %add3A_1404 = vector.broadcast %add3A_1403 : i32 to vector<16xi32>
      %add3A_1405 = arith.addi %iota3A, %add3A_1404 : vector<16xi32>
      %gather3A_1406 = tpu.vector_load_idx %arg10[%broadcast_in_dim3A_1390, %add3A_1405, %broadcast_in_dim3A_1396] : memref<8x32x128xf32, #tpu.memory_space<vmem>>[vector<16xi32>, vector<16xi32>, vector<16xi32>], vector<16xf32>,
      %mul3A_1407 = arith.mulf %gather3A_1397, %gather3A_1402 : vector<16xf32>
      %mul3A_1408 = arith.mulf %gather3A_1401, %gather3A_1406 : vector<16xf32>
      %add3A_1409 = arith.addf %mul3A_1407, %mul3A_1408 : vector<16xf32>
      %reduce_sum3A_1410 = arith.constant true
      %reduce_sum3A_1411 = vector.broadcast %reduce_sum3A_1410 : i1 to vector<16xi1>
      %reduce_sum3A_1412 = tpu.scan <sum>, %add3A_1409 masked %reduce_sum3A_1411 : vector<16xf32>, vector<16xi1> -> vector<16xf32>
      %reduce_sum3A_1413 = vector.extract %reduce_sum3A_1412[15] : f32 from vector<16xf32>
      %eq3A_1414 = arith.constant 13 : i32
      %eq3A_1415 = vector.broadcast %eq3A_1414 : i32 to vector<16xi32>
      %eq3A_1416 = arith.cmpi eq, %iota3A, %eq3A_1415 : vector<16xi32>
      %broadcast_in_dim3A_1417 = vector.broadcast %reduce_sum3A_1413 : f32 to vector<16xf32>
      %select_n3A_1418 = arith.select %eq3A_1416, %broadcast_in_dim3A_1417, %select_n3A_1388 : vector<16xi1>, vector<16xf32>
      %broadcast_in_dim3A_1419 = arith.constant 6 : i32
      %broadcast_in_dim3A_1420 = vector.broadcast %broadcast_in_dim3A_1419 : i32 to vector<16xi32>
      %slice3A_1421 = vector.extract_strided_slice %sub3A_76 {offsets = [14], sizes = [1], strides = [1]} : vector<16xi32> to vector<1xi32>
      %squeeze3A_1422 = vector.extract %slice3A_1421[0] : i32 from vector<1xi32>
      %broadcast_in_dim3A_1423 = vector.broadcast %squeeze3A_1422 : i32 to vector<16xi32>
      %slice3A_1424 = vector.extract_strided_slice %sub3A_77 {offsets = [14], sizes = [1], strides = [1]} : vector<16xi32> to vector<1xi32>
      %squeeze3A_1425 = vector.extract %slice3A_1424[0] : i32 from vector<1xi32>
      %broadcast_in_dim3A_1426 = vector.broadcast %squeeze3A_1425 : i32 to vector<16xi32>
      %gather3A_1427 = tpu.vector_load_idx %arg9[%broadcast_in_dim3A_1420, %iota3A, %broadcast_in_dim3A_1423] : memref<8x32x128xf32, #tpu.memory_space<vmem>>[vector<16xi32>, vector<16xi32>, vector<16xi32>], vector<16xf32>,
      %add3A_1428 = arith.constant 16 : i32
      %add3A_1429 = vector.broadcast %add3A_1428 : i32 to vector<16xi32>
      %add3A_1430 = arith.addi %iota3A, %add3A_1429 : vector<16xi32>
      %gather3A_1431 = tpu.vector_load_idx %arg9[%broadcast_in_dim3A_1420, %add3A_1430, %broadcast_in_dim3A_1423] : memref<8x32x128xf32, #tpu.memory_space<vmem>>[vector<16xi32>, vector<16xi32>, vector<16xi32>], vector<16xf32>,
      %gather3A_1432 = tpu.vector_load_idx %arg10[%broadcast_in_dim3A_1420, %iota3A, %broadcast_in_dim3A_1426] : memref<8x32x128xf32, #tpu.memory_space<vmem>>[vector<16xi32>, vector<16xi32>, vector<16xi32>], vector<16xf32>,
      %add3A_1433 = arith.constant 16 : i32
      %add3A_1434 = vector.broadcast %add3A_1433 : i32 to vector<16xi32>
      %add3A_1435 = arith.addi %iota3A, %add3A_1434 : vector<16xi32>
      %gather3A_1436 = tpu.vector_load_idx %arg10[%broadcast_in_dim3A_1420, %add3A_1435, %broadcast_in_dim3A_1426] : memref<8x32x128xf32, #tpu.memory_space<vmem>>[vector<16xi32>, vector<16xi32>, vector<16xi32>], vector<16xf32>,
      %mul3A_1437 = arith.mulf %gather3A_1427, %gather3A_1432 : vector<16xf32>
      %mul3A_1438 = arith.mulf %gather3A_1431, %gather3A_1436 : vector<16xf32>
      %add3A_1439 = arith.addf %mul3A_1437, %mul3A_1438 : vector<16xf32>
      %reduce_sum3A_1440 = arith.constant true
      %reduce_sum3A_1441 = vector.broadcast %reduce_sum3A_1440 : i1 to vector<16xi1>
      %reduce_sum3A_1442 = tpu.scan <sum>, %add3A_1439 masked %reduce_sum3A_1441 : vector<16xf32>, vector<16xi1> -> vector<16xf32>
      %reduce_sum3A_1443 = vector.extract %reduce_sum3A_1442[15] : f32 from vector<16xf32>
      %eq3A_1444 = arith.constant 14 : i32
      %eq3A_1445 = vector.broadcast %eq3A_1444 : i32 to vector<16xi32>
      %eq3A_1446 = arith.cmpi eq, %iota3A, %eq3A_1445 : vector<16xi32>
      %broadcast_in_dim3A_1447 = vector.broadcast %reduce_sum3A_1443 : f32 to vector<16xf32>
      %select_n3A_1448 = arith.select %eq3A_1446, %broadcast_in_dim3A_1447, %select_n3A_1418 : vector<16xi1>, vector<16xf32>
      %broadcast_in_dim3A_1449 = arith.constant 7 : i32
      %broadcast_in_dim3A_1450 = vector.broadcast %broadcast_in_dim3A_1449 : i32 to vector<16xi32>
      %slice3A_1451 = vector.extract_strided_slice %sub3A_76 {offsets = [15], sizes = [1], strides = [1]} : vector<16xi32> to vector<1xi32>
      %squeeze3A_1452 = vector.extract %slice3A_1451[0] : i32 from vector<1xi32>
      %broadcast_in_dim3A_1453 = vector.broadcast %squeeze3A_1452 : i32 to vector<16xi32>
      %slice3A_1454 = vector.extract_strided_slice %sub3A_77 {offsets = [15], sizes = [1], strides = [1]} : vector<16xi32> to vector<1xi32>
      %squeeze3A_1455 = vector.extract %slice3A_1454[0] : i32 from vector<1xi32>
      %broadcast_in_dim3A_1456 = vector.broadcast %squeeze3A_1455 : i32 to vector<16xi32>
      %gather3A_1457 = tpu.vector_load_idx %arg9[%broadcast_in_dim3A_1450, %iota3A, %broadcast_in_dim3A_1453] : memref<8x32x128xf32, #tpu.memory_space<vmem>>[vector<16xi32>, vector<16xi32>, vector<16xi32>], vector<16xf32>,
      %add3A_1458 = arith.constant 16 : i32
      %add3A_1459 = vector.broadcast %add3A_1458 : i32 to vector<16xi32>
      %add3A_1460 = arith.addi %iota3A, %add3A_1459 : vector<16xi32>
      %gather3A_1461 = tpu.vector_load_idx %arg9[%broadcast_in_dim3A_1450, %add3A_1460, %broadcast_in_dim3A_1453] : memref<8x32x128xf32, #tpu.memory_space<vmem>>[vector<16xi32>, vector<16xi32>, vector<16xi32>], vector<16xf32>,
      %gather3A_1462 = tpu.vector_load_idx %arg10[%broadcast_in_dim3A_1450, %iota3A, %broadcast_in_dim3A_1456] : memref<8x32x128xf32, #tpu.memory_space<vmem>>[vector<16xi32>, vector<16xi32>, vector<16xi32>], vector<16xf32>,
      %add3A_1463 = arith.constant 16 : i32
      %add3A_1464 = vector.broadcast %add3A_1463 : i32 to vector<16xi32>
      %add3A_1465 = arith.addi %iota3A, %add3A_1464 : vector<16xi32>
      %gather3A_1466 = tpu.vector_load_idx %arg10[%broadcast_in_dim3A_1450, %add3A_1465, %broadcast_in_dim3A_1456] : memref<8x32x128xf32, #tpu.memory_space<vmem>>[vector<16xi32>, vector<16xi32>, vector<16xi32>], vector<16xf32>,
      %mul3A_1467 = arith.mulf %gather3A_1457, %gather3A_1462 : vector<16xf32>
      %mul3A_1468 = arith.mulf %gather3A_1461, %gather3A_1466 : vector<16xf32>
      %add3A_1469 = arith.addf %mul3A_1467, %mul3A_1468 : vector<16xf32>
      %reduce_sum3A_1470 = arith.constant true
      %reduce_sum3A_1471 = vector.broadcast %reduce_sum3A_1470 : i1 to vector<16xi1>
      %reduce_sum3A_1472 = tpu.scan <sum>, %add3A_1469 masked %reduce_sum3A_1471 : vector<16xf32>, vector<16xi1> -> vector<16xf32>
      %reduce_sum3A_1473 = vector.extract %reduce_sum3A_1472[15] : f32 from vector<16xf32>
      %eq3A_1474 = arith.constant 15 : i32
      %eq3A_1475 = vector.broadcast %eq3A_1474 : i32 to vector<16xi32>
      %eq3A_1476 = arith.cmpi eq, %iota3A, %eq3A_1475 : vector<16xi32>
      %broadcast_in_dim3A_1477 = vector.broadcast %reduce_sum3A_1473 : f32 to vector<16xf32>
      %select_n3A_1478 = arith.select %eq3A_1476, %broadcast_in_dim3A_1477, %select_n3A_1448 : vector<16xi1>, vector<16xf32>
      %mul3A_1479 = arith.constant 16 : i32
      %mul3A_1480 = arith.muli %scan3A_8, %mul3A_1479 : i32
      %swap3A = arith.index_cast %mul3A_1480 : i32 to index
      %swap3A_1481 = tpu.vector_load %arg11[%swap3A] {strides = array<i32>} : memref<512xf32, #tpu.memory_space<vmem>>, vector<16xf32>,
      tpu.vector_store %arg11[%swap3A], %select_n3A_1478 {strides = array<i32>} : memref<512xf32, #tpu.memory_space<vmem>>, vector<16xf32>,
    }
    %scan3A_7 = arith.constant 32 : i32
    "tpu.region"() ({
      %run_scoped3A = tpu.sem_alloc : memref<!tpu.dma_semaphore, #tpu.memory_space<semaphore_mem>>
      %dma_start3A = tpu.memref_slice %arg6[%mul3A_2] : memref<16384xf32, #tpu.memory_space<hbm>> -> memref<512xf32, #tpu.memory_space<hbm>>
      %dma_start3A_8 = tpu.memref_slice %arg6[%mul3A_2] : memref<16384xf32, #tpu.memory_space<hbm>> -> memref<512xf32, #tpu.memory_space<hbm>>
      tpu.enqueue_dma source(%arg11 : memref<512xf32, #tpu.memory_space<vmem>>) target(%dma_start3A_8 : memref<512xf32, #tpu.memory_space<hbm>>) target_semaphore(%run_scoped3A : memref<!tpu.dma_semaphore, #tpu.memory_space<semaphore_mem>>)
      %dma_wait3A = tpu.memref_slice %arg6[%mul3A_2] : memref<16384xf32, #tpu.memory_space<hbm>> -> memref<512xf32, #tpu.memory_space<hbm>>
      %dma_wait3A_9 = tpu.memref_slice %arg6[%mul3A_2] : memref<16384xf32, #tpu.memory_space<hbm>> -> memref<512xf32, #tpu.memory_space<hbm>>
      tpu.wait_dma2 semaphore(%run_scoped3A : memref<!tpu.dma_semaphore, #tpu.memory_space<semaphore_mem>>) src(%arg11 : memref<512xf32, #tpu.memory_space<vmem>>) dst(%dma_wait3A_9 : memref<512xf32, #tpu.memory_space<hbm>>)
      tpu.yield
    }) : () -> ()
    return
  }
}

</mosaic_0001>

<sc_bundles>
// kernel: kernel.3.cloned.1.call-start
scs
__scs_entry_jumppad:
0x0: {  	(pc) =	sbr.rel $0x88, $3  }
0x1: {  	(tag) =	ssettag $0x0;
	lr =	simm.s32 $0x1  }
0x2: {  	[smem:$0x3F9D] =	sst lr;
	_ =	strace $0xD0000000  }
0x3: {  	_ = 	snop  }
0x4: {  	_ = 	snop  }
0x5: {  	_ = 	snop  }
0x6: {  	_ = 	snop  }
0x7: {  	_ = 	snop  }
__scs_overlays_trampoline_lowered:
0x8: {  	[smem:$0x3FAC] =	sst s0  }
0x9: {  	[smem:$0x3FAD] =	sst s1  }
0xa: {  	[smem:$0x3FAE] =	sst s2  }
0xb: {  	[smem:$0x3FAF] =	sst s3  }
0xc: {  	[smem:$0x3FB0] =	sst s4  }
0xd: {  	[smem:$0x3FB1] =	sst s5  }
0xe: {  	[smem:$0x3FB2] =	sst s6  }
0xf: {  	[smem:$0x3FB3] =	sst s7  }
0x10: {  	[smem:$0x3FB4] =	sst s8  }
0x11: {  	[smem:$0x3FB5] =	sst s9;
	s0 =	simm.s32 @!p0 $0x0  }
0x12: {  	s1 =	sld [smem:$0x3F9B];
	s0 =	simm.s32 @p0 $0x1  }
0x13: {  	[smem:$0x3FB6] =	sst s0;
	s0 =	simm.s32 @!p1 $0x0  }
0x14: {  	s2 =	sld [smem:$0x3F9A];
	s0 =	simm.s32 @p1 $0x1  }
0x15: {  	[smem:$0x3FB7] =	sst s0;
	s0 =	simm.s32 @!p2 $0x0  }
0x16: {  	s3 =	sld [smem:$0x3FDB];
	s0 =	simm.s32 @p2 $0x1  }
0x17: {  	s4 =	simm.s32 $0x1BF5;
	[smem:$0x3FB9] =	sst s0  }
0x18: {  	s0 =	sld [smem:$0x3F9C];
	_ =	swait.ge [sflag:s4], $0x0  }
0x19: {  	s7 =	sld [smem:$0x3F9D]  }
0x1a: {  	s8 =	sadd.s32 $0xFFFFE003, lr  }
0x1b: {  	s9 =	sadd.s32 $0xFFFFFEF7, lr;
	s5 =	simm.s32 $0xFFFFFFFF;
	p2 =	slt.u32 s8, $0xFFFFF086  }
0x1c: {  	p1 =	slt.u32 s9, $0xF7A;
	s5 =	simm.s32 @!p2 $0x0  }
0x1d: {  	s5 =	simm.s32 @p1 $0x1;
	p0 =	seq.s32 s7, s2  }
0x1e: {  	s7 =	smul.u32 @!p0 $0xF7A, s2;
	p2 =	seq.s32 @!p0 s5, $0x0  }
0x1f: {  	s9 =	smul.u32 $0xF7A, s1;
	s8 =	simm.s32 @!p0 $0x1BF5;
	p2 =	por !p2, p0  }
0x20: {  	[sflag:s8] =	ssyncset.s32 @!p0 $0xFFFFF086;
	s6 =	sadd.s32 @!p0 s3, s7;
	s7 =	simm.s32 @!p0 $0x108  }
0x21: {  	s3 =	sadd.s32 s3, s9;
	s6 =	sadd.s32 @!p0 $0x88, s6;
	s7 =	simm.s32 @p2 $0x1082  }
0x22: {  	[simem:s7], [sflag:s8] =	dma.local @!p0 [hbm:s6], $0xF7A  }
0x23: {  	s9 =	sor.u32 $0xD0000000, s2;
	s6 =	simm.s32 $0x108;
	_ =	swait.ge @!p0 [sflag:s8], $0x0  }
0x24: {  	s3 =	sadd.s32 $0x88, s3;
	s6 =	simm.s32 @!p1 $0x1082;
	[sflag:s4] =	ssyncset.s32 $0xFFFFF086  }
0x25: {  	[simem:s6], [sflag:s4] =	dma.local [hbm:s3], $0xF7A  }
0x26: {  	[smem:$0x3F9D] =	sst s1;
	(tag) =	ssettag s2;
	_ =	strace s9  }
0x27: {  	s1 =	sld [smem:$0x3FAD]  }
0x28: {  	s2 =	sld [smem:$0x3FAE]  }
0x29: {  	s4 =	sld [smem:$0x3FB0]  }
0x2a: {  	p0 =	seq.s32 s5, $0x0;
	s5 =	sld [smem:$0x3FB1]  }
0x2b: {  	s6 =	sld [smem:$0x3FB2]  }
0x2c: {  	s7 =	sld [smem:$0x3FB3]  }
0x2d: {  	s3 =	simm.s32 $0x108;
	s8 =	sld [smem:$0x3FB4]  }
0x2e: {  	s3 =	simm.s32 @!p0 $0x1082;
	s9 =	sld [smem:$0x3FB5]  }
0x2f: {  	lr =	sadd.s32 s0, s3;
	s0 =	sld [smem:$0x3FAC]  }
0x30: {  	s3 =	sld [smem:$0x3FAF]  }
0x31: {  	[smem:$0x3FB8] =	sst s10  }
0x32: {  	s10 =	sld [smem:$0x3FB6];
	_ =	sdelay $0x3  }
0x33: {  	p0 =	seq.s32 s10, $0x1;
	s10 =	sld [smem:$0x3FB8];
	_ =	sdelay $0x3  }
0x34: {  	[smem:$0x3FB8] =	sst s10  }
0x35: {  	s10 =	sld [smem:$0x3FB7];
	_ =	sdelay $0x3  }
0x36: {  	p1 =	seq.s32 s10, $0x1;
	s10 =	sld [smem:$0x3FB8];
	_ =	sdelay $0x3  }
0x37: {  	[smem:$0x3FB8] =	sst s10  }
0x38: {  	s10 =	sld [smem:$0x3FB9]  }
0x39: {  	_ = 	snop;
	(pc) =	sbr.ind lr, $3  }
0x3a: {  	_ = 	snop  }
0x3b: {  	_ = 	snop  }
0x3c: {  	p2 =	seq.s32 s10, $0x1;
	s10 =	sld [smem:$0x3FB8]  }
0x3d: {  	_ =	shalt  }
0x3e: {  	_ =	shalt  }
0x3f: {  	_ =	shalt  }
0x40: {  	_ =	shalt  }
0x41: {  	_ =	shalt  }
0x42: {  	_ =	shalt  }
0x43: {  	_ =	shalt  }
0x44: {  	_ =	shalt  }
0x45: {  	_ =	shalt  }
0x46: {  	_ =	shalt  }
0x47: {  	_ =	shalt  }
0x48: {  	_ =	shalt  }
0x49: {  	_ =	shalt  }
0x4a: {  	_ =	shalt  }
0x4b: {  	_ =	shalt  }
0x4c: {  	_ =	shalt  }
0x4d: {  	_ =	shalt  }
0x4e: {  	_ =	shalt  }
0x4f: {  	_ =	shalt  }
0x50: {  	_ =	shalt  }
0x51: {  	_ =	shalt  }
0x52: {  	_ =	shalt  }
0x53: {  	_ =	shalt  }
0x54: {  	_ =	shalt  }
0x55: {  	_ =	shalt  }
0x56: {  	_ =	shalt  }
0x57: {  	_ =	shalt  }
0x58: {  	_ =	shalt  }
0x59: {  	_ =	shalt  }
0x5a: {  	_ =	shalt  }
0x5b: {  	_ =	shalt  }
0x5c: {  	_ =	shalt  }
0x5d: {  	_ =	shalt  }
0x5e: {  	_ =	shalt  }
0x5f: {  	_ =	shalt  }
0x60: {  	_ =	shalt  }
0x61: {  	_ =	shalt  }
0x62: {  	_ =	shalt  }
0x63: {  	_ =	shalt  }
0x64: {  	_ =	shalt  }
0x65: {  	_ =	shalt  }
0x66: {  	_ =	shalt  }
0x67: {  	_ =	shalt  }
0x68: {  	_ =	shalt  }
0x69: {  	_ =	shalt  }
0x6a: {  	_ =	shalt  }
0x6b: {  	_ =	shalt  }
0x6c: {  	_ =	shalt  }
0x6d: {  	_ =	shalt  }
0x6e: {  	_ =	shalt  }
0x6f: {  	_ =	shalt  }
0x70: {  	_ =	shalt  }
0x71: {  	_ =	shalt  }
0x72: {  	_ =	shalt  }
0x73: {  	_ =	shalt  }
0x74: {  	_ =	shalt  }
0x75: {  	_ =	shalt  }
0x76: {  	_ =	shalt  }
0x77: {  	_ =	shalt  }
0x78: {  	_ =	shalt  }
0x79: {  	_ =	shalt  }
0x7a: {  	_ =	shalt  }
0x7b: {  	_ =	shalt  }
0x7c: {  	_ =	shalt  }
0x7d: {  	_ =	shalt  }
0x7e: {  	_ =	shalt  }
0x7f: {  	_ =	shalt  }
0x80: {  	_ =	shalt  }
0x81: {  	_ =	shalt  }
0x82: {  	_ =	shalt  }
0x83: {  	_ =	shalt  }
0x84: {  	_ =	shalt  }
0x85: {  	_ =	shalt  }
0x86: {  	_ =	shalt  }
0x87: {  	_ =	shalt  }
.Lfunc_end0:
.L_simem_size_0:
called_computation_lowered:
.L_overlay_start_0:
0x88: {  	s2 =	sld [smem:$0x3FD9]  }
0x89: {  	s3 =	sld [smem:$0x3FFE];
	_ =	sdelay $0x1  }
0x8a: {  	s1 =	srdreg.scid  }
0x8b: {  	s0 =	sand.u32 $0x1, s1  }
0x8c: {  	s18 =	sshll.u32 s0, $0xA;
	s2 =	sadd.s32 s3, s2  }
0x8d: {  	s2 =	sadd.s32 s2, s18  }
0x8e: {  	[smem:$0x3FC4] =	sst s2  }
0x8f: {  	_ = 	snop  }
0x90: {  	s2 =	sld [smem:$0x3FC9]  }
0x91: {  	s19 =	sld [smem:$0x3FC8]  }
0x92: {  	s4 =	sld [smem:$0x3FC7]  }
0x93: {  	s5 =	sld [smem:$0x3FC6]  }
0x94: {  	s6 =	sld [smem:$0x3FD0];
	(tm) =	ssettm $0x1  }
0x95: {  	s7 =	sld [smem:$0x3FFB];
	_ =	sdelay $0x3  }
0x96: {  	_ =	strace s7  }
0x97: {  	s7 =	sld [smem:$0x3FFC];
	_ =	sdelay $0x3  }
0x98: {  	_ =	strace s7  }
0x99: {  	s7 =	sld [smem:$0x3FFD];
	_ =	sdelay $0x3  }
0x9a: {  	_ =	strace s7  }
0x9b: {  	_ =	strace $0x8FFFFFFF  }
0x9c: {  	s20 =	sld [smem:$0x3FDB];
	_ =	sdelay $0x1  }
0x9d: {  	s8 =	simm.s32 $_scs_section_size  }
0x9e: {  	s9 =	simm.s32 $_size__tile_overlayer_lowered;
	s10 =	simm.s32 $_tile_overlayer_lowered  }
0x9f: {  	s23 =	simm.s32 $0x1BFF;
	s22 =	sshll.u32 s10, $0x1;
	s7 =	sadd.s32 s8, s20  }
0xa0: {  	s11 =	simm.s32 $0x0;
	s21 =	sshll.u32 s9, $0x1;
	s9 =	sadd.s32 s22, s7  }
0xa1: {  	[timem:s11], [sflag:s23] =	dma.local [hbm:s9], s21  }
0xa2: {  	_ =	swait.ge [sflag:s23], s21  }
0xa3: {  	s8 =	ssub.s32 $0x0, s21;
	[sflag:s23] =	ssyncset.done $0x0  }
0xa4: {  	[sflag:s23] =	ssyncadd.s32 s8;
	_ =	sdelay $0x1  }
0xa5: {  	s24 =	simm.s32 $0x1B8B  }
0xa6: {  	_ =	swait.ge [sflag:s24], $0x1  }
0xa7: {  	[sflag:s24] =	ssyncset.done $0x0  }
0xa8: {  	s25 =	simm.s32 $0x1B8E;
	[sflag:s24] =	ssyncadd.s32 $0xFFFFFFFF  }
0xa9: {  	s26 =	simm.s32 $execute0_lowered;
	[smem:$0x3FD2] =	sst s25  }
0xaa: {  	s8 =	sshll.u32 s26, $0x1;
	_ =	strace $0x80000046;
	[dreg:$0x1] =	wrdreg $0xFFFFFFFF  }
0xab: {  	s28 =	simm.s32 $_size_execute0_lowered;
	s7 =	sadd.s32 s7, s8;
	[dreg:$0x0] =	wrdreg $0x0  }
0xac: {  	s8 =	sshll.u32 s28, $0x1;
	[dreg:$0x2] =	wrdreg s7  }
0xad: {  	[dreg:$0x3] =	wrdreg s8  }
0xae: {  	[dreg:$0x4] =	wrdreg $0xC0  }
0xaf: {  	_ =	task [dreg:s11], $0x5FFFF  }
0xb0: {  	[dreg:$0x1] =	wrdreg $0xFFFFFFFF  }
0xb1: {  	[dreg:$0x0] =	wrdreg $0x60  }
0xb2: {  	[dreg:$0x2] =	wrdreg s2  }
0xb3: {  	[dreg:$0x3] =	wrdreg s19  }
0xb4: {  	[dreg:$0x4] =	wrdreg s4  }
0xb5: {  	[dreg:$0x5] =	wrdreg s5  }
0xb6: {  	[dreg:$0x6] =	wrdreg s6  }
0xb7: {  	[dreg:$0x7] =	wrdreg $0x9  }
0xb8: {  	_ =	task.clear_ibuf [dreg:s11], $0x8FFFF;
	_ =	strace $0x90000046  }
0xb9: {  	s29 =	simm.s32 $0x9;
	_ =	strace $0x80000048  }
0xba: {  	_ =	swait.ge [sflag:s29], $0x1  }
0xbb: {  	[sflag:s29] =	ssyncadd.s32 $0xFFFFFFFF  }
0xbc: {  	_ =	strace $0x90000048  }
0xbd: {  	_ =	sfence  }
0xbe: {  	s30 =	sld [smem:$0x0];
	_ =	sdelay $0x2  }
0xbf: {  	s31 =	sshll.u32 s1, $0xD;
	s1 =	sshrl.u32 s1, $0x2  }
0xc0: {  	s3 =	sand.u32 $0x4000, s31;
	s1 =	sadd.s32 s1, s30  }
0xc1: {  	s0 =	sor.u32 s3, s0;
	s1 =	sshll.u32 s1, $0x11  }
0xc2: {  	s0 =	sor.u32 s1, s0  }
0xc3: {  	s0 =	sadd.s32 $0x8F2B, s0  }
0xc4: {  	[sflag:s0] =	ssyncadd.remote.s32 $0x1  }
0xc5: {  	_ =	sfence.sel $0xFFFF  }
0xc6: {  	[dreg:$0x0] =	wrdreg $0xFFFFFFFF;
	(pc) =	sbr.abs _section_cstart, $3  }
0xc7: {  	[dreg:$0x1] =	wrdreg $0xFFFFFFFF  }
0xc8: {  	_ =	task.clear_ibuf [dreg:s11], $0x2FFFF;
	_ =	strace $0x9FFFFFFF  }
0xc9: {  	(tm) =	ssettm $0x7FFFFFFF  }
tec
execute0_lowered:
.L_overlay_start_1:
0x0: {  	(tag) =	ssettag $0x1  }
0x1: {  	s3 =	rddreg [dreg:$0x0]  }
0x2: {  	s4 =	rddreg [dreg:$0x1]  }
0x3: {  	s0 =	rddreg [dreg:$0x2]  }
0x4: {  	s30 =	rddreg [dreg:$0x3]  }
0x5: {  	s5 =	rddreg [dreg:$0x4];
	s2 =	simm.s32 $0x0  }
0x6: {  	s6 =	srdreg.scid;
	s31 =	stileid.u32;
	s10 =	simm.s32 $0x400  }
0x7: {  	v0 =	vlaneseq.u32;
	v1 =	vimm.s32 $0x0;
	s11 =	simm.s32 $0x8400;
	s12 =	simm.s32 $0x1400;
	s13 =	simm.s32 $0x9400  }
0x8: {  	vm0 =	vmmov $0x1;
	vm1 =	vmmov $0x3;
	vm2 =	vmmov $0x7;
	s14 =	simm.s32 $0x2400;
	s15 =	simm.s32 $0xA400;
	s16 =	simm.s32 $0x3400  }
0x9: {  	vm3 =	vmmov $0xf;
	vm4 =	vmmov $0x1f;
	s17 =	simm.s32 $0xB400;
	s18 =	simm.s32 $0x4400;
	s19 =	simm.s32 $0xC400;
	vm5 =	vmmov $0x3f  }
0xa: {  	s20 =	simm.s32 $0x5400;
	s21 =	simm.s32 $0xD400;
	s22 =	simm.s32 $0x6400;
	vm6 =	vmmov $0x7f;
	vm7 =	vmmov $0xff;
	vm8 =	vmmov $0x1ff  }
0xb: {  	s23 =	simm.s32 $0xE400;
	s24 =	simm.s32 $0x7400;
	s25 =	simm.s32 $0xF400;
	vm9 =	vmmov $0x3ff;
	vm10 =	vmmov $0x7ff;
	vm11 =	vmmov $0xfff  }
0xc: {  	vm14 =	vmmov $0x7fff;
	s26 =	simm.s32 $0x1;
	s28 =	simm.s32 $0x10400;
	v17 =	vimm.s32 $0x0;
	[dreg:$0x6] =	wrdreg s0;
	v0 =	vmul.u32 $0x80, v0  }
0xd: {  	vm12 =	vmmov $0x1fff;
	vm13 =	vmmov $0x3fff;
	s29 =	simm.s32 $0x0;
	[dreg:$0x7] =	wrdreg s30;
	s6 =	sand.u32 $0x1, s6;
	v17 =	vsel vm14, $0xFFFFFFFF, v17  }
0xe: {  	[smem:$0x7FF] =	sst s2;
	s8 =	sshll.u32 s31, $0x7;
	s7 =	ssub.s32 $0x2, s6;
	v2 =	vor.u32 $0x800, v0;
	v3 =	vor.u32 $0x1000, v0;
	v4 =	vor.u32 $0x1800, v0  }
0xf: {  	s6 =	sshll.u32 s6, $0x6;
	_ =	strace $0x80000047;
	s9 =	sshrl.u32 s7, $0x1;
	v5 =	vor.u32 $0x2000, v0;
	v6 =	vor.u32 $0x2800, v0;
	v7 =	vor.u32 $0x3000, v0  }
0x10: {  	s6 =	sor.u32 s6, s8;
	v8 =	vor.u32 $0x3800, v0;
	s8 =	simm.s32 $0x200;
	v9 =	vor.u32 $0x4000, v0;
	v10 =	vor.u32 $0x4800, v0;
	s7 =	ssub.s32 s7, s9  }
0x11: {  	v11 =	vor.u32 $0x5000, v0;
	v12 =	vor.u32 $0x5800, v0;
	v13 =	vor.u32 $0x6000, v0;
	s3 =	sadd.s32 s3, s6;
	s4 =	sadd.s32 s4, s6;
	s5 =	sadd.s32 s5, s6  }
0x12: {  	[tilespmem:$0x1FFF0] =	vst v17;
	v14 =	vor.u32 $0x6800, v0;
	v15 =	vor.u32 $0x7000, v0;
	v16 =	vor.u32 $0x7800, v0;
	s9 =	simm.s32 $0x7A1400;
	s6 =	smax.u32 s7, $0x1;
	s7 =	simm.s32 $0x2  }
.LBB2_1:
0x13: {  	[tilespmem:s2], [sflag:$0x2] =	stream.linear.gather [hbm4b:s3+s2], $0x200, $0x38;
	[tilespmem:$0x10600] =	vst v63  }
0x14: {  	_ =	swait.ge [sflag:s7], $0x200  }
0x15: {  	[sflag:s7] =	ssyncset.done $0x0  }
0x16: {  	[sflag:s7] =	ssyncadd.s32 $0xFFFFFE00  }
0x17: {  	[tilespmem:s8], [sflag:$0x2] =	stream.linear.gather [hbm4b:s4+s2], $0x200, $0x38;
	[tilespmem:$0x10600] =	vst v63  }
0x18: {  	_ =	swait.ge [sflag:s7], $0x200  }
0x19: {  	[sflag:s7] =	ssyncset.done $0x0  }
0x1a: {  	s30 =	simm.s32 $0x0;
	[sflag:s7] =	ssyncadd.s32 $0xFFFFFE00  }
.LBB2_2:
0x1b: {  	s31 =	sshra.s32 s30, $0x2  }
0x1c: {  	vm14 =	vmmov vm13;
	v17 =	vld [tilespmem:s31+$0x0]  }
0x1d: {  	vm13 =	vmmov vm12;
	vm12 =	vmmov vm11;
	vm11 =	vmmov vm10;
	v18 =	vld [tilespmem:s31+$0x200]  }
0x1e: {  	vm10 =	vmmov vm9;
	vm9 =	vmmov vm8;
	vm8 =	vmmov vm7  }
0x1f: {  	vm7 =	vmmov vm6;
	vm6 =	vmmov vm5;
	vm5 =	vmmov vm4  }
0x20: {  	vm4 =	vmmov vm3;
	vm3 =	vmmov vm2;
	vm2 =	vmmov vm1  }
0x21: {  	vm1 =	vmmov vm0;
	v19 =	vshra.s32 v17, $0x1F;
	v20 =	vand.u32 $0x7F, v17  }
0x22: {  	vm15 =	vlt.s32 v17, $0x1;
	v21 =	vshra.s32 v18, $0x1F;
	v22 =	vand.u32 $0x7F, v18  }
0x23: {  	v19 =	vshrl.u32 v19, $0x19;
	vm0 =	vne.s32 v20, $0x0;
	v21 =	vshrl.u32 v21, $0x19  }
0x24: {  	v19 =	vadd.s32 v19, v17;
	vm0 =	vmand vm15, vm0;
	vm15 =	vne.s32 v22, $0x0  }
0x25: {  	v19 =	vshrl.u32 v19, $0x7;
	v53 =	vsel vm0, $0xFFFFFFFF, v1;
	vm0 =	vlt.s32 v18, $0x1  }
0x26: {  	v54 =	vadd.s32 v21, v18;
	vm0 =	vmand vm0, vm15;
	v19 =	vadd.s32 v53, v19  }
0x27: {  	s0 =	rddreg [dreg:$0x6];
	v55 =	vsel vm0, $0xFFFFFFFF, v1;
	v57 =	vshll.u32 v19, $0x7;
	v19 =	vshrl.u32 v54, $0x7  }
0x28: {  	v58 =	vadd.s32 s0, v57;
	v19 =	vadd.s32 v55, v19  }
0x29: {  	s1 =	rddreg [dreg:$0x7];
	v21 =	vshll.u32 v19, $0x7;
	(v2sf) =	vpush v58, $0x0  }
0x2a: {  	v19 =	vadd.s32 s1, v21  }
0x2b: {  	(v2sf) =	vpush v19, $0x0;
	_ =	sdelay $0x1  }
0x2c: {  	(v2sf) =	vpush v58, $0x1;
	_ =	sdelay $0x1  }
0x2d: {  	(v2sf) =	vpush v19, $0x1;
	_ =	sdelay $0x1  }
0x2e: {  	(v2sf) =	vpush v58, $0x2;
	_ =	sdelay $0x1  }
0x2f: {  	(v2sf) =	vpush v19, $0x2;
	_ =	sdelay $0x1  }
0x30: {  	(v2sf) =	vpush v58, $0x3;
	_ =	sdelay $0x1  }
0x31: {  	(v2sf) =	vpush v19, $0x3  }
0x32: {  	s1 =	spop (v2sf)  }
0x33: {  	(v2sf) =	vpush v58, $0x4;
	[tilespmem:s10], [sflag:$0x1] =	stream.strided.gather [hbm4b:s1+s10], $0x1000, s9, s10, $0x38;
	[tilespmem:$0x10600] =	vst v63  }
0x34: {  	s1 =	spop (v2sf)  }
0x35: {  	(v2sf) =	vpush v19, $0x4;
	[tilespmem:s11], [sflag:$0x1] =	stream.strided.gather [hbm4b:s1+s10], $0x1000, s9, s10, $0x38;
	[tilespmem:$0x10600] =	vst v63  }
0x36: {  	s1 =	spop (v2sf)  }
0x37: {  	(v2sf) =	vpush v58, $0x5;
	[tilespmem:s12], [sflag:$0x1] =	stream.strided.gather [hbm4b:s1+s10], $0x1000, s9, s10, $0x38;
	[tilespmem:$0x10600] =	vst v63  }
0x38: {  	s1 =	spop (v2sf)  }
0x39: {  	(v2sf) =	vpush v19, $0x5;
	[tilespmem:s13], [sflag:$0x1] =	stream.strided.gather [hbm4b:s1+s10], $0x1000, s9, s10, $0x38;
	[tilespmem:$0x10600] =	vst v63  }
0x3a: {  	s1 =	spop (v2sf)  }
0x3b: {  	(v2sf) =	vpush v58, $0x6;
	[tilespmem:s14], [sflag:$0x1] =	stream.strided.gather [hbm4b:s1+s10], $0x1000, s9, s10, $0x38;
	[tilespmem:$0x10600] =	vst v63  }
0x3c: {  	s1 =	spop (v2sf)  }
0x3d: {  	(v2sf) =	vpush v19, $0x6;
	[tilespmem:s15], [sflag:$0x1] =	stream.strided.gather [hbm4b:s1+s10], $0x1000, s9, s10, $0x38;
	[tilespmem:$0x10600] =	vst v63  }
0x3e: {  	s1 =	spop (v2sf)  }
0x3f: {  	(v2sf) =	vpush v58, $0x7;
	[tilespmem:s16], [sflag:$0x1] =	stream.strided.gather [hbm4b:s1+s10], $0x1000, s9, s10, $0x38;
	[tilespmem:$0x10600] =	vst v63  }
0x40: {  	s1 =	spop (v2sf)  }
0x41: {  	(v2sf) =	vpush v19, $0x7;
	[tilespmem:s17], [sflag:$0x1] =	stream.strided.gather [hbm4b:s1+s10], $0x1000, s9, s10, $0x38;
	[tilespmem:$0x10600] =	vst v63  }
0x42: {  	s1 =	spop (v2sf)  }
0x43: {  	[tilespmem:s18], [sflag:$0x1] =	stream.strided.gather [hbm4b:s1+s10], $0x1000, s9, s10, $0x38;
	[tilespmem:$0x10600] =	vst v63  }
0x44: {  	s1 =	spop (v2sf)  }
0x45: {  	[tilespmem:s19], [sflag:$0x1] =	stream.strided.gather [hbm4b:s1+s10], $0x1000, s9, s10, $0x38;
	[tilespmem:$0x10600] =	vst v63  }
0x46: {  	s1 =	spop (v2sf)  }
0x47: {  	[tilespmem:s20], [sflag:$0x1] =	stream.strided.gather [hbm4b:s1+s10], $0x1000, s9, s10, $0x38;
	[tilespmem:$0x10600] =	vst v63  }
0x48: {  	s1 =	spop (v2sf)  }
0x49: {  	[tilespmem:s21], [sflag:$0x1] =	stream.strided.gather [hbm4b:s1+s10], $0x1000, s9, s10, $0x38;
	[tilespmem:$0x10600] =	vst v63  }
0x4a: {  	s1 =	spop (v2sf)  }
0x4b: {  	[tilespmem:s22], [sflag:$0x1] =	stream.strided.gather [hbm4b:s1+s10], $0x1000, s9, s10, $0x38;
	[tilespmem:$0x10600] =	vst v63  }
0x4c: {  	s1 =	spop (v2sf)  }
0x4d: {  	[tilespmem:s23], [sflag:$0x1] =	stream.strided.gather [hbm4b:s1+s10], $0x1000, s9, s10, $0x38;
	[tilespmem:$0x10600] =	vst v63  }
0x4e: {  	s1 =	spop (v2sf)  }
0x4f: {  	[tilespmem:s24], [sflag:$0x1] =	stream.strided.gather [hbm4b:s1+s10], $0x1000, s9, s10, $0x38;
	[tilespmem:$0x10600] =	vst v63  }
0x50: {  	s1 =	spop (v2sf)  }
0x51: {  	[tilespmem:s25], [sflag:$0x1] =	stream.strided.gather [hbm4b:s1+s10], $0x1000, s9, s10, $0x38;
	[tilespmem:$0x10600] =	vst v63  }
0x52: {  	v56 =	vld [tilespmem:$0x1FFF0];
	_ =	swait.ge [sflag:s26], $0x1000  }
0x53: {  	[sflag:s26] =	ssyncset.done $0x0  }
0x54: {  	[sflag:s26] =	ssyncadd.s32 $0xFFFFF000  }
0x55: {  	_ =	swait.ge [sflag:s26], $0x1000  }
0x56: {  	[sflag:s26] =	ssyncset.done $0x0  }
0x57: {  	[sflag:s26] =	ssyncadd.s32 $0xFFFFF000  }
0x58: {  	_ =	swait.ge [sflag:s26], $0x1000  }
0x59: {  	[sflag:s26] =	ssyncset.done $0x0  }
0x5a: {  	[sflag:s26] =	ssyncadd.s32 $0xFFFFF000  }
0x5b: {  	_ =	swait.ge [sflag:s26], $0x1000  }
0x5c: {  	[sflag:s26] =	ssyncset.done $0x0  }
0x5d: {  	[sflag:s26] =	ssyncadd.s32 $0xFFFFF000  }
0x5e: {  	_ =	swait.ge [sflag:s26], $0x1000  }
0x5f: {  	[sflag:s26] =	ssyncset.done $0x0  }
0x60: {  	[sflag:s26] =	ssyncadd.s32 $0xFFFFF000  }
0x61: {  	_ =	swait.ge [sflag:s26], $0x1000  }
0x62: {  	[sflag:s26] =	ssyncset.done $0x0  }
0x63: {  	[sflag:s26] =	ssyncadd.s32 $0xFFFFF000  }
0x64: {  	_ =	swait.ge [sflag:s26], $0x1000  }
0x65: {  	[sflag:s26] =	ssyncset.done $0x0  }
0x66: {  	[sflag:s26] =	ssyncadd.s32 $0xFFFFF000  }
0x67: {  	_ =	swait.ge [sflag:s26], $0x1000  }
0x68: {  	[sflag:s26] =	ssyncset.done $0x0  }
0x69: {  	[sflag:s26] =	ssyncadd.s32 $0xFFFFF000  }
0x6a: {  	_ =	swait.ge [sflag:s26], $0x1000  }
0x6b: {  	[sflag:s26] =	ssyncset.done $0x0  }
0x6c: {  	[sflag:s26] =	ssyncadd.s32 $0xFFFFF000  }
0x6d: {  	_ =	swait.ge [sflag:s26], $0x1000  }
0x6e: {  	[sflag:s26] =	ssyncset.done $0x0  }
0x6f: {  	[sflag:s26] =	ssyncadd.s32 $0xFFFFF000  }
0x70: {  	_ =	swait.ge [sflag:s26], $0x1000  }
0x71: {  	[sflag:s26] =	ssyncset.done $0x0  }
0x72: {  	[sflag:s26] =	ssyncadd.s32 $0xFFFFF000  }
0x73: {  	_ =	swait.ge [sflag:s26], $0x1000  }
0x74: {  	[sflag:s26] =	ssyncset.done $0x0  }
0x75: {  	[sflag:s26] =	ssyncadd.s32 $0xFFFFF000  }
0x76: {  	_ =	swait.ge [sflag:s26], $0x1000  }
0x77: {  	[sflag:s26] =	ssyncset.done $0x0  }
0x78: {  	[sflag:s26] =	ssyncadd.s32 $0xFFFFF000  }
0x79: {  	_ =	swait.ge [sflag:s26], $0x1000  }
0x7a: {  	v17 =	vsub.s32 v17, v57;
	[sflag:s26] =	ssyncset.done $0x0  }
0x7b: {  	v22 =	vbroadcast v17, $0x0;
	[sflag:s26] =	ssyncadd.s32 $0xFFFFF000  }
0x7c: {  	v18 =	vsub.s32 v18, v21;
	_ =	swait.ge [sflag:s26], $0x1000  }
0x7d: {  	v21 =	vbroadcast v18, $0x0;
	v23 =	vadd.s32 v0, v22;
	[sflag:s26] =	ssyncset.done $0x0  }
0x7e: {  	v22 =	vadd.s32 v2, v22;
	[sflag:s26] =	ssyncadd.s32 $0xFFFFF000  }
0x7f: {  	v25 =	vbroadcast v17, $0x1;
	v24 =	vadd.s32 v0, v21;
	_ =	swait.ge [sflag:s26], $0x1000  }
0x80: {  	v21 =	vadd.s32 v2, v21;
	[sflag:s26] =	ssyncset.done $0x0  }
0x81: {  	v26 =	vbroadcast v18, $0x1;
	v27 =	vadd.s32 v3, v25;
	[sflag:s26] =	ssyncadd.s32 $0xFFFFF000  }
0x82: {  	v25 =	vadd.s32 v4, v25;
	v23 =	vld.idx.msk [tilespmem:v23+s10+$0x0], $0xffff  }
0x83: {  	v29 =	vbroadcast v17, $0x2;
	v28 =	vadd.s32 v3, v26;
	v22 =	vld.idx.msk [tilespmem:v22+s10+$0x0], $0xffff  }
0x84: {  	v26 =	vadd.s32 v4, v26;
	v24 =	vld.idx.msk [tilespmem:v24+s11+$0x0], $0xffff  }
0x85: {  	v30 =	vbroadcast v18, $0x2;
	v31 =	vadd.s32 v5, v29;
	v21 =	vld.idx.msk [tilespmem:v21+s11+$0x0], $0xffff  }
0x86: {  	v29 =	vadd.s32 v6, v29;
	v27 =	vld.idx.msk [tilespmem:v27+s10+$0x0], $0xffff  }
0x87: {  	v33 =	vbroadcast v17, $0x3;
	v32 =	vadd.s32 v5, v30;
	v25 =	vld.idx.msk [tilespmem:v25+s10+$0x0], $0xffff  }
0x88: {  	v30 =	vadd.s32 v6, v30;
	v28 =	vld.idx.msk [tilespmem:v28+s11+$0x0], $0xffff  }
0x89: {  	v34 =	vbroadcast v18, $0x3;
	v35 =	vadd.s32 v7, v33;
	v26 =	vld.idx.msk [tilespmem:v26+s11+$0x0], $0xffff  }
0x8a: {  	v33 =	vadd.s32 v8, v33;
	v31 =	vld.idx.msk [tilespmem:v31+s10+$0x0], $0xffff  }
0x8b: {  	v37 =	vbroadcast v17, $0x4;
	v36 =	vadd.s32 v7, v34;
	v29 =	vld.idx.msk [tilespmem:v29+s10+$0x0], $0xffff  }
0x8c: {  	v34 =	vadd.s32 v8, v34;
	v32 =	vld.idx.msk [tilespmem:v32+s11+$0x0], $0xffff  }
0x8d: {  	v38 =	vbroadcast v18, $0x4;
	v39 =	vadd.s32 v9, v37;
	v30 =	vld.idx.msk [tilespmem:v30+s11+$0x0], $0xffff  }
0x8e: {  	v37 =	vadd.s32 v10, v37;
	v35 =	vld.idx.msk [tilespmem:v35+s10+$0x0], $0xffff  }
0x8f: {  	v41 =	vbroadcast v17, $0x5;
	v40 =	vadd.s32 v9, v38;
	v33 =	vld.idx.msk [tilespmem:v33+s10+$0x0], $0xffff  }
0x90: {  	v38 =	vadd.s32 v10, v38;
	v36 =	vld.idx.msk [tilespmem:v36+s11+$0x0], $0xffff  }
0x91: {  	v42 =	vbroadcast v18, $0x5;
	v43 =	vadd.s32 v11, v41;
	(v2sf) =	vpush v58, $0x8;
	v34 =	vld.idx.msk [tilespmem:v34+s11+$0x0], $0xffff  }
0x92: {  	v41 =	vadd.s32 v12, v41;
	v39 =	vld.idx.msk [tilespmem:v39+s10+$0x0], $0xffff  }
0x93: {  	v45 =	vbroadcast v17, $0x6;
	v44 =	vadd.s32 v11, v42;
	(v2sf) =	vpush v19, $0x8;
	v37 =	vld.idx.msk [tilespmem:v37+s10+$0x0], $0xffff  }
0x94: {  	v42 =	vadd.s32 v12, v42;
	v40 =	vld.idx.msk [tilespmem:v40+s11+$0x0], $0xffff  }
0x95: {  	v46 =	vbroadcast v18, $0x6;
	v47 =	vadd.s32 v13, v45;
	v38 =	vld.idx.msk [tilespmem:v38+s11+$0x0], $0xffff;
	(v2sf) =	vpush v58, $0x9  }
0x96: {  	v45 =	vadd.s32 v14, v45;
	v43 =	vld.idx.msk [tilespmem:v43+s10+$0x0], $0xffff  }
0x97: {  	v49 =	vbroadcast v17, $0x7;
	v48 =	vadd.s32 v13, v46;
	v41 =	vld.idx.msk [tilespmem:v41+s10+$0x0], $0xffff;
	(v2sf) =	vpush v19, $0x9  }
0x98: {  	v46 =	vadd.s32 v14, v46;
	v44 =	vld.idx.msk [tilespmem:v44+s11+$0x0], $0xffff  }
0x99: {  	v50 =	vbroadcast v18, $0x7;
	v51 =	vadd.s32 v15, v49;
	v42 =	vld.idx.msk [tilespmem:v42+s11+$0x0], $0xffff;
	(v2sf) =	vpush v58, $0xA  }
0x9a: {  	v49 =	vadd.s32 v16, v49;
	v47 =	vld.idx.msk [tilespmem:v47+s10+$0x0], $0xffff  }
0x9b: {  	v52 =	vadd.s32 v15, v50;
	v45 =	vld.idx.msk [tilespmem:v45+s10+$0x0], $0xffff;
	(v2sf) =	vpush v19, $0xA  }
0x9c: {  	v50 =	vadd.s32 v16, v50;
	v48 =	vld.idx.msk [tilespmem:v48+s11+$0x0], $0xffff  }
0x9d: {  	v46 =	vld.idx.msk [tilespmem:v46+s11+$0x0], $0xffff;
	(v2sf) =	vpush v58, $0xB  }
0x9e: {  	v51 =	vld.idx.msk [tilespmem:v51+s10+$0x0], $0xffff  }
0x9f: {  	v49 =	vld.idx.msk [tilespmem:v49+s10+$0x0], $0xffff;
	(v2sf) =	vpush v19, $0xB  }
0xa0: {  	v52 =	vld.idx.msk [tilespmem:v52+s11+$0x0], $0xffff;
	s1 =	spop (v2sf)  }
0xa1: {  	v50 =	vld.idx.msk [tilespmem:v50+s11+$0x0], $0xffff;
	(v2sf) =	vpush v58, $0xC;
	[tilespmem:s10], [sflag:$0x1] =	stream.strided.gather [hbm4b:s1+s10], $0x1000, s9, s10, $0x38  }
0xa2: {  	v23 =	vmul.f32 v24, v23;
	v21 =	vmul.f32 v21, v22;
	s1 =	spop (v2sf)  }
0xa3: {  	(v2sf) =	vpush v19, $0xC;
	[tilespmem:s11], [sflag:$0x1] =	stream.strided.gather [hbm4b:s1+s10], $0x1000, s9, s10, $0x38;
	[tilespmem:$0x10600] =	vst v63  }
0xa4: {  	v59 =	vmul.f32 v28, v27;
	v60 =	vmul.f32 v26, v25;
	v21 =	vadd.f32 v21, v23;
	s1 =	spop (v2sf)  }
0xa5: {  	(v2sf) =	vpush v58, $0xD;
	[tilespmem:s12], [sflag:$0x1] =	stream.strided.gather [hbm4b:s1+s10], $0x1000, s9, s10, $0x38;
	[tilespmem:$0x10600] =	vst v63  }
0xa6: {  	v62 =	vmul.f32 v32, v31;
	v63 =	vmul.f32 v30, v29;
	v61 =	vadd.f32 v60, v59;
	(xrf2) =	vadd.scan.msk.f32 $0xffff, v21;
	s1 =	spop (v2sf)  }
0xa7: {  	(v2sf) =	vpush v19, $0xD;
	[tilespmem:s13], [sflag:$0x1] =	stream.strided.gather [hbm4b:s1+s10], $0x1000, s9, s10, $0x38;
	[tilespmem:$0x10600] =	vst v63  }
0xa8: {  	v25 =	vmul.f32 v36, v35;
	v26 =	vmul.f32 v34, v33;
	v24 =	vadd.f32 v63, v62;
	(xrf2) =	vadd.scan.msk.f32 $0xffff, v61;
	s1 =	spop (v2sf)  }
0xa9: {  	(v2sf) =	vpush v58, $0xE;
	[tilespmem:s14], [sflag:$0x1] =	stream.strided.gather [hbm4b:s1+s10], $0x1000, s9, s10, $0x38;
	[tilespmem:$0x10600] =	vst v63  }
0xaa: {  	v28 =	vmul.f32 v40, v39;
	v29 =	vmul.f32 v38, v37;
	v27 =	vadd.f32 v26, v25;
	(xrf2) =	vadd.scan.msk.f32 $0xffff, v24;
	s1 =	spop (v2sf)  }
0xab: {  	(v2sf) =	vpush v19, $0xE;
	[tilespmem:s15], [sflag:$0x1] =	stream.strided.gather [hbm4b:s1+s10], $0x1000, s9, s10, $0x38;
	[tilespmem:$0x10600] =	vst v63  }
0xac: {  	v31 =	vmul.f32 v44, v43;
	v32 =	vmul.f32 v42, v41;
	v30 =	vadd.f32 v29, v28;
	(xrf2) =	vadd.scan.msk.f32 $0xffff, v27;
	s1 =	spop (v2sf)  }
0xad: {  	(v2sf) =	vpush v58, $0xF;
	[tilespmem:s16], [sflag:$0x1] =	stream.strided.gather [hbm4b:s1+s10], $0x1000, s9, s10, $0x38;
	[tilespmem:$0x10600] =	vst v63  }
0xae: {  	v34 =	vmul.f32 v48, v47;
	v35 =	vmul.f32 v46, v45;
	v33 =	vadd.f32 v32, v31;
	(xrf2) =	vadd.scan.msk.f32 $0xffff, v30;
	s1 =	spop (v2sf)  }
0xaf: {  	(v2sf) =	vpush v19, $0xF;
	[tilespmem:s17], [sflag:$0x1] =	stream.strided.gather [hbm4b:s1+s10], $0x1000, s9, s10, $0x38;
	[tilespmem:$0x10600] =	vst v63  }
0xb0: {  	v36 =	vmul.f32 v52, v51;
	v37 =	vmul.f32 v50, v49;
	(xrf2) =	vadd.scan.msk.f32 $0xffff, v33;
	v19 =	vadd.f32 v35, v34;
	s1 =	spop (v2sf)  }
0xb1: {  	[tilespmem:s18], [sflag:$0x1] =	stream.strided.gather [hbm4b:s1+s10], $0x1000, s9, s10, $0x38;
	[tilespmem:$0x10600] =	vst v63  }
0xb2: {  	(xrf2) =	vadd.scan.msk.f32 $0xffff, v19;
	v19 =	vadd.f32 v37, v36;
	s1 =	spop (v2sf)  }
0xb3: {  	[tilespmem:s19], [sflag:$0x1] =	stream.strided.gather [hbm4b:s1+s10], $0x1000, s9, s10, $0x38;
	[tilespmem:$0x10600] =	vst v63  }
0xb4: {  	(xrf2) =	vadd.scan.msk.f32 $0xffff, v19;
	s1 =	spop (v2sf)  }
0xb5: {  	[tilespmem:s20], [sflag:$0x1] =	stream.strided.gather [hbm4b:s1+s10], $0x1000, s9, s10, $0x38;
	[tilespmem:$0x10600] =	vst v63  }
0xb6: {  	s1 =	spop (v2sf)  }
0xb7: {  	[tilespmem:s21], [sflag:$0x1] =	stream.strided.gather [hbm4b:s1+s10], $0x1000, s9, s10, $0x38;
	[tilespmem:$0x10600] =	vst v63  }
0xb8: {  	v24, _, _ =	vpop (xrf2);
	s1 =	spop (v2sf)  }
0xb9: {  	v25, _, _ =	vpop (xrf2);
	[tilespmem:s22], [sflag:$0x1] =	stream.strided.gather [hbm4b:s1+s10], $0x1000, s9, s10, $0x38;
	[tilespmem:$0x10600] =	vst v63  }
0xba: {  	v26, _, _ =	vpop (xrf2);
	s1 =	spop (v2sf)  }
0xbb: {  	v22, _, _ =	vpop (xrf2);
	[tilespmem:s23], [sflag:$0x1] =	stream.strided.gather [hbm4b:s1+s10], $0x1000, s9, s10, $0x38;
	[tilespmem:$0x10600] =	vst v63  }
0xbc: {  	v23, _, _ =	vpop (xrf2);
	s1 =	spop (v2sf)  }
0xbd: {  	v20, _, _ =	vpop (xrf2);
	[tilespmem:s24], [sflag:$0x1] =	stream.strided.gather [hbm4b:s1+s10], $0x1000, s9, s10, $0x38;
	[tilespmem:$0x10600] =	vst v63  }
0xbe: {  	v21, _, _ =	vpop (xrf2);
	s1 =	spop (v2sf)  }
0xbf: {  	v19, _, _ =	vpop (xrf2);
	[tilespmem:s25], [sflag:$0x1] =	stream.strided.gather [hbm4b:s1+s10], $0x1000, s9, s10, $0x38;
	[tilespmem:$0x10600] =	vst v63  }
0xc0: {  	_ =	swait.ge [sflag:s26], $0x1000  }
0xc1: {  	[sflag:s26] =	ssyncset.done $0x0  }
0xc2: {  	[sflag:s26] =	ssyncadd.s32 $0xFFFFF000  }
0xc3: {  	_ =	swait.ge [sflag:s26], $0x1000  }
0xc4: {  	[sflag:s26] =	ssyncset.done $0x0  }
0xc5: {  	[sflag:s26] =	ssyncadd.s32 $0xFFFFF000  }
0xc6: {  	_ =	swait.ge [sflag:s26], $0x1000  }
0xc7: {  	[sflag:s26] =	ssyncset.done $0x0  }
0xc8: {  	[sflag:s26] =	ssyncadd.s32 $0xFFFFF000  }
0xc9: {  	_ =	swait.ge [sflag:s26], $0x1000  }
0xca: {  	[sflag:s26] =	ssyncset.done $0x0  }
0xcb: {  	[sflag:s26] =	ssyncadd.s32 $0xFFFFF000  }
0xcc: {  	_ =	swait.ge [sflag:s26], $0x1000  }
0xcd: {  	[sflag:s26] =	ssyncset.done $0x0  }
0xce: {  	[sflag:s26] =	ssyncadd.s32 $0xFFFFF000  }
0xcf: {  	_ =	swait.ge [sflag:s26], $0x1000  }
0xd0: {  	[sflag:s26] =	ssyncset.done $0x0  }
0xd1: {  	[sflag:s26] =	ssyncadd.s32 $0xFFFFF000  }
0xd2: {  	_ =	swait.ge [sflag:s26], $0x1000  }
0xd3: {  	[sflag:s26] =	ssyncset.done $0x0  }
0xd4: {  	[sflag:s26] =	ssyncadd.s32 $0xFFFFF000  }
0xd5: {  	_ =	swait.ge [sflag:s26], $0x1000  }
0xd6: {  	[sflag:s26] =	ssyncset.done $0x0  }
0xd7: {  	[sflag:s26] =	ssyncadd.s32 $0xFFFFF000  }
0xd8: {  	_ =	swait.ge [sflag:s26], $0x1000  }
0xd9: {  	[sflag:s26] =	ssyncset.done $0x0  }
0xda: {  	[sflag:s26] =	ssyncadd.s32 $0xFFFFF000  }
0xdb: {  	_ =	swait.ge [sflag:s26], $0x1000  }
0xdc: {  	[sflag:s26] =	ssyncset.done $0x0  }
0xdd: {  	[sflag:s26] =	ssyncadd.s32 $0xFFFFF000  }
0xde: {  	_ =	swait.ge [sflag:s26], $0x1000  }
0xdf: {  	[sflag:s26] =	ssyncset.done $0x0  }
0xe0: {  	[sflag:s26] =	ssyncadd.s32 $0xFFFFF000  }
0xe1: {  	_ =	swait.ge [sflag:s26], $0x1000  }
0xe2: {  	[sflag:s26] =	ssyncset.done $0x0  }
0xe3: {  	[sflag:s26] =	ssyncadd.s32 $0xFFFFF000  }
0xe4: {  	_ =	swait.ge [sflag:s26], $0x1000  }
0xe5: {  	[sflag:s26] =	ssyncset.done $0x0  }
0xe6: {  	[sflag:s26] =	ssyncadd.s32 $0xFFFFF000  }
0xe7: {  	_ =	swait.ge [sflag:s26], $0x1000  }
0xe8: {  	[sflag:s26] =	ssyncset.done $0x0  }
0xe9: {  	v38 =	vbroadcast v17, $0x8;
	[sflag:s26] =	ssyncadd.s32 $0xFFFFF000  }
0xea: {  	_ =	swait.ge [sflag:s26], $0x1000  }
0xeb: {  	v39 =	vbroadcast v18, $0x8;
	v40 =	vadd.s32 v0, v38;
	[sflag:s26] =	ssyncset.done $0x0  }
0xec: {  	v27 =	vadd.s32 v2, v38;
	[sflag:s26] =	ssyncadd.s32 $0xFFFFF000  }
0xed: {  	v42 =	vbroadcast v17, $0x9;
	v41 =	vadd.s32 v0, v39;
	_ =	swait.ge [sflag:s26], $0x1000  }
0xee: {  	v28 =	vadd.s32 v2, v39;
	[sflag:s26] =	ssyncset.done $0x0  }
0xef: {  	v43 =	vbroadcast v18, $0x9;
	v44 =	vadd.s32 v3, v42;
	[sflag:s26] =	ssyncadd.s32 $0xFFFFF000  }
0xf0: {  	vm0 =	vmmov vm1;
	v31 =	vadd.s32 v4, v42;
	v29 =	vld.idx.msk [tilespmem:v40+s10+$0x0], $0xffff  }
0xf1: {  	vm1 =	vmmov vm2;
	v46 =	vbroadcast v17, $0xA;
	v45 =	vadd.s32 v3, v43;
	v27 =	vld.idx.msk [tilespmem:v27+s10+$0x0], $0xffff  }
0xf2: {  	vm2 =	vmmov vm3;
	vm3 =	vmmov vm4;
	v32 =	vadd.s32 v4, v43;
	v30 =	vld.idx.msk [tilespmem:v41+s11+$0x0], $0xffff  }
0xf3: {  	vm4 =	vmmov vm5;
	v47 =	vbroadcast v18, $0xA;
	v48 =	vadd.s32 v5, v46;
	v28 =	vld.idx.msk [tilespmem:v28+s11+$0x0], $0xffff  }
0xf4: {  	vm5 =	vmmov vm6;
	vm6 =	vmmov vm7;
	v35 =	vadd.s32 v6, v46;
	v33 =	vld.idx.msk [tilespmem:v44+s10+$0x0], $0xffff  }
0xf5: {  	vm7 =	vmmov vm8;
	v50 =	vbroadcast v17, $0xB;
	v49 =	vadd.s32 v5, v47;
	v31 =	vld.idx.msk [tilespmem:v31+s10+$0x0], $0xffff  }
0xf6: {  	vm8 =	vmmov vm9;
	vm9 =	vmmov vm10;
	v36 =	vadd.s32 v6, v47;
	v34 =	vld.idx.msk [tilespmem:v45+s11+$0x0], $0xffff  }
0xf7: {  	vm10 =	vmmov vm11;
	v51 =	vbroadcast v18, $0xB;
	v52 =	vadd.s32 v7, v50;
	v32 =	vld.idx.msk [tilespmem:v32+s11+$0x0], $0xffff  }
0xf8: {  	vm11 =	vmmov vm12;
	v54 =	vbroadcast v17, $0xC;
	v39 =	vadd.s32 v8, v50;
	v37 =	vld.idx.msk [tilespmem:v48+s10+$0x0], $0xffff  }
0xf9: {  	vm12 =	vmmov vm13;
	vm13 =	vmmov vm14;
	v53 =	vadd.s32 v7, v51;
	v35 =	vld.idx.msk [tilespmem:v35+s10+$0x0], $0xffff  }
0xfa: {  	vm14 =	vnez.u8 v56;
	v55 =	vbroadcast v18, $0xC;
	v56 =	vadd.s32 v9, v54;
	v38 =	vld.idx.msk [tilespmem:v49+s11+$0x0], $0xffff  }
0xfb: {  	v43 =	vadd.s32 v10, v54;
	v58 =	vbroadcast v17, $0xD;
	v36 =	vld.idx.msk [tilespmem:v36+s11+$0x0], $0xffff  }
0xfc: {  	v57 =	vadd.s32 v9, v55;
	v41 =	vld.idx.msk [tilespmem:v52+s10+$0x0], $0xffff  }
0xfd: {  	v59 =	vbroadcast v18, $0xD;
	v60 =	vadd.s32 v11, v58;
	v39 =	vld.idx.msk [tilespmem:v39+s10+$0x0], $0xffff  }
0xfe: {  	v63 =	vbroadcast v18, $0xE;
	v47 =	vadd.s32 v12, v58;
	v42 =	vld.idx.msk [tilespmem:v53+s11+$0x0], $0xffff  }
0xff: {  	v61 =	vadd.s32 v11, v59;
	v45 =	vld.idx.msk [tilespmem:v56+s10+$0x0], $0xffff  }
0x100: {  	v54 =	vadd.s32 v13, v63;
	v43 =	vld.idx.msk [tilespmem:v43+s10+$0x0], $0xffff  }
0x101: {  	v40 =	vadd.s32 v8, v51;
	v46 =	vld.idx.msk [tilespmem:v57+s11+$0x0], $0xffff  }
0x102: {  	v62 =	vbroadcast v17, $0xE;
	v44 =	vadd.s32 v10, v55;
	v49 =	vld.idx.msk [tilespmem:v60+s10+$0x0], $0xffff  }
0x103: {  	v48 =	vadd.s32 v12, v59;
	v47 =	vld.idx.msk [tilespmem:v47+s10+$0x0], $0xffff  }
0x104: {  	v53 =	vadd.s32 v13, v62;
	v50 =	vld.idx.msk [tilespmem:v61+s11+$0x0], $0xffff  }
0x105: {  	v17 =	vbroadcast v17, $0xF;
	v51 =	vadd.s32 v14, v62;
	v57 =	vld.idx.msk [tilespmem:v54+s11+$0x0], $0xffff  }
0x106: {  	v18 =	vbroadcast v18, $0xF;
	v52 =	vadd.s32 v14, v63;
	v40 =	vld.idx.msk [tilespmem:v40+s11+$0x0], $0xffff  }
0x107: {  	v55 =	vadd.s32 v15, v17;
	v44 =	vld.idx.msk [tilespmem:v44+s11+$0x0], $0xffff  }
0x108: {  	v56 =	vadd.s32 v15, v18;
	v48 =	vld.idx.msk [tilespmem:v48+s11+$0x0], $0xffff  }
0x109: {  	v17 =	vadd.s32 v16, v17;
	v53 =	vld.idx.msk [tilespmem:v53+s10+$0x0], $0xffff  }
0x10a: {  	v18 =	vadd.s32 v16, v18;
	v27 =	vmul.f32 v28, v27;
	v28 =	vld.idx.msk [tilespmem:v51+s10+$0x0], $0xffff  }
0x10b: {  	v58 =	vld.idx.msk [tilespmem:v52+s11+$0x0], $0xffff  }
0x10c: {  	v29 =	vmul.f32 v30, v29;
	v59 =	vld.idx.msk [tilespmem:v55+s10+$0x0], $0xffff  }
0x10d: {  	v33 =	vmul.f32 v34, v33;
	v31 =	vmul.f32 v32, v31;
	v62 =	vld.idx.msk [tilespmem:v56+s11+$0x0], $0xffff  }
0x10e: {  	v60 =	vmul.f32 v38, v37;
	v61 =	vmul.f32 v36, v35;
	v17 =	vld.idx.msk [tilespmem:v17+s10+$0x0], $0xffff;
	v27 =	vadd.f32 v27, v29  }
0x10f: {  	v63 =	vmul.f32 v42, v41;
	v18 =	vld.idx.msk [tilespmem:v18+s11+$0x0], $0xffff;
	v31 =	vadd.f32 v31, v33;
	v41 =	vmul.f32 v40, v39  }
0x110: {  	v42 =	vmul.f32 v46, v45;
	(xrf2) =	vadd.scan.msk.f32 $0xffff, v27;
	v27 =	vadd.f32 v61, v60;
	v45 =	vmul.f32 v44, v43  }
0x111: {  	v51 =	vmul.f32 v50, v49;
	(xrf2) =	vadd.scan.msk.f32 $0xffff, v31;
	v52 =	vmul.f32 v48, v47;
	v46 =	vadd.f32 v41, v63  }
0x112: {  	v30 =	vmul.f32 v57, v53;
	v28 =	vmul.f32 v58, v28;
	(xrf2) =	vadd.scan.msk.f32 $0xffff, v27;
	v54 =	vadd.f32 v45, v42  }
0x113: {  	v24 =	vbroadcast v24, $0xF;
	v25 =	vbroadcast v25, $0xF;
	v55 =	vadd.f32 v52, v51;
	(xrf2) =	vadd.scan.msk.f32 $0xffff, v46  }
0x114: {  	v56 =	vmul.f32 v62, v59;
	v17 =	vmul.f32 v18, v17;
	v57 =	vadd.f32 v28, v30;
	(xrf2) =	vadd.scan.msk.f32 $0xffff, v54  }
0x115: {  	v18 =	vbroadcast v26, $0xF;
	(xrf2) =	vadd.scan.msk.f32 $0xffff, v55  }
0x116: {  	v24 =	vsel vm0, v24, v25;
	v22 =	vbroadcast v22, $0xF;
	v17 =	vadd.f32 v17, v56;
	(xrf2) =	vadd.scan.msk.f32 $0xffff, v57  }
0x117: {  	v23 =	vbroadcast v23, $0xF;
	v18 =	vsel vm1, v24, v18  }
0x118: {  	v20 =	vbroadcast v20, $0xF;
	v18 =	vsel vm2, v18, v22  }
0x119: {  	v21 =	vbroadcast v21, $0xF;
	v18 =	vsel vm3, v18, v23  }
0x11a: {  	v19 =	vbroadcast v19, $0xF;
	v18 =	vsel vm4, v18, v20;
	(xrf2) =	vadd.scan.msk.f32 $0xffff, v17;
	v17, _, _ =	vpop (xrf2)  }
0x11b: {  	v18 =	vsel vm5, v18, v21;
	v58, _, _ =	vpop (xrf2);
	v17 =	vbroadcast v17, $0xF  }
0x11c: {  	v18 =	vsel vm6, v18, v19;
	v59, _, _ =	vpop (xrf2);
	v19 =	vbroadcast v58, $0xF  }
0x11d: {  	v17 =	vsel vm7, v18, v17;
	v18 =	vbroadcast v59, $0xF;
	v60, _, _ =	vpop (xrf2)  }
0x11e: {  	v17 =	vsel vm8, v17, v19;
	v61, _, _ =	vpop (xrf2);
	v19 =	vbroadcast v60, $0xF  }
0x11f: {  	v17 =	vsel vm9, v17, v18;
	v62, _, _ =	vpop (xrf2);
	v18 =	vbroadcast v61, $0xF  }
0x120: {  	v63, _, _ =	vpop (xrf2);
	v17 =	vsel vm10, v17, v19  }
0x121: {  	v17 =	vsel vm11, v17, v18;
	v18 =	vbroadcast v63, $0xF  }
0x122: {  	p0 =	sne.s32 s30, $0x7C0;
	v19 =	vbroadcast v62, $0xF  }
.Ltmp0:
0x123: {  	_ = 	snop;
	(pc) =	sbr.rel @p0 .LBB2_2-.Ltmp0, $4  }
0x124: {  	v17 =	vsel vm12, v17, v19  }
0x125: {  	v17 =	vsel vm13, v17, v18;
	v18, _, _ =	vpop (xrf2)  }
0x126: {  	v17 =	vsel vm14, v17, v18  }
0x127: {  	s30 =	sadd.s32 $0x40, s30;
	[tilespmem:s31+$0x10400] =	vst v17  }
0x128: {  	s29 =	sadd.s32 $0x1, s29  }
0x129: {  	p0 =	sne.s32 s29, s6  }
.Ltmp1:
0x12a: {  	_ = 	snop;
	(pc) =	sbr.rel @p0 .LBB2_1-.Ltmp1, $4  }
0x12b: {  	[hbm4b:s5+s2] =	stream.linear.scatter [tilespmem:s28], [sflag:$0x2], $0x200, $0x38;
	[tilespmem:$0x10600] =	vst v63  }
0x12c: {  	_ =	swait.ge [sflag:s7], $0x200  }
0x12d: {  	[sflag:s7] =	ssyncset.done $0x0  }
0x12e: {  	[sflag:s7] =	ssyncadd.s32 $0xFFFFFE00  }
0x12f: {  	_ =	sfence.sel $0x180000  }
0x130: {  	[bflag:$0x0] =	sbarrier.arrive $0xFFFF  }
0x131: {  	_ =	strace $0x90000047  }
0x132: {  	s0 =	stileid.u32;
	[bflag:$0x2] =	sbarrier.arrive $0xFFFF  }
0x133: {  	p0 =	sne.s32 s0, $0x0;
	s0 =	rddreg [dreg:$0x5]  }
0x134: {  	s0 =	sadd.s32 @!p0 $0x100000, s0  }
0x135: {  	[sflag:s0] =	ssyncadd.tile.s32 @!p0 $0x1;
	_ =	shalt  }
.Lfunc_end2:
_tile_overlayer_lowered:
.L_overlay_start_2:
0x136: {  	(tag) =	ssettag $0x2  }
0x137: {  	s0 =	rddreg [dreg:$0x0];
	s2 =	stileid.u32  }
0x138: {  	s1 =	rddreg [dreg:$0x1];
	p0 =	sne.s32 s2, $0x0  }
0x139: {  	s3 =	rddreg [dreg:$0x2];
	[bflag:$0x3] =	sbarrier.arrive $0xFFFF;
	s2 =	simm.s32 @!p0 $0x1C02  }
0x13a: {  	[timem:s3], [sflag:s2] =	dma.local @!p0 [hbm:s0], s1  }
0x13b: {  	s0 =	simm.s32 @!p0 $0x2  }
0x13c: {  	_ =	swait.ge @!p0 [sflag:s0], s1  }
0x13d: {  	s1 =	ssub.s32 @!p0 $0x0, s1;
	[sflag:s0] =	ssyncset.done @!p0 $0x0  }
0x13e: {  	[sflag:s0] =	ssyncadd.s32 @!p0 s1  }
0x13f: {  	[bflag:$0x3] =	sbarrier.arrive $0xFFFF  }
0x140: {  	_ =	shalt  }

</sc_bundles>
